<compile_context>
chip_gen: v7x
topology: tpu7x:2x2x1
jax: 0.10.2.dev20260603
libtpu: 0.0.44.dev20260713+nightly
codegen_flags: <defaults>
</compile_context>

<pallas_src>
import functools

import jax
import jax.numpy as jnp
import numpy as np
from jax import lax
from jax.experimental import pallas as pl
from jax.experimental.pallas import tpu as pltpu
from jax.experimental.pallas import tpu_sc as plsc

_VOCAB = 1000000
_D = 32
_B = 16384
_H = 20
_L = 16
_NC, _NS = 2, 16
_NW = _NC * _NS
_BAGS_PER_W = _B // _NW
_ROWS_PER_W = _BAGS_PER_W * _H
_CHUNK = 64
_NCHUNK = _BAGS_PER_W // _CHUNK
_ROWS_PER_CHUNK = _CHUNK * _H
_IDX_COLS = 128
_GATHERS_PER_CHUNK = _ROWS_PER_CHUNK // _IDX_COLS
_IDX_ROWS_PER_W = _ROWS_PER_W // _IDX_COLS
_QDQ_BN = 16384
_QSH = 14
_QSH2 = _QSH - 2


def _quant_mag(z):
    return jnp.where(z > 5.0, 6.0,
           jnp.where(z > 3.5, 4.0,
           jnp.where(z > 2.5, 3.0,
           jnp.where(z > 1.75, 2.0,
           jnp.where(z > 1.25, 1.5,
           jnp.where(z > 0.75, 1.0,
           jnp.where(z > 0.25, 0.5, 0.0)))))))


def _qdq_body(wt_ref, out_ref):
    xb = wt_ref[...]
    row = lax.broadcasted_iota(jnp.int32, xb.shape, 0)
    is0 = row < _L
    ax = jnp.abs(xb)
    m0 = jnp.max(ax[:_L], axis=0, keepdims=True)
    m1 = jnp.max(ax[_L:], axis=0, keepdims=True)
    s0 = jnp.where(m0 > 0, m0 / 6.0, 1.0)
    s1 = jnp.where(m1 > 0, m1 / 6.0, 1.0)
    scale = jnp.where(is0, s0, s1)
    y = xb / scale
    qm = _quant_mag(jnp.abs(y))
    dq = jnp.where(y < 0, -qm, qm) * scale
    bq = _QDQ_BN // 4
    out_ref[...] = jnp.concatenate(
        [dq[:, s * bq:(s + 1) * bq].T for s in range(4)], axis=1)


_qdq_call = pl.pallas_call(
    _qdq_body,
    out_shape=jax.ShapeDtypeStruct(
        (pl.cdiv(_VOCAB, _QDQ_BN) * (_QDQ_BN // 4), 128), jnp.float32),
    grid=(pl.cdiv(_VOCAB, _QDQ_BN),),
    in_specs=[pl.BlockSpec((_D, _QDQ_BN), lambda i: (0, i))],
    out_specs=pl.BlockSpec((_QDQ_BN // 4, 128), lambda i: (i, 0)),
)


def _idx_body(x_ref, out_ref):
    xf = x_ref[...].astype(jnp.float32)
    col = lax.broadcasted_iota(jnp.int32, xf.shape, 1)
    is0 = col < _L
    ax = jnp.abs(xf)
    m0 = jnp.max(jnp.where(is0, ax, 0.0), axis=1, keepdims=True)
    m1 = jnp.max(jnp.where(is0, 0.0, ax), axis=1, keepdims=True)
    amax = jnp.where(is0, m0, m1)
    scale = jnp.where(amax > 0, amax / 6.0, 1.0)
    y = xf / scale
    qm = _quant_mag(jnp.abs(y))
    dq = jnp.where(y < 0, -qm, qm) * scale
    r = lax.round(dq, lax.RoundingMethod.TO_NEAREST_EVEN)
    out_ref[...] = jnp.clip(r, 0.0, float(_VOCAB - 1)).astype(jnp.int32)


_idx_call = pl.pallas_call(
    _idx_body,
    out_shape=jax.ShapeDtypeStruct((_B, _H), jnp.int32),
    grid=(16,),
    in_specs=[pl.BlockSpec((_B // 16, _H), lambda i: (i, 0))],
    out_specs=pl.BlockSpec((_B // 16, _H), lambda i: (i, 0)),
)


def _sc_body(idx_hbm, table_hbm, out_hbm, idx_v, buf_a, buf_b, out_v,
             sem_a, sem_b):
    wid = lax.axis_index("s") * _NC + lax.axis_index("c")
    pltpu.sync_copy(idx_hbm.at[pl.ds(wid * _IDX_ROWS_PER_W, _IDX_ROWS_PER_W)],
                    idx_v)

    def prep_body(r, carry):
        for c8 in range(_IDX_COLS // _L):
            v = idx_v[r, pl.ds(c8 * _L, _L)]
            idx_v[r, pl.ds(c8 * _L, _L)] = (
                ((v >> _QSH) << _QSH)
                | ((v & (_QDQ_BN // 4 - 1)) << 2) | ((v >> _QSH2) & 3))
        return carry

    lax.fori_loop(0, _IDX_ROWS_PER_W, prep_body, 0)

    def fire(c, buf, sem):
        for g in range(_GATHERS_PER_CHUNK):
            pltpu.async_copy(
                table_hbm.at[idx_v.at[c * _GATHERS_PER_CHUNK + g]],
                buf.at[pl.ds(g * _IDX_COLS, _IDX_COLS)], sem)

    def drain(buf, sem):
        for g in range(_GATHERS_PER_CHUNK):
            pltpu.make_async_copy(
                table_hbm.at[idx_v.at[g]],
                buf.at[pl.ds(g * _IDX_COLS, _IDX_COLS)], sem).wait()

    def compute(c, buf):
        def bag_body(b, carry):
            r0 = b * _H
            p0 = [jnp.zeros((_L,), jnp.float32) for _ in range(4)]
            p1 = [jnp.zeros((_L,), jnp.float32) for _ in range(4)]
            for k in range(_H):
                p0[k & 3] = p0[k & 3] + buf[r0 + k, pl.ds(0, _L)]
                p1[k & 3] = p1[k & 3] + buf[r0 + k, pl.ds(_L, _L)]
            acc0 = (p0[0] + p0[1]) + (p0[2] + p0[3])
            acc1 = (p1[0] + p1[1]) + (p1[2] + p1[3])
            out_v[b, pl.ds(0, _L)] = acc0 / float(_H)
            out_v[b, pl.ds(_L, _L)] = acc1 / float(_H)
            return carry

        lax.fori_loop(0, _CHUNK, bag_body, 0)
        pltpu.sync_copy(
            out_v,
            out_hbm.at[pl.ds(wid * _BAGS_PER_W + c * _CHUNK, _CHUNK)])

    fire(0, buf_a, sem_a)

    def pair_body(i, carry):
        ca = i * 2
        fire(ca + 1, buf_b, sem_b)
        drain(buf_a, sem_a)
        compute(ca, buf_a)

        @pl.when(i < _NCHUNK // 2 - 1)
        def _():
            fire(ca + 2, buf_a, sem_a)

        drain(buf_b, sem_b)
        compute(ca + 1, buf_b)
        return carry

    lax.fori_loop(0, _NCHUNK // 2, pair_body, 0)


@functools.cache
def _sc_call():
    return pl.kernel(
        _sc_body,
        out_type=jax.ShapeDtypeStruct((_B, _D), jnp.float32),
        mesh=plsc.VectorSubcoreMesh(core_axis_name="c", subcore_axis_name="s"),
        compiler_params=pltpu.CompilerParams(use_tc_tiling_on_sc=False),
        scratch_types=[
            pltpu.VMEM((_IDX_ROWS_PER_W, _IDX_COLS), jnp.int32),
            pltpu.VMEM((_ROWS_PER_CHUNK, _D), jnp.float32),
            pltpu.VMEM((_ROWS_PER_CHUNK, _D), jnp.float32),
            pltpu.VMEM((_CHUNK, _D), jnp.float32),
            pltpu.SemaphoreType.DMA,
            pltpu.SemaphoreType.DMA,
        ],
    )


def kernel(x, weight):
    x = x.astype(jnp.int32)
    packed = _qdq_call(weight.T)
    qdqw = packed.reshape(packed.shape[0] * 4, _D)
    idx = _idx_call(x)
    idx2d = idx.reshape(_B * _H // _IDX_COLS, _IDX_COLS)
    return _sc_call()(idx2d, qdqw)

# --- scband reference (transcript-rebuilt; emitter-appended) ---
"""Pipeline reference for scband-nvfp4-embedding-bag-29386166239592 (READ-ONLY COPY).

The authoritative reference and input builder live on the scoring server;
editing this copy changes nothing except your own understanding.
"""

import jax, jax.numpy as jnp
import numpy as np

VOCAB = 1000000
EMBED_DIM = 32
BATCH = 16384
HIST = 20
BLOCK = 16


def nvfp4_qdq(x, block=BLOCK):
    """NVFP4-style quantize-dequantize: per-16-element block amax scaling to the
    E2M1 (FP4) grid {0, 0.5, 1, 1.5, 2, 3, 4, 6} with sign, then dequantize."""
    shp = x.shape
    last = shp[-1]
    pad = (-last) % block
    pad_widths = [(0, 0)] * (x.ndim - 1) + [(0, pad)]
    xp = jnp.pad(x, pad_widths)
    b = xp.reshape(shp[:-1] + (-1, block))
    amax = jnp.max(jnp.abs(b), axis=-1, keepdims=True)
    scale = jnp.where(amax > 0, amax / 6.0, jnp.ones_like(amax))
    y = b / scale
    grid = jnp.array([0.0, 0.5, 1.0, 1.5, 2.0, 3.0, 4.0, 6.0], dtype=x.dtype)
    mag = jnp.abs(y)
    idx = jnp.argmin(jnp.abs(mag[..., None] - grid), axis=-1)
    q = jnp.sign(y) * jnp.take(grid, idx)
    dq = q * scale
    out = dq.reshape(xp.shape)
    out = out[..., :last]
    return out.reshape(shp)


def setup_inputs(seed: int = 0) -> dict:
    key = jax.random.key(seed)
    k1, k2 = jax.random.split(key)
    x = jax.random.randint(k1, (BATCH, HIST), 0, VOCAB, dtype=jnp.int64)
    weight = jax.random.normal(k2, (VOCAB, EMBED_DIM), dtype=jnp.float32) * 0.05
    return {"x": x, "weight": weight}


def reference(x, weight):
    # __init__: qdq the embedding table (NVFP4 fake-quant of the weight)
    qdq_w = nvfp4_qdq(weight)
    # forward: x is 2D so full_quant is applied directly to x; indices must stay
    # integral for the gather, so round and clip back into range after the qdq
    xf = x.astype(jnp.float32)
    qdq_x = nvfp4_qdq(xf)
    idx = jnp.clip(jnp.round(qdq_x), 0, weight.shape[0] - 1).astype(jnp.int32)
    # embedding_bag with 2D input, offsets=None, mode='mean' (EmbeddingBag default)
    emb = jnp.take(qdq_w, idx, axis=0)  # [B, L, D]
    out = jnp.mean(emb, axis=1)  # [B, D]
    return out

if __name__ == "__main__":
    import jax
    _d = setup_inputs()
    print(jax.jit(kernel)(*tuple(_d.values())))

</pallas_src>

<mosaic_0001>
#map = affine_map<(d0, d1) -> (0, 0)>
module attributes {stable_mosaic.version = 14 : i64} {
  func.func @_sc_body(%arg0: i32, %arg1: i32, %arg2: memref<2560x128xi32, #tpu.memory_space<hbm>>, %arg3: memref<1015808x32xf32, #tpu.memory_space<hbm>>, %arg4: memref<16384x32xf32, #tpu.memory_space<hbm>>, %arg5: memref<80x128xi32, #tpu.memory_space<vmem>>, %arg6: memref<1280x32xf32, #tpu.memory_space<vmem>>, %arg7: memref<1280x32xf32, #tpu.memory_space<vmem>>, %arg8: memref<64x32xf32, #tpu.memory_space<vmem>>, %arg9: memref<!tpu.dma_semaphore, #tpu.memory_space<semaphore_mem>>, %arg10: memref<!tpu.dma_semaphore, #tpu.memory_space<semaphore_mem>>) attributes {dimension_semantics = [#tpu.dimension_semantics<core_parallel>, #tpu.dimension_semantics<subcore_parallel>], iteration_bounds = array<i64: 2, 16>, scalar_prefetch = 0 : i64, scratch_operands = 6 : i64, tpu.core_type = #tpu.core_type<sc_vector_subcore>, window_params = [{transform_indices = #map}, {transform_indices = #map}, {transform_indices = #map}]} {
    %mul3A = arith.constant 2 : i32
    %mul3A_0 = arith.muli %arg1, %mul3A : i32
    %add3A = arith.addi %mul3A_0, %arg0 : i32
    %mul3A_1 = arith.constant 80 : i32
    %mul3A_2 = arith.muli %add3A, %mul3A_1 : i32
    "tpu.region"() ({
      %run_scoped3A = tpu.sem_alloc : memref<!tpu.dma_semaphore, #tpu.memory_space<semaphore_mem>>
      %dma_start3A_113 = arith.constant 0 : i32
      %dma_start3A_114 = tpu.memref_slice %arg2[%mul3A_2, %dma_start3A_113] : memref<2560x128xi32, #tpu.memory_space<hbm>> -> memref<80x128xi32, #tpu.memory_space<hbm>>
      %dma_start3A_115 = arith.constant 0 : i32
      %dma_start3A_116 = tpu.memref_slice %arg2[%mul3A_2, %dma_start3A_115] : memref<2560x128xi32, #tpu.memory_space<hbm>> -> memref<80x128xi32, #tpu.memory_space<hbm>>
      tpu.enqueue_dma source(%dma_start3A_116 : memref<80x128xi32, #tpu.memory_space<hbm>>) target(%arg5 : memref<80x128xi32, #tpu.memory_space<vmem>>) target_semaphore(%run_scoped3A : memref<!tpu.dma_semaphore, #tpu.memory_space<semaphore_mem>>)
      %dma_wait3A = arith.constant 0 : i32
      %dma_wait3A_117 = tpu.memref_slice %arg2[%mul3A_2, %dma_wait3A] : memref<2560x128xi32, #tpu.memory_space<hbm>> -> memref<80x128xi32, #tpu.memory_space<hbm>>
      %dma_wait3A_118 = arith.constant 0 : i32
      %dma_wait3A_119 = tpu.memref_slice %arg2[%mul3A_2, %dma_wait3A_118] : memref<2560x128xi32, #tpu.memory_space<hbm>> -> memref<80x128xi32, #tpu.memory_space<hbm>>
      tpu.wait_dma2 semaphore(%run_scoped3A : memref<!tpu.dma_semaphore, #tpu.memory_space<semaphore_mem>>) src(%dma_wait3A_119 : memref<80x128xi32, #tpu.memory_space<hbm>>) dst(%arg5 : memref<80x128xi32, #tpu.memory_space<vmem>>)
      tpu.yield
    }) : () -> ()
    %scan3A = arith.constant 0 : i32
    %scan3A_3 = arith.constant 0 : i32
    %scan3A_4 = arith.constant 80 : i32
    %scan3A_5 = arith.addi %scan3A_3, %scan3A_4 : i32
    %scan3A_6 = arith.constant 1 : i32
    scf.for %scan3A_113 = %scan3A_3 to %scan3A_5 step %scan3A_6  : i32 {
      %get3A = arith.index_cast %scan3A_113 : i32 to index
      %get3A_114 = arith.constant 0 : index
      %get3A_115 = tpu.vector_load %arg5[%get3A, %get3A_114] {strides = array<i32>} : memref<80x128xi32, #tpu.memory_space<vmem>>, vector<1x16xi32>,
      %get3A_116 = vector.shape_cast %get3A_115 : vector<1x16xi32> to vector<16xi32>
      %shift_right_arithmetic3A = arith.constant 14 : i32
      %shift_right_arithmetic3A_117 = vector.broadcast %shift_right_arithmetic3A : i32 to vector<16xi32>
      %shift_right_arithmetic3A_118 = arith.shrsi %get3A_116, %shift_right_arithmetic3A_117 : vector<16xi32>
      %shift_left3A = arith.constant 14 : i32
      %shift_left3A_119 = vector.broadcast %shift_left3A : i32 to vector<16xi32>
      %shift_left3A_120 = arith.shli %shift_right_arithmetic3A_118, %shift_left3A_119 : vector<16xi32>
      %and3A = arith.constant 4095 : i32
      %and3A_121 = vector.broadcast %and3A : i32 to vector<16xi32>
      %and3A_122 = arith.andi %get3A_116, %and3A_121 : vector<16xi32>
      %shift_left3A_123 = arith.constant 2 : i32
      %shift_left3A_124 = vector.broadcast %shift_left3A_123 : i32 to vector<16xi32>
      %shift_left3A_125 = arith.shli %and3A_122, %shift_left3A_124 : vector<16xi32>
      %or3A = arith.ori %shift_left3A_120, %shift_left3A_125 : vector<16xi32>
      %shift_right_arithmetic3A_126 = arith.constant 12 : i32
      %shift_right_arithmetic3A_127 = vector.broadcast %shift_right_arithmetic3A_126 : i32 to vector<16xi32>
      %shift_right_arithmetic3A_128 = arith.shrsi %get3A_116, %shift_right_arithmetic3A_127 : vector<16xi32>
      %and3A_129 = arith.constant 3 : i32
      %and3A_130 = vector.broadcast %and3A_129 : i32 to vector<16xi32>
      %and3A_131 = arith.andi %shift_right_arithmetic3A_128, %and3A_130 : vector<16xi32>
      %or3A_132 = arith.ori %or3A, %and3A_131 : vector<16xi32>
      %swap3A = arith.index_cast %scan3A_113 : i32 to index
      %swap3A_133 = arith.constant 0 : index
      %swap3A_134 = tpu.vector_load %arg5[%swap3A, %swap3A_133] {strides = array<i32>} : memref<80x128xi32, #tpu.memory_space<vmem>>, vector<1x16xi32>,
      %swap3A_135 = vector.shape_cast %swap3A_134 : vector<1x16xi32> to vector<16xi32>
      %swap3A_136 = vector.shape_cast %or3A_132 : vector<16xi32> to vector<1x16xi32>
      tpu.vector_store %arg5[%swap3A, %swap3A_133], %swap3A_136 {strides = array<i32>} : memref<80x128xi32, #tpu.memory_space<vmem>>, vector<1x16xi32>,
      %get3A_137 = arith.index_cast %scan3A_113 : i32 to index
      %get3A_138 = arith.constant 16 : index
      %get3A_139 = tpu.vector_load %arg5[%get3A_137, %get3A_138] {strides = array<i32>} : memref<80x128xi32, #tpu.memory_space<vmem>>, vector<1x16xi32>,
      %get3A_140 = vector.shape_cast %get3A_139 : vector<1x16xi32> to vector<16xi32>
      %shift_right_arithmetic3A_141 = arith.constant 14 : i32
      %shift_right_arithmetic3A_142 = vector.broadcast %shift_right_arithmetic3A_141 : i32 to vector<16xi32>
      %shift_right_arithmetic3A_143 = arith.shrsi %get3A_140, %shift_right_arithmetic3A_142 : vector<16xi32>
      %shift_left3A_144 = arith.constant 14 : i32
      %shift_left3A_145 = vector.broadcast %shift_left3A_144 : i32 to vector<16xi32>
      %shift_left3A_146 = arith.shli %shift_right_arithmetic3A_143, %shift_left3A_145 : vector<16xi32>
      %and3A_147 = arith.constant 4095 : i32
      %and3A_148 = vector.broadcast %and3A_147 : i32 to vector<16xi32>
      %and3A_149 = arith.andi %get3A_140, %and3A_148 : vector<16xi32>
      %shift_left3A_150 = arith.constant 2 : i32
      %shift_left3A_151 = vector.broadcast %shift_left3A_150 : i32 to vector<16xi32>
      %shift_left3A_152 = arith.shli %and3A_149, %shift_left3A_151 : vector<16xi32>
      %or3A_153 = arith.ori %shift_left3A_146, %shift_left3A_152 : vector<16xi32>
      %shift_right_arithmetic3A_154 = arith.constant 12 : i32
      %shift_right_arithmetic3A_155 = vector.broadcast %shift_right_arithmetic3A_154 : i32 to vector<16xi32>
      %shift_right_arithmetic3A_156 = arith.shrsi %get3A_140, %shift_right_arithmetic3A_155 : vector<16xi32>
      %and3A_157 = arith.constant 3 : i32
      %and3A_158 = vector.broadcast %and3A_157 : i32 to vector<16xi32>
      %and3A_159 = arith.andi %shift_right_arithmetic3A_156, %and3A_158 : vector<16xi32>
      %or3A_160 = arith.ori %or3A_153, %and3A_159 : vector<16xi32>
      %swap3A_161 = arith.index_cast %scan3A_113 : i32 to index
      %swap3A_162 = arith.constant 16 : index
      %swap3A_163 = tpu.vector_load %arg5[%swap3A_161, %swap3A_162] {strides = array<i32>} : memref<80x128xi32, #tpu.memory_space<vmem>>, vector<1x16xi32>,
      %swap3A_164 = vector.shape_cast %swap3A_163 : vector<1x16xi32> to vector<16xi32>
      %swap3A_165 = vector.shape_cast %or3A_160 : vector<16xi32> to vector<1x16xi32>
      tpu.vector_store %arg5[%swap3A_161, %swap3A_162], %swap3A_165 {strides = array<i32>} : memref<80x128xi32, #tpu.memory_space<vmem>>, vector<1x16xi32>,
      %get3A_166 = arith.index_cast %scan3A_113 : i32 to index
      %get3A_167 = arith.constant 32 : index
      %get3A_168 = tpu.vector_load %arg5[%get3A_166, %get3A_167] {strides = array<i32>} : memref<80x128xi32, #tpu.memory_space<vmem>>, vector<1x16xi32>,
      %get3A_169 = vector.shape_cast %get3A_168 : vector<1x16xi32> to vector<16xi32>
      %shift_right_arithmetic3A_170 = arith.constant 14 : i32
      %shift_right_arithmetic3A_171 = vector.broadcast %shift_right_arithmetic3A_170 : i32 to vector<16xi32>
      %shift_right_arithmetic3A_172 = arith.shrsi %get3A_169, %shift_right_arithmetic3A_171 : vector<16xi32>
      %shift_left3A_173 = arith.constant 14 : i32
      %shift_left3A_174 = vector.broadcast %shift_left3A_173 : i32 to vector<16xi32>
      %shift_left3A_175 = arith.shli %shift_right_arithmetic3A_172, %shift_left3A_174 : vector<16xi32>
      %and3A_176 = arith.constant 4095 : i32
      %and3A_177 = vector.broadcast %and3A_176 : i32 to vector<16xi32>
      %and3A_178 = arith.andi %get3A_169, %and3A_177 : vector<16xi32>
      %shift_left3A_179 = arith.constant 2 : i32
      %shift_left3A_180 = vector.broadcast %shift_left3A_179 : i32 to vector<16xi32>
      %shift_left3A_181 = arith.shli %and3A_178, %shift_left3A_180 : vector<16xi32>
      %or3A_182 = arith.ori %shift_left3A_175, %shift_left3A_181 : vector<16xi32>
      %shift_right_arithmetic3A_183 = arith.constant 12 : i32
      %shift_right_arithmetic3A_184 = vector.broadcast %shift_right_arithmetic3A_183 : i32 to vector<16xi32>
      %shift_right_arithmetic3A_185 = arith.shrsi %get3A_169, %shift_right_arithmetic3A_184 : vector<16xi32>
      %and3A_186 = arith.constant 3 : i32
      %and3A_187 = vector.broadcast %and3A_186 : i32 to vector<16xi32>
      %and3A_188 = arith.andi %shift_right_arithmetic3A_185, %and3A_187 : vector<16xi32>
      %or3A_189 = arith.ori %or3A_182, %and3A_188 : vector<16xi32>
      %swap3A_190 = arith.index_cast %scan3A_113 : i32 to index
      %swap3A_191 = arith.constant 32 : index
      %swap3A_192 = tpu.vector_load %arg5[%swap3A_190, %swap3A_191] {strides = array<i32>} : memref<80x128xi32, #tpu.memory_space<vmem>>, vector<1x16xi32>,
      %swap3A_193 = vector.shape_cast %swap3A_192 : vector<1x16xi32> to vector<16xi32>
      %swap3A_194 = vector.shape_cast %or3A_189 : vector<16xi32> to vector<1x16xi32>
      tpu.vector_store %arg5[%swap3A_190, %swap3A_191], %swap3A_194 {strides = array<i32>} : memref<80x128xi32, #tpu.memory_space<vmem>>, vector<1x16xi32>,
      %get3A_195 = arith.index_cast %scan3A_113 : i32 to index
      %get3A_196 = arith.constant 48 : index
      %get3A_197 = tpu.vector_load %arg5[%get3A_195, %get3A_196] {strides = array<i32>} : memref<80x128xi32, #tpu.memory_space<vmem>>, vector<1x16xi32>,
      %get3A_198 = vector.shape_cast %get3A_197 : vector<1x16xi32> to vector<16xi32>
      %shift_right_arithmetic3A_199 = arith.constant 14 : i32
      %shift_right_arithmetic3A_200 = vector.broadcast %shift_right_arithmetic3A_199 : i32 to vector<16xi32>
      %shift_right_arithmetic3A_201 = arith.shrsi %get3A_198, %shift_right_arithmetic3A_200 : vector<16xi32>
      %shift_left3A_202 = arith.constant 14 : i32
      %shift_left3A_203 = vector.broadcast %shift_left3A_202 : i32 to vector<16xi32>
      %shift_left3A_204 = arith.shli %shift_right_arithmetic3A_201, %shift_left3A_203 : vector<16xi32>
      %and3A_205 = arith.constant 4095 : i32
      %and3A_206 = vector.broadcast %and3A_205 : i32 to vector<16xi32>
      %and3A_207 = arith.andi %get3A_198, %and3A_206 : vector<16xi32>
      %shift_left3A_208 = arith.constant 2 : i32
      %shift_left3A_209 = vector.broadcast %shift_left3A_208 : i32 to vector<16xi32>
      %shift_left3A_210 = arith.shli %and3A_207, %shift_left3A_209 : vector<16xi32>
      %or3A_211 = arith.ori %shift_left3A_204, %shift_left3A_210 : vector<16xi32>
      %shift_right_arithmetic3A_212 = arith.constant 12 : i32
      %shift_right_arithmetic3A_213 = vector.broadcast %shift_right_arithmetic3A_212 : i32 to vector<16xi32>
      %shift_right_arithmetic3A_214 = arith.shrsi %get3A_198, %shift_right_arithmetic3A_213 : vector<16xi32>
      %and3A_215 = arith.constant 3 : i32
      %and3A_216 = vector.broadcast %and3A_215 : i32 to vector<16xi32>
      %and3A_217 = arith.andi %shift_right_arithmetic3A_214, %and3A_216 : vector<16xi32>
      %or3A_218 = arith.ori %or3A_211, %and3A_217 : vector<16xi32>
      %swap3A_219 = arith.index_cast %scan3A_113 : i32 to index
      %swap3A_220 = arith.constant 48 : index
      %swap3A_221 = tpu.vector_load %arg5[%swap3A_219, %swap3A_220] {strides = array<i32>} : memref<80x128xi32, #tpu.memory_space<vmem>>, vector<1x16xi32>,
      %swap3A_222 = vector.shape_cast %swap3A_221 : vector<1x16xi32> to vector<16xi32>
      %swap3A_223 = vector.shape_cast %or3A_218 : vector<16xi32> to vector<1x16xi32>
      tpu.vector_store %arg5[%swap3A_219, %swap3A_220], %swap3A_223 {strides = array<i32>} : memref<80x128xi32, #tpu.memory_space<vmem>>, vector<1x16xi32>,
      %get3A_224 = arith.index_cast %scan3A_113 : i32 to index
      %get3A_225 = arith.constant 64 : index
      %get3A_226 = tpu.vector_load %arg5[%get3A_224, %get3A_225] {strides = array<i32>} : memref<80x128xi32, #tpu.memory_space<vmem>>, vector<1x16xi32>,
      %get3A_227 = vector.shape_cast %get3A_226 : vector<1x16xi32> to vector<16xi32>
      %shift_right_arithmetic3A_228 = arith.constant 14 : i32
      %shift_right_arithmetic3A_229 = vector.broadcast %shift_right_arithmetic3A_228 : i32 to vector<16xi32>
      %shift_right_arithmetic3A_230 = arith.shrsi %get3A_227, %shift_right_arithmetic3A_229 : vector<16xi32>
      %shift_left3A_231 = arith.constant 14 : i32
      %shift_left3A_232 = vector.broadcast %shift_left3A_231 : i32 to vector<16xi32>
      %shift_left3A_233 = arith.shli %shift_right_arithmetic3A_230, %shift_left3A_232 : vector<16xi32>
      %and3A_234 = arith.constant 4095 : i32
      %and3A_235 = vector.broadcast %and3A_234 : i32 to vector<16xi32>
      %and3A_236 = arith.andi %get3A_227, %and3A_235 : vector<16xi32>
      %shift_left3A_237 = arith.constant 2 : i32
      %shift_left3A_238 = vector.broadcast %shift_left3A_237 : i32 to vector<16xi32>
      %shift_left3A_239 = arith.shli %and3A_236, %shift_left3A_238 : vector<16xi32>
      %or3A_240 = arith.ori %shift_left3A_233, %shift_left3A_239 : vector<16xi32>
      %shift_right_arithmetic3A_241 = arith.constant 12 : i32
      %shift_right_arithmetic3A_242 = vector.broadcast %shift_right_arithmetic3A_241 : i32 to vector<16xi32>
      %shift_right_arithmetic3A_243 = arith.shrsi %get3A_227, %shift_right_arithmetic3A_242 : vector<16xi32>
      %and3A_244 = arith.constant 3 : i32
      %and3A_245 = vector.broadcast %and3A_244 : i32 to vector<16xi32>
      %and3A_246 = arith.andi %shift_right_arithmetic3A_243, %and3A_245 : vector<16xi32>
      %or3A_247 = arith.ori %or3A_240, %and3A_246 : vector<16xi32>
      %swap3A_248 = arith.index_cast %scan3A_113 : i32 to index
      %swap3A_249 = arith.constant 64 : index
      %swap3A_250 = tpu.vector_load %arg5[%swap3A_248, %swap3A_249] {strides = array<i32>} : memref<80x128xi32, #tpu.memory_space<vmem>>, vector<1x16xi32>,
      %swap3A_251 = vector.shape_cast %swap3A_250 : vector<1x16xi32> to vector<16xi32>
      %swap3A_252 = vector.shape_cast %or3A_247 : vector<16xi32> to vector<1x16xi32>
      tpu.vector_store %arg5[%swap3A_248, %swap3A_249], %swap3A_252 {strides = array<i32>} : memref<80x128xi32, #tpu.memory_space<vmem>>, vector<1x16xi32>,
      %get3A_253 = arith.index_cast %scan3A_113 : i32 to index
      %get3A_254 = arith.constant 80 : index
      %get3A_255 = tpu.vector_load %arg5[%get3A_253, %get3A_254] {strides = array<i32>} : memref<80x128xi32, #tpu.memory_space<vmem>>, vector<1x16xi32>,
      %get3A_256 = vector.shape_cast %get3A_255 : vector<1x16xi32> to vector<16xi32>
      %shift_right_arithmetic3A_257 = arith.constant 14 : i32
      %shift_right_arithmetic3A_258 = vector.broadcast %shift_right_arithmetic3A_257 : i32 to vector<16xi32>
      %shift_right_arithmetic3A_259 = arith.shrsi %get3A_256, %shift_right_arithmetic3A_258 : vector<16xi32>
      %shift_left3A_260 = arith.constant 14 : i32
      %shift_left3A_261 = vector.broadcast %shift_left3A_260 : i32 to vector<16xi32>
      %shift_left3A_262 = arith.shli %shift_right_arithmetic3A_259, %shift_left3A_261 : vector<16xi32>
      %and3A_263 = arith.constant 4095 : i32
      %and3A_264 = vector.broadcast %and3A_263 : i32 to vector<16xi32>
      %and3A_265 = arith.andi %get3A_256, %and3A_264 : vector<16xi32>
      %shift_left3A_266 = arith.constant 2 : i32
      %shift_left3A_267 = vector.broadcast %shift_left3A_266 : i32 to vector<16xi32>
      %shift_left3A_268 = arith.shli %and3A_265, %shift_left3A_267 : vector<16xi32>
      %or3A_269 = arith.ori %shift_left3A_262, %shift_left3A_268 : vector<16xi32>
      %shift_right_arithmetic3A_270 = arith.constant 12 : i32
      %shift_right_arithmetic3A_271 = vector.broadcast %shift_right_arithmetic3A_270 : i32 to vector<16xi32>
      %shift_right_arithmetic3A_272 = arith.shrsi %get3A_256, %shift_right_arithmetic3A_271 : vector<16xi32>
      %and3A_273 = arith.constant 3 : i32
      %and3A_274 = vector.broadcast %and3A_273 : i32 to vector<16xi32>
      %and3A_275 = arith.andi %shift_right_arithmetic3A_272, %and3A_274 : vector<16xi32>
      %or3A_276 = arith.ori %or3A_269, %and3A_275 : vector<16xi32>
      %swap3A_277 = arith.index_cast %scan3A_113 : i32 to index
      %swap3A_278 = arith.constant 80 : index
      %swap3A_279 = tpu.vector_load %arg5[%swap3A_277, %swap3A_278] {strides = array<i32>} : memref<80x128xi32, #tpu.memory_space<vmem>>, vector<1x16xi32>,
      %swap3A_280 = vector.shape_cast %swap3A_279 : vector<1x16xi32> to vector<16xi32>
      %swap3A_281 = vector.shape_cast %or3A_276 : vector<16xi32> to vector<1x16xi32>
      tpu.vector_store %arg5[%swap3A_277, %swap3A_278], %swap3A_281 {strides = array<i32>} : memref<80x128xi32, #tpu.memory_space<vmem>>, vector<1x16xi32>,
      %get3A_282 = arith.index_cast %scan3A_113 : i32 to index
      %get3A_283 = arith.constant 96 : index
      %get3A_284 = tpu.vector_load %arg5[%get3A_282, %get3A_283] {strides = array<i32>} : memref<80x128xi32, #tpu.memory_space<vmem>>, vector<1x16xi32>,
      %get3A_285 = vector.shape_cast %get3A_284 : vector<1x16xi32> to vector<16xi32>
      %shift_right_arithmetic3A_286 = arith.constant 14 : i32
      %shift_right_arithmetic3A_287 = vector.broadcast %shift_right_arithmetic3A_286 : i32 to vector<16xi32>
      %shift_right_arithmetic3A_288 = arith.shrsi %get3A_285, %shift_right_arithmetic3A_287 : vector<16xi32>
      %shift_left3A_289 = arith.constant 14 : i32
      %shift_left3A_290 = vector.broadcast %shift_left3A_289 : i32 to vector<16xi32>
      %shift_left3A_291 = arith.shli %shift_right_arithmetic3A_288, %shift_left3A_290 : vector<16xi32>
      %and3A_292 = arith.constant 4095 : i32
      %and3A_293 = vector.broadcast %and3A_292 : i32 to vector<16xi32>
      %and3A_294 = arith.andi %get3A_285, %and3A_293 : vector<16xi32>
      %shift_left3A_295 = arith.constant 2 : i32
      %shift_left3A_296 = vector.broadcast %shift_left3A_295 : i32 to vector<16xi32>
      %shift_left3A_297 = arith.shli %and3A_294, %shift_left3A_296 : vector<16xi32>
      %or3A_298 = arith.ori %shift_left3A_291, %shift_left3A_297 : vector<16xi32>
      %shift_right_arithmetic3A_299 = arith.constant 12 : i32
      %shift_right_arithmetic3A_300 = vector.broadcast %shift_right_arithmetic3A_299 : i32 to vector<16xi32>
      %shift_right_arithmetic3A_301 = arith.shrsi %get3A_285, %shift_right_arithmetic3A_300 : vector<16xi32>
      %and3A_302 = arith.constant 3 : i32
      %and3A_303 = vector.broadcast %and3A_302 : i32 to vector<16xi32>
      %and3A_304 = arith.andi %shift_right_arithmetic3A_301, %and3A_303 : vector<16xi32>
      %or3A_305 = arith.ori %or3A_298, %and3A_304 : vector<16xi32>
      %swap3A_306 = arith.index_cast %scan3A_113 : i32 to index
      %swap3A_307 = arith.constant 96 : index
      %swap3A_308 = tpu.vector_load %arg5[%swap3A_306, %swap3A_307] {strides = array<i32>} : memref<80x128xi32, #tpu.memory_space<vmem>>, vector<1x16xi32>,
      %swap3A_309 = vector.shape_cast %swap3A_308 : vector<1x16xi32> to vector<16xi32>
      %swap3A_310 = vector.shape_cast %or3A_305 : vector<16xi32> to vector<1x16xi32>
      tpu.vector_store %arg5[%swap3A_306, %swap3A_307], %swap3A_310 {strides = array<i32>} : memref<80x128xi32, #tpu.memory_space<vmem>>, vector<1x16xi32>,
      %get3A_311 = arith.index_cast %scan3A_113 : i32 to index
      %get3A_312 = arith.constant 112 : index
      %get3A_313 = tpu.vector_load %arg5[%get3A_311, %get3A_312] {strides = array<i32>} : memref<80x128xi32, #tpu.memory_space<vmem>>, vector<1x16xi32>,
      %get3A_314 = vector.shape_cast %get3A_313 : vector<1x16xi32> to vector<16xi32>
      %shift_right_arithmetic3A_315 = arith.constant 14 : i32
      %shift_right_arithmetic3A_316 = vector.broadcast %shift_right_arithmetic3A_315 : i32 to vector<16xi32>
      %shift_right_arithmetic3A_317 = arith.shrsi %get3A_314, %shift_right_arithmetic3A_316 : vector<16xi32>
      %shift_left3A_318 = arith.constant 14 : i32
      %shift_left3A_319 = vector.broadcast %shift_left3A_318 : i32 to vector<16xi32>
      %shift_left3A_320 = arith.shli %shift_right_arithmetic3A_317, %shift_left3A_319 : vector<16xi32>
      %and3A_321 = arith.constant 4095 : i32
      %and3A_322 = vector.broadcast %and3A_321 : i32 to vector<16xi32>
      %and3A_323 = arith.andi %get3A_314, %and3A_322 : vector<16xi32>
      %shift_left3A_324 = arith.constant 2 : i32
      %shift_left3A_325 = vector.broadcast %shift_left3A_324 : i32 to vector<16xi32>
      %shift_left3A_326 = arith.shli %and3A_323, %shift_left3A_325 : vector<16xi32>
      %or3A_327 = arith.ori %shift_left3A_320, %shift_left3A_326 : vector<16xi32>
      %shift_right_arithmetic3A_328 = arith.constant 12 : i32
      %shift_right_arithmetic3A_329 = vector.broadcast %shift_right_arithmetic3A_328 : i32 to vector<16xi32>
      %shift_right_arithmetic3A_330 = arith.shrsi %get3A_314, %shift_right_arithmetic3A_329 : vector<16xi32>
      %and3A_331 = arith.constant 3 : i32
      %and3A_332 = vector.broadcast %and3A_331 : i32 to vector<16xi32>
      %and3A_333 = arith.andi %shift_right_arithmetic3A_330, %and3A_332 : vector<16xi32>
      %or3A_334 = arith.ori %or3A_327, %and3A_333 : vector<16xi32>
      %swap3A_335 = arith.index_cast %scan3A_113 : i32 to index
      %swap3A_336 = arith.constant 112 : index
      %swap3A_337 = tpu.vector_load %arg5[%swap3A_335, %swap3A_336] {strides = array<i32>} : memref<80x128xi32, #tpu.memory_space<vmem>>, vector<1x16xi32>,
      %swap3A_338 = vector.shape_cast %swap3A_337 : vector<1x16xi32> to vector<16xi32>
      %swap3A_339 = vector.shape_cast %or3A_334 : vector<16xi32> to vector<1x16xi32>
      tpu.vector_store %arg5[%swap3A_335, %swap3A_336], %swap3A_339 {strides = array<i32>} : memref<80x128xi32, #tpu.memory_space<vmem>>, vector<1x16xi32>,
    }
    %scan3A_7 = arith.constant 80 : i32
    %dma_start3A = arith.constant 0 : i32
    %dma_start3A_8 = arith.constant 0 : i32
    %dma_start3A_9 = arith.constant 0 : i32
    %dma_start3A_10 = tpu.memref_slice %arg6[%dma_start3A_8, %dma_start3A_9] : memref<1280x32xf32, #tpu.memory_space<vmem>> -> memref<128x32xf32, #tpu.memory_space<vmem>>
    %dma_start3A_11 = arith.constant 0 : i32
    %dma_start3A_12 = tpu.memref_slice %arg5[%dma_start3A, %dma_start3A_11] : memref<80x128xi32, #tpu.memory_space<vmem>> -> memref<1x128xi32, #tpu.memory_space<vmem>>
    %dma_start3A_13 = tpu.memref_squeeze %dma_start3A_12 : memref<1x128xi32, #tpu.memory_space<vmem>> -> memref<128xi32, #tpu.memory_space<vmem>>
    %dma_start3A_14 = arith.constant 0 : i32
    %dma_start3A_15 = arith.constant 0 : i32
    %dma_start3A_16 = tpu.memref_slice %arg3[%dma_start3A_14, %dma_start3A_15] : memref<1015808x32xf32, #tpu.memory_space<hbm>> -> memref<1015808x32xf32, #tpu.memory_space<hbm>>
    tpu.enqueue_indirect_dma source(%dma_start3A_16 : memref<1015808x32xf32, #tpu.memory_space<hbm>>) target(%dma_start3A_10 : memref<128x32xf32, #tpu.memory_space<vmem>>) offsets(%dma_start3A_13 : memref<128xi32, #tpu.memory_space<vmem>>) semaphore(%arg9 : memref<!tpu.dma_semaphore, #tpu.memory_space<semaphore_mem>>)
    %dma_start3A_17 = arith.constant 1 : i32
    %dma_start3A_18 = arith.constant 128 : i32
    %dma_start3A_19 = arith.constant 0 : i32
    %dma_start3A_20 = tpu.memref_slice %arg6[%dma_start3A_18, %dma_start3A_19] : memref<1280x32xf32, #tpu.memory_space<vmem>> -> memref<128x32xf32, #tpu.memory_space<vmem>>
    %dma_start3A_21 = arith.constant 0 : i32
    %dma_start3A_22 = tpu.memref_slice %arg5[%dma_start3A_17, %dma_start3A_21] : memref<80x128xi32, #tpu.memory_space<vmem>> -> memref<1x128xi32, #tpu.memory_space<vmem>>
    %dma_start3A_23 = tpu.memref_squeeze %dma_start3A_22 : memref<1x128xi32, #tpu.memory_space<vmem>> -> memref<128xi32, #tpu.memory_space<vmem>>
    %dma_start3A_24 = arith.constant 0 : i32
    %dma_start3A_25 = arith.constant 0 : i32
    %dma_start3A_26 = tpu.memref_slice %arg3[%dma_start3A_24, %dma_start3A_25] : memref<1015808x32xf32, #tpu.memory_space<hbm>> -> memref<1015808x32xf32, #tpu.memory_space<hbm>>
    tpu.enqueue_indirect_dma source(%dma_start3A_26 : memref<1015808x32xf32, #tpu.memory_space<hbm>>) target(%dma_start3A_20 : memref<128x32xf32, #tpu.memory_space<vmem>>) offsets(%dma_start3A_23 : memref<128xi32, #tpu.memory_space<vmem>>) semaphore(%arg9 : memref<!tpu.dma_semaphore, #tpu.memory_space<semaphore_mem>>)
    %dma_start3A_27 = arith.constant 2 : i32
    %dma_start3A_28 = arith.constant 256 : i32
    %dma_start3A_29 = arith.constant 0 : i32
    %dma_start3A_30 = tpu.memref_slice %arg6[%dma_start3A_28, %dma_start3A_29] : memref<1280x32xf32, #tpu.memory_space<vmem>> -> memref<128x32xf32, #tpu.memory_space<vmem>>
    %dma_start3A_31 = arith.constant 0 : i32
    %dma_start3A_32 = tpu.memref_slice %arg5[%dma_start3A_27, %dma_start3A_31] : memref<80x128xi32, #tpu.memory_space<vmem>> -> memref<1x128xi32, #tpu.memory_space<vmem>>
    %dma_start3A_33 = tpu.memref_squeeze %dma_start3A_32 : memref<1x128xi32, #tpu.memory_space<vmem>> -> memref<128xi32, #tpu.memory_space<vmem>>
    %dma_start3A_34 = arith.constant 0 : i32
    %dma_start3A_35 = arith.constant 0 : i32
    %dma_start3A_36 = tpu.memref_slice %arg3[%dma_start3A_34, %dma_start3A_35] : memref<1015808x32xf32, #tpu.memory_space<hbm>> -> memref<1015808x32xf32, #tpu.memory_space<hbm>>
    tpu.enqueue_indirect_dma source(%dma_start3A_36 : memref<1015808x32xf32, #tpu.memory_space<hbm>>) target(%dma_start3A_30 : memref<128x32xf32, #tpu.memory_space<vmem>>) offsets(%dma_start3A_33 : memref<128xi32, #tpu.memory_space<vmem>>) semaphore(%arg9 : memref<!tpu.dma_semaphore, #tpu.memory_space<semaphore_mem>>)
    %dma_start3A_37 = arith.constant 3 : i32
    %dma_start3A_38 = arith.constant 384 : i32
    %dma_start3A_39 = arith.constant 0 : i32
    %dma_start3A_40 = tpu.memref_slice %arg6[%dma_start3A_38, %dma_start3A_39] : memref<1280x32xf32, #tpu.memory_space<vmem>> -> memref<128x32xf32, #tpu.memory_space<vmem>>
    %dma_start3A_41 = arith.constant 0 : i32
    %dma_start3A_42 = tpu.memref_slice %arg5[%dma_start3A_37, %dma_start3A_41] : memref<80x128xi32, #tpu.memory_space<vmem>> -> memref<1x128xi32, #tpu.memory_space<vmem>>
    %dma_start3A_43 = tpu.memref_squeeze %dma_start3A_42 : memref<1x128xi32, #tpu.memory_space<vmem>> -> memref<128xi32, #tpu.memory_space<vmem>>
    %dma_start3A_44 = arith.constant 0 : i32
    %dma_start3A_45 = arith.constant 0 : i32
    %dma_start3A_46 = tpu.memref_slice %arg3[%dma_start3A_44, %dma_start3A_45] : memref<1015808x32xf32, #tpu.memory_space<hbm>> -> memref<1015808x32xf32, #tpu.memory_space<hbm>>
    tpu.enqueue_indirect_dma source(%dma_start3A_46 : memref<1015808x32xf32, #tpu.memory_space<hbm>>) target(%dma_start3A_40 : memref<128x32xf32, #tpu.memory_space<vmem>>) offsets(%dma_start3A_43 : memref<128xi32, #tpu.memory_space<vmem>>) semaphore(%arg9 : memref<!tpu.dma_semaphore, #tpu.memory_space<semaphore_mem>>)
    %dma_start3A_47 = arith.constant 4 : i32
    %dma_start3A_48 = arith.constant 512 : i32
    %dma_start3A_49 = arith.constant 0 : i32
    %dma_start3A_50 = tpu.memref_slice %arg6[%dma_start3A_48, %dma_start3A_49] : memref<1280x32xf32, #tpu.memory_space<vmem>> -> memref<128x32xf32, #tpu.memory_space<vmem>>
    %dma_start3A_51 = arith.constant 0 : i32
    %dma_start3A_52 = tpu.memref_slice %arg5[%dma_start3A_47, %dma_start3A_51] : memref<80x128xi32, #tpu.memory_space<vmem>> -> memref<1x128xi32, #tpu.memory_space<vmem>>
    %dma_start3A_53 = tpu.memref_squeeze %dma_start3A_52 : memref<1x128xi32, #tpu.memory_space<vmem>> -> memref<128xi32, #tpu.memory_space<vmem>>
    %dma_start3A_54 = arith.constant 0 : i32
    %dma_start3A_55 = arith.constant 0 : i32
    %dma_start3A_56 = tpu.memref_slice %arg3[%dma_start3A_54, %dma_start3A_55] : memref<1015808x32xf32, #tpu.memory_space<hbm>> -> memref<1015808x32xf32, #tpu.memory_space<hbm>>
    tpu.enqueue_indirect_dma source(%dma_start3A_56 : memref<1015808x32xf32, #tpu.memory_space<hbm>>) target(%dma_start3A_50 : memref<128x32xf32, #tpu.memory_space<vmem>>) offsets(%dma_start3A_53 : memref<128xi32, #tpu.memory_space<vmem>>) semaphore(%arg9 : memref<!tpu.dma_semaphore, #tpu.memory_space<semaphore_mem>>)
    %dma_start3A_57 = arith.constant 5 : i32
    %dma_start3A_58 = arith.constant 640 : i32
    %dma_start3A_59 = arith.constant 0 : i32
    %dma_start3A_60 = tpu.memref_slice %arg6[%dma_start3A_58, %dma_start3A_59] : memref<1280x32xf32, #tpu.memory_space<vmem>> -> memref<128x32xf32, #tpu.memory_space<vmem>>
    %dma_start3A_61 = arith.constant 0 : i32
    %dma_start3A_62 = tpu.memref_slice %arg5[%dma_start3A_57, %dma_start3A_61] : memref<80x128xi32, #tpu.memory_space<vmem>> -> memref<1x128xi32, #tpu.memory_space<vmem>>
    %dma_start3A_63 = tpu.memref_squeeze %dma_start3A_62 : memref<1x128xi32, #tpu.memory_space<vmem>> -> memref<128xi32, #tpu.memory_space<vmem>>
    %dma_start3A_64 = arith.constant 0 : i32
    %dma_start3A_65 = arith.constant 0 : i32
    %dma_start3A_66 = tpu.memref_slice %arg3[%dma_start3A_64, %dma_start3A_65] : memref<1015808x32xf32, #tpu.memory_space<hbm>> -> memref<1015808x32xf32, #tpu.memory_space<hbm>>
    tpu.enqueue_indirect_dma source(%dma_start3A_66 : memref<1015808x32xf32, #tpu.memory_space<hbm>>) target(%dma_start3A_60 : memref<128x32xf32, #tpu.memory_space<vmem>>) offsets(%dma_start3A_63 : memref<128xi32, #tpu.memory_space<vmem>>) semaphore(%arg9 : memref<!tpu.dma_semaphore, #tpu.memory_space<semaphore_mem>>)
    %dma_start3A_67 = arith.constant 6 : i32
    %dma_start3A_68 = arith.constant 768 : i32
    %dma_start3A_69 = arith.constant 0 : i32
    %dma_start3A_70 = tpu.memref_slice %arg6[%dma_start3A_68, %dma_start3A_69] : memref<1280x32xf32, #tpu.memory_space<vmem>> -> memref<128x32xf32, #tpu.memory_space<vmem>>
    %dma_start3A_71 = arith.constant 0 : i32
    %dma_start3A_72 = tpu.memref_slice %arg5[%dma_start3A_67, %dma_start3A_71] : memref<80x128xi32, #tpu.memory_space<vmem>> -> memref<1x128xi32, #tpu.memory_space<vmem>>
    %dma_start3A_73 = tpu.memref_squeeze %dma_start3A_72 : memref<1x128xi32, #tpu.memory_space<vmem>> -> memref<128xi32, #tpu.memory_space<vmem>>
    %dma_start3A_74 = arith.constant 0 : i32
    %dma_start3A_75 = arith.constant 0 : i32
    %dma_start3A_76 = tpu.memref_slice %arg3[%dma_start3A_74, %dma_start3A_75] : memref<1015808x32xf32, #tpu.memory_space<hbm>> -> memref<1015808x32xf32, #tpu.memory_space<hbm>>
    tpu.enqueue_indirect_dma source(%dma_start3A_76 : memref<1015808x32xf32, #tpu.memory_space<hbm>>) target(%dma_start3A_70 : memref<128x32xf32, #tpu.memory_space<vmem>>) offsets(%dma_start3A_73 : memref<128xi32, #tpu.memory_space<vmem>>) semaphore(%arg9 : memref<!tpu.dma_semaphore, #tpu.memory_space<semaphore_mem>>)
    %dma_start3A_77 = arith.constant 7 : i32
    %dma_start3A_78 = arith.constant 896 : i32
    %dma_start3A_79 = arith.constant 0 : i32
    %dma_start3A_80 = tpu.memref_slice %arg6[%dma_start3A_78, %dma_start3A_79] : memref<1280x32xf32, #tpu.memory_space<vmem>> -> memref<128x32xf32, #tpu.memory_space<vmem>>
    %dma_start3A_81 = arith.constant 0 : i32
    %dma_start3A_82 = tpu.memref_slice %arg5[%dma_start3A_77, %dma_start3A_81] : memref<80x128xi32, #tpu.memory_space<vmem>> -> memref<1x128xi32, #tpu.memory_space<vmem>>
    %dma_start3A_83 = tpu.memref_squeeze %dma_start3A_82 : memref<1x128xi32, #tpu.memory_space<vmem>> -> memref<128xi32, #tpu.memory_space<vmem>>
    %dma_start3A_84 = arith.constant 0 : i32
    %dma_start3A_85 = arith.constant 0 : i32
    %dma_start3A_86 = tpu.memref_slice %arg3[%dma_start3A_84, %dma_start3A_85] : memref<1015808x32xf32, #tpu.memory_space<hbm>> -> memref<1015808x32xf32, #tpu.memory_space<hbm>>
    tpu.enqueue_indirect_dma source(%dma_start3A_86 : memref<1015808x32xf32, #tpu.memory_space<hbm>>) target(%dma_start3A_80 : memref<128x32xf32, #tpu.memory_space<vmem>>) offsets(%dma_start3A_83 : memref<128xi32, #tpu.memory_space<vmem>>) semaphore(%arg9 : memref<!tpu.dma_semaphore, #tpu.memory_space<semaphore_mem>>)
    %dma_start3A_87 = arith.constant 8 : i32
    %dma_start3A_88 = arith.constant 1024 : i32
    %dma_start3A_89 = arith.constant 0 : i32
    %dma_start3A_90 = tpu.memref_slice %arg6[%dma_start3A_88, %dma_start3A_89] : memref<1280x32xf32, #tpu.memory_space<vmem>> -> memref<128x32xf32, #tpu.memory_space<vmem>>
    %dma_start3A_91 = arith.constant 0 : i32
    %dma_start3A_92 = tpu.memref_slice %arg5[%dma_start3A_87, %dma_start3A_91] : memref<80x128xi32, #tpu.memory_space<vmem>> -> memref<1x128xi32, #tpu.memory_space<vmem>>
    %dma_start3A_93 = tpu.memref_squeeze %dma_start3A_92 : memref<1x128xi32, #tpu.memory_space<vmem>> -> memref<128xi32, #tpu.memory_space<vmem>>
    %dma_start3A_94 = arith.constant 0 : i32
    %dma_start3A_95 = arith.constant 0 : i32
    %dma_start3A_96 = tpu.memref_slice %arg3[%dma_start3A_94, %dma_start3A_95] : memref<1015808x32xf32, #tpu.memory_space<hbm>> -> memref<1015808x32xf32, #tpu.memory_space<hbm>>
    tpu.enqueue_indirect_dma source(%dma_start3A_96 : memref<1015808x32xf32, #tpu.memory_space<hbm>>) target(%dma_start3A_90 : memref<128x32xf32, #tpu.memory_space<vmem>>) offsets(%dma_start3A_93 : memref<128xi32, #tpu.memory_space<vmem>>) semaphore(%arg9 : memref<!tpu.dma_semaphore, #tpu.memory_space<semaphore_mem>>)
    %dma_start3A_97 = arith.constant 9 : i32
    %dma_start3A_98 = arith.constant 1152 : i32
    %dma_start3A_99 = arith.constant 0 : i32
    %dma_start3A_100 = tpu.memref_slice %arg6[%dma_start3A_98, %dma_start3A_99] : memref<1280x32xf32, #tpu.memory_space<vmem>> -> memref<128x32xf32, #tpu.memory_space<vmem>>
    %dma_start3A_101 = arith.constant 0 : i32
    %dma_start3A_102 = tpu.memref_slice %arg5[%dma_start3A_97, %dma_start3A_101] : memref<80x128xi32, #tpu.memory_space<vmem>> -> memref<1x128xi32, #tpu.memory_space<vmem>>
    %dma_start3A_103 = tpu.memref_squeeze %dma_start3A_102 : memref<1x128xi32, #tpu.memory_space<vmem>> -> memref<128xi32, #tpu.memory_space<vmem>>
    %dma_start3A_104 = arith.constant 0 : i32
    %dma_start3A_105 = arith.constant 0 : i32
    %dma_start3A_106 = tpu.memref_slice %arg3[%dma_start3A_104, %dma_start3A_105] : memref<1015808x32xf32, #tpu.memory_space<hbm>> -> memref<1015808x32xf32, #tpu.memory_space<hbm>>
    tpu.enqueue_indirect_dma source(%dma_start3A_106 : memref<1015808x32xf32, #tpu.memory_space<hbm>>) target(%dma_start3A_100 : memref<128x32xf32, #tpu.memory_space<vmem>>) offsets(%dma_start3A_103 : memref<128xi32, #tpu.memory_space<vmem>>) semaphore(%arg9 : memref<!tpu.dma_semaphore, #tpu.memory_space<semaphore_mem>>)
    %scan3A_107 = arith.constant 0 : i32
    %scan3A_108 = arith.constant 0 : i32
    %scan3A_109 = arith.constant 4 : i32
    %scan3A_110 = arith.addi %scan3A_108, %scan3A_109 : i32
    %scan3A_111 = arith.constant 1 : i32
    scf.for %scan3A_113 = %scan3A_108 to %scan3A_110 step %scan3A_111  : i32 {
      %mul3A_114 = arith.constant 2 : i32
      %mul3A_115 = arith.muli %scan3A_113, %mul3A_114 : i32
      %add3A_116 = arith.constant 1 : i32
      %add3A_117 = arith.addi %mul3A_115, %add3A_116 : i32
      %mul3A_118 = arith.constant 10 : i32
      %mul3A_119 = arith.muli %add3A_117, %mul3A_118 : i32
      %add3A_120 = arith.constant 0 : i32
      %add3A_121 = arith.addi %mul3A_119, %add3A_120 : i32
      %dma_start3A_122 = arith.constant 0 : i32
      %dma_start3A_123 = arith.constant 0 : i32
      %dma_start3A_124 = tpu.memref_slice %arg7[%dma_start3A_122, %dma_start3A_123] : memref<1280x32xf32, #tpu.memory_space<vmem>> -> memref<128x32xf32, #tpu.memory_space<vmem>>
      %dma_start3A_125 = arith.constant 0 : i32
      %dma_start3A_126 = tpu.memref_slice %arg5[%add3A_121, %dma_start3A_125] : memref<80x128xi32, #tpu.memory_space<vmem>> -> memref<1x128xi32, #tpu.memory_space<vmem>>
      %dma_start3A_127 = tpu.memref_squeeze %dma_start3A_126 : memref<1x128xi32, #tpu.memory_space<vmem>> -> memref<128xi32, #tpu.memory_space<vmem>>
      %dma_start3A_128 = arith.constant 0 : i32
      %dma_start3A_129 = arith.constant 0 : i32
      %dma_start3A_130 = tpu.memref_slice %arg3[%dma_start3A_128, %dma_start3A_129] : memref<1015808x32xf32, #tpu.memory_space<hbm>> -> memref<1015808x32xf32, #tpu.memory_space<hbm>>
      tpu.enqueue_indirect_dma source(%dma_start3A_130 : memref<1015808x32xf32, #tpu.memory_space<hbm>>) target(%dma_start3A_124 : memref<128x32xf32, #tpu.memory_space<vmem>>) offsets(%dma_start3A_127 : memref<128xi32, #tpu.memory_space<vmem>>) semaphore(%arg10 : memref<!tpu.dma_semaphore, #tpu.memory_space<semaphore_mem>>)
      %mul3A_131 = arith.constant 10 : i32
      %mul3A_132 = arith.muli %add3A_117, %mul3A_131 : i32
      %add3A_133 = arith.constant 1 : i32
      %add3A_134 = arith.addi %mul3A_132, %add3A_133 : i32
      %dma_start3A_135 = arith.constant 128 : i32
      %dma_start3A_136 = arith.constant 0 : i32
      %dma_start3A_137 = tpu.memref_slice %arg7[%dma_start3A_135, %dma_start3A_136] : memref<1280x32xf32, #tpu.memory_space<vmem>> -> memref<128x32xf32, #tpu.memory_space<vmem>>
      %dma_start3A_138 = arith.constant 0 : i32
      %dma_start3A_139 = tpu.memref_slice %arg5[%add3A_134, %dma_start3A_138] : memref<80x128xi32, #tpu.memory_space<vmem>> -> memref<1x128xi32, #tpu.memory_space<vmem>>
      %dma_start3A_140 = tpu.memref_squeeze %dma_start3A_139 : memref<1x128xi32, #tpu.memory_space<vmem>> -> memref<128xi32, #tpu.memory_space<vmem>>
      %dma_start3A_141 = arith.constant 0 : i32
      %dma_start3A_142 = arith.constant 0 : i32
      %dma_start3A_143 = tpu.memref_slice %arg3[%dma_start3A_141, %dma_start3A_142] : memref<1015808x32xf32, #tpu.memory_space<hbm>> -> memref<1015808x32xf32, #tpu.memory_space<hbm>>
      tpu.enqueue_indirect_dma source(%dma_start3A_143 : memref<1015808x32xf32, #tpu.memory_space<hbm>>) target(%dma_start3A_137 : memref<128x32xf32, #tpu.memory_space<vmem>>) offsets(%dma_start3A_140 : memref<128xi32, #tpu.memory_space<vmem>>) semaphore(%arg10 : memref<!tpu.dma_semaphore, #tpu.memory_space<semaphore_mem>>)
      %mul3A_144 = arith.constant 10 : i32
      %mul3A_145 = arith.muli %add3A_117, %mul3A_144 : i32
      %add3A_146 = arith.constant 2 : i32
      %add3A_147 = arith.addi %mul3A_145, %add3A_146 : i32
      %dma_start3A_148 = arith.constant 256 : i32
      %dma_start3A_149 = arith.constant 0 : i32
      %dma_start3A_150 = tpu.memref_slice %arg7[%dma_start3A_148, %dma_start3A_149] : memref<1280x32xf32, #tpu.memory_space<vmem>> -> memref<128x32xf32, #tpu.memory_space<vmem>>
      %dma_start3A_151 = arith.constant 0 : i32
      %dma_start3A_152 = tpu.memref_slice %arg5[%add3A_147, %dma_start3A_151] : memref<80x128xi32, #tpu.memory_space<vmem>> -> memref<1x128xi32, #tpu.memory_space<vmem>>
      %dma_start3A_153 = tpu.memref_squeeze %dma_start3A_152 : memref<1x128xi32, #tpu.memory_space<vmem>> -> memref<128xi32, #tpu.memory_space<vmem>>
      %dma_start3A_154 = arith.constant 0 : i32
      %dma_start3A_155 = arith.constant 0 : i32
      %dma_start3A_156 = tpu.memref_slice %arg3[%dma_start3A_154, %dma_start3A_155] : memref<1015808x32xf32, #tpu.memory_space<hbm>> -> memref<1015808x32xf32, #tpu.memory_space<hbm>>
      tpu.enqueue_indirect_dma source(%dma_start3A_156 : memref<1015808x32xf32, #tpu.memory_space<hbm>>) target(%dma_start3A_150 : memref<128x32xf32, #tpu.memory_space<vmem>>) offsets(%dma_start3A_153 : memref<128xi32, #tpu.memory_space<vmem>>) semaphore(%arg10 : memref<!tpu.dma_semaphore, #tpu.memory_space<semaphore_mem>>)
      %mul3A_157 = arith.constant 10 : i32
      %mul3A_158 = arith.muli %add3A_117, %mul3A_157 : i32
      %add3A_159 = arith.constant 3 : i32
      %add3A_160 = arith.addi %mul3A_158, %add3A_159 : i32
      %dma_start3A_161 = arith.constant 384 : i32
      %dma_start3A_162 = arith.constant 0 : i32
      %dma_start3A_163 = tpu.memref_slice %arg7[%dma_start3A_161, %dma_start3A_162] : memref<1280x32xf32, #tpu.memory_space<vmem>> -> memref<128x32xf32, #tpu.memory_space<vmem>>
      %dma_start3A_164 = arith.constant 0 : i32
      %dma_start3A_165 = tpu.memref_slice %arg5[%add3A_160, %dma_start3A_164] : memref<80x128xi32, #tpu.memory_space<vmem>> -> memref<1x128xi32, #tpu.memory_space<vmem>>
      %dma_start3A_166 = tpu.memref_squeeze %dma_start3A_165 : memref<1x128xi32, #tpu.memory_space<vmem>> -> memref<128xi32, #tpu.memory_space<vmem>>
      %dma_start3A_167 = arith.constant 0 : i32
      %dma_start3A_168 = arith.constant 0 : i32
      %dma_start3A_169 = tpu.memref_slice %arg3[%dma_start3A_167, %dma_start3A_168] : memref<1015808x32xf32, #tpu.memory_space<hbm>> -> memref<1015808x32xf32, #tpu.memory_space<hbm>>
      tpu.enqueue_indirect_dma source(%dma_start3A_169 : memref<1015808x32xf32, #tpu.memory_space<hbm>>) target(%dma_start3A_163 : memref<128x32xf32, #tpu.memory_space<vmem>>) offsets(%dma_start3A_166 : memref<128xi32, #tpu.memory_space<vmem>>) semaphore(%arg10 : memref<!tpu.dma_semaphore, #tpu.memory_space<semaphore_mem>>)
      %mul3A_170 = arith.constant 10 : i32
      %mul3A_171 = arith.muli %add3A_117, %mul3A_170 : i32
      %add3A_172 = arith.constant 4 : i32
      %add3A_173 = arith.addi %mul3A_171, %add3A_172 : i32
      %dma_start3A_174 = arith.constant 512 : i32
      %dma_start3A_175 = arith.constant 0 : i32
      %dma_start3A_176 = tpu.memref_slice %arg7[%dma_start3A_174, %dma_start3A_175] : memref<1280x32xf32, #tpu.memory_space<vmem>> -> memref<128x32xf32, #tpu.memory_space<vmem>>
      %dma_start3A_177 = arith.constant 0 : i32
      %dma_start3A_178 = tpu.memref_slice %arg5[%add3A_173, %dma_start3A_177] : memref<80x128xi32, #tpu.memory_space<vmem>> -> memref<1x128xi32, #tpu.memory_space<vmem>>
      %dma_start3A_179 = tpu.memref_squeeze %dma_start3A_178 : memref<1x128xi32, #tpu.memory_space<vmem>> -> memref<128xi32, #tpu.memory_space<vmem>>
      %dma_start3A_180 = arith.constant 0 : i32
      %dma_start3A_181 = arith.constant 0 : i32
      %dma_start3A_182 = tpu.memref_slice %arg3[%dma_start3A_180, %dma_start3A_181] : memref<1015808x32xf32, #tpu.memory_space<hbm>> -> memref<1015808x32xf32, #tpu.memory_space<hbm>>
      tpu.enqueue_indirect_dma source(%dma_start3A_182 : memref<1015808x32xf32, #tpu.memory_space<hbm>>) target(%dma_start3A_176 : memref<128x32xf32, #tpu.memory_space<vmem>>) offsets(%dma_start3A_179 : memref<128xi32, #tpu.memory_space<vmem>>) semaphore(%arg10 : memref<!tpu.dma_semaphore, #tpu.memory_space<semaphore_mem>>)
      %mul3A_183 = arith.constant 10 : i32
      %mul3A_184 = arith.muli %add3A_117, %mul3A_183 : i32
      %add3A_185 = arith.constant 5 : i32
      %add3A_186 = arith.addi %mul3A_184, %add3A_185 : i32
      %dma_start3A_187 = arith.constant 640 : i32
      %dma_start3A_188 = arith.constant 0 : i32
      %dma_start3A_189 = tpu.memref_slice %arg7[%dma_start3A_187, %dma_start3A_188] : memref<1280x32xf32, #tpu.memory_space<vmem>> -> memref<128x32xf32, #tpu.memory_space<vmem>>
      %dma_start3A_190 = arith.constant 0 : i32
      %dma_start3A_191 = tpu.memref_slice %arg5[%add3A_186, %dma_start3A_190] : memref<80x128xi32, #tpu.memory_space<vmem>> -> memref<1x128xi32, #tpu.memory_space<vmem>>
      %dma_start3A_192 = tpu.memref_squeeze %dma_start3A_191 : memref<1x128xi32, #tpu.memory_space<vmem>> -> memref<128xi32, #tpu.memory_space<vmem>>
      %dma_start3A_193 = arith.constant 0 : i32
      %dma_start3A_194 = arith.constant 0 : i32
      %dma_start3A_195 = tpu.memref_slice %arg3[%dma_start3A_193, %dma_start3A_194] : memref<1015808x32xf32, #tpu.memory_space<hbm>> -> memref<1015808x32xf32, #tpu.memory_space<hbm>>
      tpu.enqueue_indirect_dma source(%dma_start3A_195 : memref<1015808x32xf32, #tpu.memory_space<hbm>>) target(%dma_start3A_189 : memref<128x32xf32, #tpu.memory_space<vmem>>) offsets(%dma_start3A_192 : memref<128xi32, #tpu.memory_space<vmem>>) semaphore(%arg10 : memref<!tpu.dma_semaphore, #tpu.memory_space<semaphore_mem>>)
      %mul3A_196 = arith.constant 10 : i32
      %mul3A_197 = arith.muli %add3A_117, %mul3A_196 : i32
      %add3A_198 = arith.constant 6 : i32
      %add3A_199 = arith.addi %mul3A_197, %add3A_198 : i32
      %dma_start3A_200 = arith.constant 768 : i32
      %dma_start3A_201 = arith.constant 0 : i32
      %dma_start3A_202 = tpu.memref_slice %arg7[%dma_start3A_200, %dma_start3A_201] : memref<1280x32xf32, #tpu.memory_space<vmem>> -> memref<128x32xf32, #tpu.memory_space<vmem>>
      %dma_start3A_203 = arith.constant 0 : i32
      %dma_start3A_204 = tpu.memref_slice %arg5[%add3A_199, %dma_start3A_203] : memref<80x128xi32, #tpu.memory_space<vmem>> -> memref<1x128xi32, #tpu.memory_space<vmem>>
      %dma_start3A_205 = tpu.memref_squeeze %dma_start3A_204 : memref<1x128xi32, #tpu.memory_space<vmem>> -> memref<128xi32, #tpu.memory_space<vmem>>
      %dma_start3A_206 = arith.constant 0 : i32
      %dma_start3A_207 = arith.constant 0 : i32
      %dma_start3A_208 = tpu.memref_slice %arg3[%dma_start3A_206, %dma_start3A_207] : memref<1015808x32xf32, #tpu.memory_space<hbm>> -> memref<1015808x32xf32, #tpu.memory_space<hbm>>
      tpu.enqueue_indirect_dma source(%dma_start3A_208 : memref<1015808x32xf32, #tpu.memory_space<hbm>>) target(%dma_start3A_202 : memref<128x32xf32, #tpu.memory_space<vmem>>) offsets(%dma_start3A_205 : memref<128xi32, #tpu.memory_space<vmem>>) semaphore(%arg10 : memref<!tpu.dma_semaphore, #tpu.memory_space<semaphore_mem>>)
      %mul3A_209 = arith.constant 10 : i32
      %mul3A_210 = arith.muli %add3A_117, %mul3A_209 : i32
      %add3A_211 = arith.constant 7 : i32
      %add3A_212 = arith.addi %mul3A_210, %add3A_211 : i32
      %dma_start3A_213 = arith.constant 896 : i32
      %dma_start3A_214 = arith.constant 0 : i32
      %dma_start3A_215 = tpu.memref_slice %arg7[%dma_start3A_213, %dma_start3A_214] : memref<1280x32xf32, #tpu.memory_space<vmem>> -> memref<128x32xf32, #tpu.memory_space<vmem>>
      %dma_start3A_216 = arith.constant 0 : i32
      %dma_start3A_217 = tpu.memref_slice %arg5[%add3A_212, %dma_start3A_216] : memref<80x128xi32, #tpu.memory_space<vmem>> -> memref<1x128xi32, #tpu.memory_space<vmem>>
      %dma_start3A_218 = tpu.memref_squeeze %dma_start3A_217 : memref<1x128xi32, #tpu.memory_space<vmem>> -> memref<128xi32, #tpu.memory_space<vmem>>
      %dma_start3A_219 = arith.constant 0 : i32
      %dma_start3A_220 = arith.constant 0 : i32
      %dma_start3A_221 = tpu.memref_slice %arg3[%dma_start3A_219, %dma_start3A_220] : memref<1015808x32xf32, #tpu.memory_space<hbm>> -> memref<1015808x32xf32, #tpu.memory_space<hbm>>
      tpu.enqueue_indirect_dma source(%dma_start3A_221 : memref<1015808x32xf32, #tpu.memory_space<hbm>>) target(%dma_start3A_215 : memref<128x32xf32, #tpu.memory_space<vmem>>) offsets(%dma_start3A_218 : memref<128xi32, #tpu.memory_space<vmem>>) semaphore(%arg10 : memref<!tpu.dma_semaphore, #tpu.memory_space<semaphore_mem>>)
      %mul3A_222 = arith.constant 10 : i32
      %mul3A_223 = arith.muli %add3A_117, %mul3A_222 : i32
      %add3A_224 = arith.constant 8 : i32
      %add3A_225 = arith.addi %mul3A_223, %add3A_224 : i32
      %dma_start3A_226 = arith.constant 1024 : i32
      %dma_start3A_227 = arith.constant 0 : i32
      %dma_start3A_228 = tpu.memref_slice %arg7[%dma_start3A_226, %dma_start3A_227] : memref<1280x32xf32, #tpu.memory_space<vmem>> -> memref<128x32xf32, #tpu.memory_space<vmem>>
      %dma_start3A_229 = arith.constant 0 : i32
      %dma_start3A_230 = tpu.memref_slice %arg5[%add3A_225, %dma_start3A_229] : memref<80x128xi32, #tpu.memory_space<vmem>> -> memref<1x128xi32, #tpu.memory_space<vmem>>
      %dma_start3A_231 = tpu.memref_squeeze %dma_start3A_230 : memref<1x128xi32, #tpu.memory_space<vmem>> -> memref<128xi32, #tpu.memory_space<vmem>>
      %dma_start3A_232 = arith.constant 0 : i32
      %dma_start3A_233 = arith.constant 0 : i32
      %dma_start3A_234 = tpu.memref_slice %arg3[%dma_start3A_232, %dma_start3A_233] : memref<1015808x32xf32, #tpu.memory_space<hbm>> -> memref<1015808x32xf32, #tpu.memory_space<hbm>>
      tpu.enqueue_indirect_dma source(%dma_start3A_234 : memref<1015808x32xf32, #tpu.memory_space<hbm>>) target(%dma_start3A_228 : memref<128x32xf32, #tpu.memory_space<vmem>>) offsets(%dma_start3A_231 : memref<128xi32, #tpu.memory_space<vmem>>) semaphore(%arg10 : memref<!tpu.dma_semaphore, #tpu.memory_space<semaphore_mem>>)
      %mul3A_235 = arith.constant 10 : i32
      %mul3A_236 = arith.muli %add3A_117, %mul3A_235 : i32
      %add3A_237 = arith.constant 9 : i32
      %add3A_238 = arith.addi %mul3A_236, %add3A_237 : i32
      %dma_start3A_239 = arith.constant 1152 : i32
      %dma_start3A_240 = arith.constant 0 : i32
      %dma_start3A_241 = tpu.memref_slice %arg7[%dma_start3A_239, %dma_start3A_240] : memref<1280x32xf32, #tpu.memory_space<vmem>> -> memref<128x32xf32, #tpu.memory_space<vmem>>
      %dma_start3A_242 = arith.constant 0 : i32
      %dma_start3A_243 = tpu.memref_slice %arg5[%add3A_238, %dma_start3A_242] : memref<80x128xi32, #tpu.memory_space<vmem>> -> memref<1x128xi32, #tpu.memory_space<vmem>>
      %dma_start3A_244 = tpu.memref_squeeze %dma_start3A_243 : memref<1x128xi32, #tpu.memory_space<vmem>> -> memref<128xi32, #tpu.memory_space<vmem>>
      %dma_start3A_245 = arith.constant 0 : i32
      %dma_start3A_246 = arith.constant 0 : i32
      %dma_start3A_247 = tpu.memref_slice %arg3[%dma_start3A_245, %dma_start3A_246] : memref<1015808x32xf32, #tpu.memory_space<hbm>> -> memref<1015808x32xf32, #tpu.memory_space<hbm>>
      tpu.enqueue_indirect_dma source(%dma_start3A_247 : memref<1015808x32xf32, #tpu.memory_space<hbm>>) target(%dma_start3A_241 : memref<128x32xf32, #tpu.memory_space<vmem>>) offsets(%dma_start3A_244 : memref<128xi32, #tpu.memory_space<vmem>>) semaphore(%arg10 : memref<!tpu.dma_semaphore, #tpu.memory_space<semaphore_mem>>)
      %dma_wait3A = arith.constant 0 : i32
      %dma_wait3A_248 = arith.constant 0 : i32
      %dma_wait3A_249 = arith.constant 0 : i32
      %dma_wait3A_250 = tpu.memref_slice %arg6[%dma_wait3A_248, %dma_wait3A_249] : memref<1280x32xf32, #tpu.memory_space<vmem>> -> memref<128x32xf32, #tpu.memory_space<vmem>>
      %dma_wait3A_251 = arith.constant 0 : i32
      %dma_wait3A_252 = tpu.memref_slice %arg5[%dma_wait3A, %dma_wait3A_251] : memref<80x128xi32, #tpu.memory_space<vmem>> -> memref<1x128xi32, #tpu.memory_space<vmem>>
      %dma_wait3A_253 = tpu.memref_squeeze %dma_wait3A_252 : memref<1x128xi32, #tpu.memory_space<vmem>> -> memref<128xi32, #tpu.memory_space<vmem>>
      %dma_wait3A_254 = arith.constant 0 : i32
      %dma_wait3A_255 = arith.constant 0 : i32
      %dma_wait3A_256 = tpu.memref_slice %arg3[%dma_wait3A_254, %dma_wait3A_255] : memref<1015808x32xf32, #tpu.memory_space<hbm>> -> memref<1015808x32xf32, #tpu.memory_space<hbm>>
      tpu.wait_indirect_dma semaphore(%arg9 : memref<!tpu.dma_semaphore, #tpu.memory_space<semaphore_mem>>) src(%dma_wait3A_256 : memref<1015808x32xf32, #tpu.memory_space<hbm>>) dst(%dma_wait3A_250 : memref<128x32xf32, #tpu.memory_space<vmem>>)
      %dma_wait3A_257 = arith.constant 1 : i32
      %dma_wait3A_258 = arith.constant 128 : i32
      %dma_wait3A_259 = arith.constant 0 : i32
      %dma_wait3A_260 = tpu.memref_slice %arg6[%dma_wait3A_258, %dma_wait3A_259] : memref<1280x32xf32, #tpu.memory_space<vmem>> -> memref<128x32xf32, #tpu.memory_space<vmem>>
      %dma_wait3A_261 = arith.constant 0 : i32
      %dma_wait3A_262 = tpu.memref_slice %arg5[%dma_wait3A_257, %dma_wait3A_261] : memref<80x128xi32, #tpu.memory_space<vmem>> -> memref<1x128xi32, #tpu.memory_space<vmem>>
      %dma_wait3A_263 = tpu.memref_squeeze %dma_wait3A_262 : memref<1x128xi32, #tpu.memory_space<vmem>> -> memref<128xi32, #tpu.memory_space<vmem>>
      %dma_wait3A_264 = arith.constant 0 : i32
      %dma_wait3A_265 = arith.constant 0 : i32
      %dma_wait3A_266 = tpu.memref_slice %arg3[%dma_wait3A_264, %dma_wait3A_265] : memref<1015808x32xf32, #tpu.memory_space<hbm>> -> memref<1015808x32xf32, #tpu.memory_space<hbm>>
      tpu.wait_indirect_dma semaphore(%arg9 : memref<!tpu.dma_semaphore, #tpu.memory_space<semaphore_mem>>) src(%dma_wait3A_266 : memref<1015808x32xf32, #tpu.memory_space<hbm>>) dst(%dma_wait3A_260 : memref<128x32xf32, #tpu.memory_space<vmem>>)
      %dma_wait3A_267 = arith.constant 2 : i32
      %dma_wait3A_268 = arith.constant 256 : i32
      %dma_wait3A_269 = arith.constant 0 : i32
      %dma_wait3A_270 = tpu.memref_slice %arg6[%dma_wait3A_268, %dma_wait3A_269] : memref<1280x32xf32, #tpu.memory_space<vmem>> -> memref<128x32xf32, #tpu.memory_space<vmem>>
      %dma_wait3A_271 = arith.constant 0 : i32
      %dma_wait3A_272 = tpu.memref_slice %arg5[%dma_wait3A_267, %dma_wait3A_271] : memref<80x128xi32, #tpu.memory_space<vmem>> -> memref<1x128xi32, #tpu.memory_space<vmem>>
      %dma_wait3A_273 = tpu.memref_squeeze %dma_wait3A_272 : memref<1x128xi32, #tpu.memory_space<vmem>> -> memref<128xi32, #tpu.memory_space<vmem>>
      %dma_wait3A_274 = arith.constant 0 : i32
      %dma_wait3A_275 = arith.constant 0 : i32
      %dma_wait3A_276 = tpu.memref_slice %arg3[%dma_wait3A_274, %dma_wait3A_275] : memref<1015808x32xf32, #tpu.memory_space<hbm>> -> memref<1015808x32xf32, #tpu.memory_space<hbm>>
      tpu.wait_indirect_dma semaphore(%arg9 : memref<!tpu.dma_semaphore, #tpu.memory_space<semaphore_mem>>) src(%dma_wait3A_276 : memref<1015808x32xf32, #tpu.memory_space<hbm>>) dst(%dma_wait3A_270 : memref<128x32xf32, #tpu.memory_space<vmem>>)
      %dma_wait3A_277 = arith.constant 3 : i32
      %dma_wait3A_278 = arith.constant 384 : i32
      %dma_wait3A_279 = arith.constant 0 : i32
      %dma_wait3A_280 = tpu.memref_slice %arg6[%dma_wait3A_278, %dma_wait3A_279] : memref<1280x32xf32, #tpu.memory_space<vmem>> -> memref<128x32xf32, #tpu.memory_space<vmem>>
      %dma_wait3A_281 = arith.constant 0 : i32
      %dma_wait3A_282 = tpu.memref_slice %arg5[%dma_wait3A_277, %dma_wait3A_281] : memref<80x128xi32, #tpu.memory_space<vmem>> -> memref<1x128xi32, #tpu.memory_space<vmem>>
      %dma_wait3A_283 = tpu.memref_squeeze %dma_wait3A_282 : memref<1x128xi32, #tpu.memory_space<vmem>> -> memref<128xi32, #tpu.memory_space<vmem>>
      %dma_wait3A_284 = arith.constant 0 : i32
      %dma_wait3A_285 = arith.constant 0 : i32
      %dma_wait3A_286 = tpu.memref_slice %arg3[%dma_wait3A_284, %dma_wait3A_285] : memref<1015808x32xf32, #tpu.memory_space<hbm>> -> memref<1015808x32xf32, #tpu.memory_space<hbm>>
      tpu.wait_indirect_dma semaphore(%arg9 : memref<!tpu.dma_semaphore, #tpu.memory_space<semaphore_mem>>) src(%dma_wait3A_286 : memref<1015808x32xf32, #tpu.memory_space<hbm>>) dst(%dma_wait3A_280 : memref<128x32xf32, #tpu.memory_space<vmem>>)
      %dma_wait3A_287 = arith.constant 4 : i32
      %dma_wait3A_288 = arith.constant 512 : i32
      %dma_wait3A_289 = arith.constant 0 : i32
      %dma_wait3A_290 = tpu.memref_slice %arg6[%dma_wait3A_288, %dma_wait3A_289] : memref<1280x32xf32, #tpu.memory_space<vmem>> -> memref<128x32xf32, #tpu.memory_space<vmem>>
      %dma_wait3A_291 = arith.constant 0 : i32
      %dma_wait3A_292 = tpu.memref_slice %arg5[%dma_wait3A_287, %dma_wait3A_291] : memref<80x128xi32, #tpu.memory_space<vmem>> -> memref<1x128xi32, #tpu.memory_space<vmem>>
      %dma_wait3A_293 = tpu.memref_squeeze %dma_wait3A_292 : memref<1x128xi32, #tpu.memory_space<vmem>> -> memref<128xi32, #tpu.memory_space<vmem>>
      %dma_wait3A_294 = arith.constant 0 : i32
      %dma_wait3A_295 = arith.constant 0 : i32
      %dma_wait3A_296 = tpu.memref_slice %arg3[%dma_wait3A_294, %dma_wait3A_295] : memref<1015808x32xf32, #tpu.memory_space<hbm>> -> memref<1015808x32xf32, #tpu.memory_space<hbm>>
      tpu.wait_indirect_dma semaphore(%arg9 : memref<!tpu.dma_semaphore, #tpu.memory_space<semaphore_mem>>) src(%dma_wait3A_296 : memref<1015808x32xf32, #tpu.memory_space<hbm>>) dst(%dma_wait3A_290 : memref<128x32xf32, #tpu.memory_space<vmem>>)
      %dma_wait3A_297 = arith.constant 5 : i32
      %dma_wait3A_298 = arith.constant 640 : i32
      %dma_wait3A_299 = arith.constant 0 : i32
      %dma_wait3A_300 = tpu.memref_slice %arg6[%dma_wait3A_298, %dma_wait3A_299] : memref<1280x32xf32, #tpu.memory_space<vmem>> -> memref<128x32xf32, #tpu.memory_space<vmem>>
      %dma_wait3A_301 = arith.constant 0 : i32
      %dma_wait3A_302 = tpu.memref_slice %arg5[%dma_wait3A_297, %dma_wait3A_301] : memref<80x128xi32, #tpu.memory_space<vmem>> -> memref<1x128xi32, #tpu.memory_space<vmem>>
      %dma_wait3A_303 = tpu.memref_squeeze %dma_wait3A_302 : memref<1x128xi32, #tpu.memory_space<vmem>> -> memref<128xi32, #tpu.memory_space<vmem>>
      %dma_wait3A_304 = arith.constant 0 : i32
      %dma_wait3A_305 = arith.constant 0 : i32
      %dma_wait3A_306 = tpu.memref_slice %arg3[%dma_wait3A_304, %dma_wait3A_305] : memref<1015808x32xf32, #tpu.memory_space<hbm>> -> memref<1015808x32xf32, #tpu.memory_space<hbm>>
      tpu.wait_indirect_dma semaphore(%arg9 : memref<!tpu.dma_semaphore, #tpu.memory_space<semaphore_mem>>) src(%dma_wait3A_306 : memref<1015808x32xf32, #tpu.memory_space<hbm>>) dst(%dma_wait3A_300 : memref<128x32xf32, #tpu.memory_space<vmem>>)
      %dma_wait3A_307 = arith.constant 6 : i32
      %dma_wait3A_308 = arith.constant 768 : i32
      %dma_wait3A_309 = arith.constant 0 : i32
      %dma_wait3A_310 = tpu.memref_slice %arg6[%dma_wait3A_308, %dma_wait3A_309] : memref<1280x32xf32, #tpu.memory_space<vmem>> -> memref<128x32xf32, #tpu.memory_space<vmem>>
      %dma_wait3A_311 = arith.constant 0 : i32
      %dma_wait3A_312 = tpu.memref_slice %arg5[%dma_wait3A_307, %dma_wait3A_311] : memref<80x128xi32, #tpu.memory_space<vmem>> -> memref<1x128xi32, #tpu.memory_space<vmem>>
      %dma_wait3A_313 = tpu.memref_squeeze %dma_wait3A_312 : memref<1x128xi32, #tpu.memory_space<vmem>> -> memref<128xi32, #tpu.memory_space<vmem>>
      %dma_wait3A_314 = arith.constant 0 : i32
      %dma_wait3A_315 = arith.constant 0 : i32
      %dma_wait3A_316 = tpu.memref_slice %arg3[%dma_wait3A_314, %dma_wait3A_315] : memref<1015808x32xf32, #tpu.memory_space<hbm>> -> memref<1015808x32xf32, #tpu.memory_space<hbm>>
      tpu.wait_indirect_dma semaphore(%arg9 : memref<!tpu.dma_semaphore, #tpu.memory_space<semaphore_mem>>) src(%dma_wait3A_316 : memref<1015808x32xf32, #tpu.memory_space<hbm>>) dst(%dma_wait3A_310 : memref<128x32xf32, #tpu.memory_space<vmem>>)
      %dma_wait3A_317 = arith.constant 7 : i32
      %dma_wait3A_318 = arith.constant 896 : i32
      %dma_wait3A_319 = arith.constant 0 : i32
      %dma_wait3A_320 = tpu.memref_slice %arg6[%dma_wait3A_318, %dma_wait3A_319] : memref<1280x32xf32, #tpu.memory_space<vmem>> -> memref<128x32xf32, #tpu.memory_space<vmem>>
      %dma_wait3A_321 = arith.constant 0 : i32
      %dma_wait3A_322 = tpu.memref_slice %arg5[%dma_wait3A_317, %dma_wait3A_321] : memref<80x128xi32, #tpu.memory_space<vmem>> -> memref<1x128xi32, #tpu.memory_space<vmem>>
      %dma_wait3A_323 = tpu.memref_squeeze %dma_wait3A_322 : memref<1x128xi32, #tpu.memory_space<vmem>> -> memref<128xi32, #tpu.memory_space<vmem>>
      %dma_wait3A_324 = arith.constant 0 : i32
      %dma_wait3A_325 = arith.constant 0 : i32
      %dma_wait3A_326 = tpu.memref_slice %arg3[%dma_wait3A_324, %dma_wait3A_325] : memref<1015808x32xf32, #tpu.memory_space<hbm>> -> memref<1015808x32xf32, #tpu.memory_space<hbm>>
      tpu.wait_indirect_dma semaphore(%arg9 : memref<!tpu.dma_semaphore, #tpu.memory_space<semaphore_mem>>) src(%dma_wait3A_326 : memref<1015808x32xf32, #tpu.memory_space<hbm>>) dst(%dma_wait3A_320 : memref<128x32xf32, #tpu.memory_space<vmem>>)
      %dma_wait3A_327 = arith.constant 8 : i32
      %dma_wait3A_328 = arith.constant 1024 : i32
      %dma_wait3A_329 = arith.constant 0 : i32
      %dma_wait3A_330 = tpu.memref_slice %arg6[%dma_wait3A_328, %dma_wait3A_329] : memref<1280x32xf32, #tpu.memory_space<vmem>> -> memref<128x32xf32, #tpu.memory_space<vmem>>
      %dma_wait3A_331 = arith.constant 0 : i32
      %dma_wait3A_332 = tpu.memref_slice %arg5[%dma_wait3A_327, %dma_wait3A_331] : memref<80x128xi32, #tpu.memory_space<vmem>> -> memref<1x128xi32, #tpu.memory_space<vmem>>
      %dma_wait3A_333 = tpu.memref_squeeze %dma_wait3A_332 : memref<1x128xi32, #tpu.memory_space<vmem>> -> memref<128xi32, #tpu.memory_space<vmem>>
      %dma_wait3A_334 = arith.constant 0 : i32
      %dma_wait3A_335 = arith.constant 0 : i32
      %dma_wait3A_336 = tpu.memref_slice %arg3[%dma_wait3A_334, %dma_wait3A_335] : memref<1015808x32xf32, #tpu.memory_space<hbm>> -> memref<1015808x32xf32, #tpu.memory_space<hbm>>
      tpu.wait_indirect_dma semaphore(%arg9 : memref<!tpu.dma_semaphore, #tpu.memory_space<semaphore_mem>>) src(%dma_wait3A_336 : memref<1015808x32xf32, #tpu.memory_space<hbm>>) dst(%dma_wait3A_330 : memref<128x32xf32, #tpu.memory_space<vmem>>)
      %dma_wait3A_337 = arith.constant 9 : i32
      %dma_wait3A_338 = arith.constant 1152 : i32
      %dma_wait3A_339 = arith.constant 0 : i32
      %dma_wait3A_340 = tpu.memref_slice %arg6[%dma_wait3A_338, %dma_wait3A_339] : memref<1280x32xf32, #tpu.memory_space<vmem>> -> memref<128x32xf32, #tpu.memory_space<vmem>>
      %dma_wait3A_341 = arith.constant 0 : i32
      %dma_wait3A_342 = tpu.memref_slice %arg5[%dma_wait3A_337, %dma_wait3A_341] : memref<80x128xi32, #tpu.memory_space<vmem>> -> memref<1x128xi32, #tpu.memory_space<vmem>>
      %dma_wait3A_343 = tpu.memref_squeeze %dma_wait3A_342 : memref<1x128xi32, #tpu.memory_space<vmem>> -> memref<128xi32, #tpu.memory_space<vmem>>
      %dma_wait3A_344 = arith.constant 0 : i32
      %dma_wait3A_345 = arith.constant 0 : i32
      %dma_wait3A_346 = tpu.memref_slice %arg3[%dma_wait3A_344, %dma_wait3A_345] : memref<1015808x32xf32, #tpu.memory_space<hbm>> -> memref<1015808x32xf32, #tpu.memory_space<hbm>>
      tpu.wait_indirect_dma semaphore(%arg9 : memref<!tpu.dma_semaphore, #tpu.memory_space<semaphore_mem>>) src(%dma_wait3A_346 : memref<1015808x32xf32, #tpu.memory_space<hbm>>) dst(%dma_wait3A_340 : memref<128x32xf32, #tpu.memory_space<vmem>>)
      %scan3A_347 = arith.constant 0 : i32
      %scan3A_348 = arith.constant 0 : i32
      %scan3A_349 = arith.constant 64 : i32
      %scan3A_350 = arith.addi %scan3A_348, %scan3A_349 : i32
      %scan3A_351 = arith.constant 1 : i32
      scf.for %scan3A_473 = %scan3A_348 to %scan3A_350 step %scan3A_351  : i32 {
        %mul3A_474 = arith.constant 20 : i32
        %mul3A_475 = arith.muli %scan3A_473, %mul3A_474 : i32
        %broadcast_in_dim3A = arith.constant 0.000000e+00 : f32
        %broadcast_in_dim3A_476 = vector.broadcast %broadcast_in_dim3A : f32 to vector<16xf32>
        %broadcast_in_dim3A_477 = arith.constant 0.000000e+00 : f32
        %broadcast_in_dim3A_478 = vector.broadcast %broadcast_in_dim3A_477 : f32 to vector<16xf32>
        %broadcast_in_dim3A_479 = arith.constant 0.000000e+00 : f32
        %broadcast_in_dim3A_480 = vector.broadcast %broadcast_in_dim3A_479 : f32 to vector<16xf32>
        %broadcast_in_dim3A_481 = arith.constant 0.000000e+00 : f32
        %broadcast_in_dim3A_482 = vector.broadcast %broadcast_in_dim3A_481 : f32 to vector<16xf32>
        %broadcast_in_dim3A_483 = arith.constant 0.000000e+00 : f32
        %broadcast_in_dim3A_484 = vector.broadcast %broadcast_in_dim3A_483 : f32 to vector<16xf32>
        %broadcast_in_dim3A_485 = arith.constant 0.000000e+00 : f32
        %broadcast_in_dim3A_486 = vector.broadcast %broadcast_in_dim3A_485 : f32 to vector<16xf32>
        %broadcast_in_dim3A_487 = arith.constant 0.000000e+00 : f32
        %broadcast_in_dim3A_488 = vector.broadcast %broadcast_in_dim3A_487 : f32 to vector<16xf32>
        %broadcast_in_dim3A_489 = arith.constant 0.000000e+00 : f32
        %broadcast_in_dim3A_490 = vector.broadcast %broadcast_in_dim3A_489 : f32 to vector<16xf32>
        %add3A_491 = arith.constant 0 : i32
        %add3A_492 = arith.addi %mul3A_475, %add3A_491 : i32
        %get3A = arith.index_cast %add3A_492 : i32 to index
        %get3A_493 = arith.constant 0 : index
        %get3A_494 = tpu.vector_load %arg6[%get3A, %get3A_493] {strides = array<i32>} : memref<1280x32xf32, #tpu.memory_space<vmem>>, vector<1x16xf32>,
        %get3A_495 = vector.shape_cast %get3A_494 : vector<1x16xf32> to vector<16xf32>
        %add3A_496 = arith.addf %broadcast_in_dim3A_476, %get3A_495 : vector<16xf32>
        %add3A_497 = arith.constant 0 : i32
        %add3A_498 = arith.addi %mul3A_475, %add3A_497 : i32
        %get3A_499 = arith.index_cast %add3A_498 : i32 to index
        %get3A_500 = arith.constant 16 : index
        %get3A_501 = tpu.vector_load %arg6[%get3A_499, %get3A_500] {strides = array<i32>} : memref<1280x32xf32, #tpu.memory_space<vmem>>, vector<1x16xf32>,
        %get3A_502 = vector.shape_cast %get3A_501 : vector<1x16xf32> to vector<16xf32>
        %add3A_503 = arith.addf %broadcast_in_dim3A_484, %get3A_502 : vector<16xf32>
        %add3A_504 = arith.constant 1 : i32
        %add3A_505 = arith.addi %mul3A_475, %add3A_504 : i32
        %get3A_506 = arith.index_cast %add3A_505 : i32 to index
        %get3A_507 = arith.constant 0 : index
        %get3A_508 = tpu.vector_load %arg6[%get3A_506, %get3A_507] {strides = array<i32>} : memref<1280x32xf32, #tpu.memory_space<vmem>>, vector<1x16xf32>,
        %get3A_509 = vector.shape_cast %get3A_508 : vector<1x16xf32> to vector<16xf32>
        %add3A_510 = arith.addf %broadcast_in_dim3A_478, %get3A_509 : vector<16xf32>
        %add3A_511 = arith.constant 1 : i32
        %add3A_512 = arith.addi %mul3A_475, %add3A_511 : i32
        %get3A_513 = arith.index_cast %add3A_512 : i32 to index
        %get3A_514 = arith.constant 16 : index
        %get3A_515 = tpu.vector_load %arg6[%get3A_513, %get3A_514] {strides = array<i32>} : memref<1280x32xf32, #tpu.memory_space<vmem>>, vector<1x16xf32>,
        %get3A_516 = vector.shape_cast %get3A_515 : vector<1x16xf32> to vector<16xf32>
        %add3A_517 = arith.addf %broadcast_in_dim3A_486, %get3A_516 : vector<16xf32>
        %add3A_518 = arith.constant 2 : i32
        %add3A_519 = arith.addi %mul3A_475, %add3A_518 : i32
        %get3A_520 = arith.index_cast %add3A_519 : i32 to index
        %get3A_521 = arith.constant 0 : index
        %get3A_522 = tpu.vector_load %arg6[%get3A_520, %get3A_521] {strides = array<i32>} : memref<1280x32xf32, #tpu.memory_space<vmem>>, vector<1x16xf32>,
        %get3A_523 = vector.shape_cast %get3A_522 : vector<1x16xf32> to vector<16xf32>
        %add3A_524 = arith.addf %broadcast_in_dim3A_480, %get3A_523 : vector<16xf32>
        %add3A_525 = arith.constant 2 : i32
        %add3A_526 = arith.addi %mul3A_475, %add3A_525 : i32
        %get3A_527 = arith.index_cast %add3A_526 : i32 to index
        %get3A_528 = arith.constant 16 : index
        %get3A_529 = tpu.vector_load %arg6[%get3A_527, %get3A_528] {strides = array<i32>} : memref<1280x32xf32, #tpu.memory_space<vmem>>, vector<1x16xf32>,
        %get3A_530 = vector.shape_cast %get3A_529 : vector<1x16xf32> to vector<16xf32>
        %add3A_531 = arith.addf %broadcast_in_dim3A_488, %get3A_530 : vector<16xf32>
        %add3A_532 = arith.constant 3 : i32
        %add3A_533 = arith.addi %mul3A_475, %add3A_532 : i32
        %get3A_534 = arith.index_cast %add3A_533 : i32 to index
        %get3A_535 = arith.constant 0 : index
        %get3A_536 = tpu.vector_load %arg6[%get3A_534, %get3A_535] {strides = array<i32>} : memref<1280x32xf32, #tpu.memory_space<vmem>>, vector<1x16xf32>,
        %get3A_537 = vector.shape_cast %get3A_536 : vector<1x16xf32> to vector<16xf32>
        %add3A_538 = arith.addf %broadcast_in_dim3A_482, %get3A_537 : vector<16xf32>
        %add3A_539 = arith.constant 3 : i32
        %add3A_540 = arith.addi %mul3A_475, %add3A_539 : i32
        %get3A_541 = arith.index_cast %add3A_540 : i32 to index
        %get3A_542 = arith.constant 16 : index
        %get3A_543 = tpu.vector_load %arg6[%get3A_541, %get3A_542] {strides = array<i32>} : memref<1280x32xf32, #tpu.memory_space<vmem>>, vector<1x16xf32>,
        %get3A_544 = vector.shape_cast %get3A_543 : vector<1x16xf32> to vector<16xf32>
        %add3A_545 = arith.addf %broadcast_in_dim3A_490, %get3A_544 : vector<16xf32>
        %add3A_546 = arith.constant 4 : i32
        %add3A_547 = arith.addi %mul3A_475, %add3A_546 : i32
        %get3A_548 = arith.index_cast %add3A_547 : i32 to index
        %get3A_549 = arith.constant 0 : index
        %get3A_550 = tpu.vector_load %arg6[%get3A_548, %get3A_549] {strides = array<i32>} : memref<1280x32xf32, #tpu.memory_space<vmem>>, vector<1x16xf32>,
        %get3A_551 = vector.shape_cast %get3A_550 : vector<1x16xf32> to vector<16xf32>
        %add3A_552 = arith.addf %add3A_496, %get3A_551 : vector<16xf32>
        %add3A_553 = arith.constant 4 : i32
        %add3A_554 = arith.addi %mul3A_475, %add3A_553 : i32
        %get3A_555 = arith.index_cast %add3A_554 : i32 to index
        %get3A_556 = arith.constant 16 : index
        %get3A_557 = tpu.vector_load %arg6[%get3A_555, %get3A_556] {strides = array<i32>} : memref<1280x32xf32, #tpu.memory_space<vmem>>, vector<1x16xf32>,
        %get3A_558 = vector.shape_cast %get3A_557 : vector<1x16xf32> to vector<16xf32>
        %add3A_559 = arith.addf %add3A_503, %get3A_558 : vector<16xf32>
        %add3A_560 = arith.constant 5 : i32
        %add3A_561 = arith.addi %mul3A_475, %add3A_560 : i32
        %get3A_562 = arith.index_cast %add3A_561 : i32 to index
        %get3A_563 = arith.constant 0 : index
        %get3A_564 = tpu.vector_load %arg6[%get3A_562, %get3A_563] {strides = array<i32>} : memref<1280x32xf32, #tpu.memory_space<vmem>>, vector<1x16xf32>,
        %get3A_565 = vector.shape_cast %get3A_564 : vector<1x16xf32> to vector<16xf32>
        %add3A_566 = arith.addf %add3A_510, %get3A_565 : vector<16xf32>
        %add3A_567 = arith.constant 5 : i32
        %add3A_568 = arith.addi %mul3A_475, %add3A_567 : i32
        %get3A_569 = arith.index_cast %add3A_568 : i32 to index
        %get3A_570 = arith.constant 16 : index
        %get3A_571 = tpu.vector_load %arg6[%get3A_569, %get3A_570] {strides = array<i32>} : memref<1280x32xf32, #tpu.memory_space<vmem>>, vector<1x16xf32>,
        %get3A_572 = vector.shape_cast %get3A_571 : vector<1x16xf32> to vector<16xf32>
        %add3A_573 = arith.addf %add3A_517, %get3A_572 : vector<16xf32>
        %add3A_574 = arith.constant 6 : i32
        %add3A_575 = arith.addi %mul3A_475, %add3A_574 : i32
        %get3A_576 = arith.index_cast %add3A_575 : i32 to index
        %get3A_577 = arith.constant 0 : index
        %get3A_578 = tpu.vector_load %arg6[%get3A_576, %get3A_577] {strides = array<i32>} : memref<1280x32xf32, #tpu.memory_space<vmem>>, vector<1x16xf32>,
        %get3A_579 = vector.shape_cast %get3A_578 : vector<1x16xf32> to vector<16xf32>
        %add3A_580 = arith.addf %add3A_524, %get3A_579 : vector<16xf32>
        %add3A_581 = arith.constant 6 : i32
        %add3A_582 = arith.addi %mul3A_475, %add3A_581 : i32
        %get3A_583 = arith.index_cast %add3A_582 : i32 to index
        %get3A_584 = arith.constant 16 : index
        %get3A_585 = tpu.vector_load %arg6[%get3A_583, %get3A_584] {strides = array<i32>} : memref<1280x32xf32, #tpu.memory_space<vmem>>, vector<1x16xf32>,
        %get3A_586 = vector.shape_cast %get3A_585 : vector<1x16xf32> to vector<16xf32>
        %add3A_587 = arith.addf %add3A_531, %get3A_586 : vector<16xf32>
        %add3A_588 = arith.constant 7 : i32
        %add3A_589 = arith.addi %mul3A_475, %add3A_588 : i32
        %get3A_590 = arith.index_cast %add3A_589 : i32 to index
        %get3A_591 = arith.constant 0 : index
        %get3A_592 = tpu.vector_load %arg6[%get3A_590, %get3A_591] {strides = array<i32>} : memref<1280x32xf32, #tpu.memory_space<vmem>>, vector<1x16xf32>,
        %get3A_593 = vector.shape_cast %get3A_592 : vector<1x16xf32> to vector<16xf32>
        %add3A_594 = arith.addf %add3A_538, %get3A_593 : vector<16xf32>
        %add3A_595 = arith.constant 7 : i32
        %add3A_596 = arith.addi %mul3A_475, %add3A_595 : i32
        %get3A_597 = arith.index_cast %add3A_596 : i32 to index
        %get3A_598 = arith.constant 16 : index
        %get3A_599 = tpu.vector_load %arg6[%get3A_597, %get3A_598] {strides = array<i32>} : memref<1280x32xf32, #tpu.memory_space<vmem>>, vector<1x16xf32>,
        %get3A_600 = vector.shape_cast %get3A_599 : vector<1x16xf32> to vector<16xf32>
        %add3A_601 = arith.addf %add3A_545, %get3A_600 : vector<16xf32>
        %add3A_602 = arith.constant 8 : i32
        %add3A_603 = arith.addi %mul3A_475, %add3A_602 : i32
        %get3A_604 = arith.index_cast %add3A_603 : i32 to index
        %get3A_605 = arith.constant 0 : index
        %get3A_606 = tpu.vector_load %arg6[%get3A_604, %get3A_605] {strides = array<i32>} : memref<1280x32xf32, #tpu.memory_space<vmem>>, vector<1x16xf32>,
        %get3A_607 = vector.shape_cast %get3A_606 : vector<1x16xf32> to vector<16xf32>
        %add3A_608 = arith.addf %add3A_552, %get3A_607 : vector<16xf32>
        %add3A_609 = arith.constant 8 : i32
        %add3A_610 = arith.addi %mul3A_475, %add3A_609 : i32
        %get3A_611 = arith.index_cast %add3A_610 : i32 to index
        %get3A_612 = arith.constant 16 : index
        %get3A_613 = tpu.vector_load %arg6[%get3A_611, %get3A_612] {strides = array<i32>} : memref<1280x32xf32, #tpu.memory_space<vmem>>, vector<1x16xf32>,
        %get3A_614 = vector.shape_cast %get3A_613 : vector<1x16xf32> to vector<16xf32>
        %add3A_615 = arith.addf %add3A_559, %get3A_614 : vector<16xf32>
        %add3A_616 = arith.constant 9 : i32
        %add3A_617 = arith.addi %mul3A_475, %add3A_616 : i32
        %get3A_618 = arith.index_cast %add3A_617 : i32 to index
        %get3A_619 = arith.constant 0 : index
        %get3A_620 = tpu.vector_load %arg6[%get3A_618, %get3A_619] {strides = array<i32>} : memref<1280x32xf32, #tpu.memory_space<vmem>>, vector<1x16xf32>,
        %get3A_621 = vector.shape_cast %get3A_620 : vector<1x16xf32> to vector<16xf32>
        %add3A_622 = arith.addf %add3A_566, %get3A_621 : vector<16xf32>
        %add3A_623 = arith.constant 9 : i32
        %add3A_624 = arith.addi %mul3A_475, %add3A_623 : i32
        %get3A_625 = arith.index_cast %add3A_624 : i32 to index
        %get3A_626 = arith.constant 16 : index
        %get3A_627 = tpu.vector_load %arg6[%get3A_625, %get3A_626] {strides = array<i32>} : memref<1280x32xf32, #tpu.memory_space<vmem>>, vector<1x16xf32>,
        %get3A_628 = vector.shape_cast %get3A_627 : vector<1x16xf32> to vector<16xf32>
        %add3A_629 = arith.addf %add3A_573, %get3A_628 : vector<16xf32>
        %add3A_630 = arith.constant 10 : i32
        %add3A_631 = arith.addi %mul3A_475, %add3A_630 : i32
        %get3A_632 = arith.index_cast %add3A_631 : i32 to index
        %get3A_633 = arith.constant 0 : index
        %get3A_634 = tpu.vector_load %arg6[%get3A_632, %get3A_633] {strides = array<i32>} : memref<1280x32xf32, #tpu.memory_space<vmem>>, vector<1x16xf32>,
        %get3A_635 = vector.shape_cast %get3A_634 : vector<1x16xf32> to vector<16xf32>
        %add3A_636 = arith.addf %add3A_580, %get3A_635 : vector<16xf32>
        %add3A_637 = arith.constant 10 : i32
        %add3A_638 = arith.addi %mul3A_475, %add3A_637 : i32
        %get3A_639 = arith.index_cast %add3A_638 : i32 to index
        %get3A_640 = arith.constant 16 : index
        %get3A_641 = tpu.vector_load %arg6[%get3A_639, %get3A_640] {strides = array<i32>} : memref<1280x32xf32, #tpu.memory_space<vmem>>, vector<1x16xf32>,
        %get3A_642 = vector.shape_cast %get3A_641 : vector<1x16xf32> to vector<16xf32>
        %add3A_643 = arith.addf %add3A_587, %get3A_642 : vector<16xf32>
        %add3A_644 = arith.constant 11 : i32
        %add3A_645 = arith.addi %mul3A_475, %add3A_644 : i32
        %get3A_646 = arith.index_cast %add3A_645 : i32 to index
        %get3A_647 = arith.constant 0 : index
        %get3A_648 = tpu.vector_load %arg6[%get3A_646, %get3A_647] {strides = array<i32>} : memref<1280x32xf32, #tpu.memory_space<vmem>>, vector<1x16xf32>,
        %get3A_649 = vector.shape_cast %get3A_648 : vector<1x16xf32> to vector<16xf32>
        %add3A_650 = arith.addf %add3A_594, %get3A_649 : vector<16xf32>
        %add3A_651 = arith.constant 11 : i32
        %add3A_652 = arith.addi %mul3A_475, %add3A_651 : i32
        %get3A_653 = arith.index_cast %add3A_652 : i32 to index
        %get3A_654 = arith.constant 16 : index
        %get3A_655 = tpu.vector_load %arg6[%get3A_653, %get3A_654] {strides = array<i32>} : memref<1280x32xf32, #tpu.memory_space<vmem>>, vector<1x16xf32>,
        %get3A_656 = vector.shape_cast %get3A_655 : vector<1x16xf32> to vector<16xf32>
        %add3A_657 = arith.addf %add3A_601, %get3A_656 : vector<16xf32>
        %add3A_658 = arith.constant 12 : i32
        %add3A_659 = arith.addi %mul3A_475, %add3A_658 : i32
        %get3A_660 = arith.index_cast %add3A_659 : i32 to index
        %get3A_661 = arith.constant 0 : index
        %get3A_662 = tpu.vector_load %arg6[%get3A_660, %get3A_661] {strides = array<i32>} : memref<1280x32xf32, #tpu.memory_space<vmem>>, vector<1x16xf32>,
        %get3A_663 = vector.shape_cast %get3A_662 : vector<1x16xf32> to vector<16xf32>
        %add3A_664 = arith.addf %add3A_608, %get3A_663 : vector<16xf32>
        %add3A_665 = arith.constant 12 : i32
        %add3A_666 = arith.addi %mul3A_475, %add3A_665 : i32
        %get3A_667 = arith.index_cast %add3A_666 : i32 to index
        %get3A_668 = arith.constant 16 : index
        %get3A_669 = tpu.vector_load %arg6[%get3A_667, %get3A_668] {strides = array<i32>} : memref<1280x32xf32, #tpu.memory_space<vmem>>, vector<1x16xf32>,
        %get3A_670 = vector.shape_cast %get3A_669 : vector<1x16xf32> to vector<16xf32>
        %add3A_671 = arith.addf %add3A_615, %get3A_670 : vector<16xf32>
        %add3A_672 = arith.constant 13 : i32
        %add3A_673 = arith.addi %mul3A_475, %add3A_672 : i32
        %get3A_674 = arith.index_cast %add3A_673 : i32 to index
        %get3A_675 = arith.constant 0 : index
        %get3A_676 = tpu.vector_load %arg6[%get3A_674, %get3A_675] {strides = array<i32>} : memref<1280x32xf32, #tpu.memory_space<vmem>>, vector<1x16xf32>,
        %get3A_677 = vector.shape_cast %get3A_676 : vector<1x16xf32> to vector<16xf32>
        %add3A_678 = arith.addf %add3A_622, %get3A_677 : vector<16xf32>
        %add3A_679 = arith.constant 13 : i32
        %add3A_680 = arith.addi %mul3A_475, %add3A_679 : i32
        %get3A_681 = arith.index_cast %add3A_680 : i32 to index
        %get3A_682 = arith.constant 16 : index
        %get3A_683 = tpu.vector_load %arg6[%get3A_681, %get3A_682] {strides = array<i32>} : memref<1280x32xf32, #tpu.memory_space<vmem>>, vector<1x16xf32>,
        %get3A_684 = vector.shape_cast %get3A_683 : vector<1x16xf32> to vector<16xf32>
        %add3A_685 = arith.addf %add3A_629, %get3A_684 : vector<16xf32>
        %add3A_686 = arith.constant 14 : i32
        %add3A_687 = arith.addi %mul3A_475, %add3A_686 : i32
        %get3A_688 = arith.index_cast %add3A_687 : i32 to index
        %get3A_689 = arith.constant 0 : index
        %get3A_690 = tpu.vector_load %arg6[%get3A_688, %get3A_689] {strides = array<i32>} : memref<1280x32xf32, #tpu.memory_space<vmem>>, vector<1x16xf32>,
        %get3A_691 = vector.shape_cast %get3A_690 : vector<1x16xf32> to vector<16xf32>
        %add3A_692 = arith.addf %add3A_636, %get3A_691 : vector<16xf32>
        %add3A_693 = arith.constant 14 : i32
        %add3A_694 = arith.addi %mul3A_475, %add3A_693 : i32
        %get3A_695 = arith.index_cast %add3A_694 : i32 to index
        %get3A_696 = arith.constant 16 : index
        %get3A_697 = tpu.vector_load %arg6[%get3A_695, %get3A_696] {strides = array<i32>} : memref<1280x32xf32, #tpu.memory_space<vmem>>, vector<1x16xf32>,
        %get3A_698 = vector.shape_cast %get3A_697 : vector<1x16xf32> to vector<16xf32>
        %add3A_699 = arith.addf %add3A_643, %get3A_698 : vector<16xf32>
        %add3A_700 = arith.constant 15 : i32
        %add3A_701 = arith.addi %mul3A_475, %add3A_700 : i32
        %get3A_702 = arith.index_cast %add3A_701 : i32 to index
        %get3A_703 = arith.constant 0 : index
        %get3A_704 = tpu.vector_load %arg6[%get3A_702, %get3A_703] {strides = array<i32>} : memref<1280x32xf32, #tpu.memory_space<vmem>>, vector<1x16xf32>,
        %get3A_705 = vector.shape_cast %get3A_704 : vector<1x16xf32> to vector<16xf32>
        %add3A_706 = arith.addf %add3A_650, %get3A_705 : vector<16xf32>
        %add3A_707 = arith.constant 15 : i32
        %add3A_708 = arith.addi %mul3A_475, %add3A_707 : i32
        %get3A_709 = arith.index_cast %add3A_708 : i32 to index
        %get3A_710 = arith.constant 16 : index
        %get3A_711 = tpu.vector_load %arg6[%get3A_709, %get3A_710] {strides = array<i32>} : memref<1280x32xf32, #tpu.memory_space<vmem>>, vector<1x16xf32>,
        %get3A_712 = vector.shape_cast %get3A_711 : vector<1x16xf32> to vector<16xf32>
        %add3A_713 = arith.addf %add3A_657, %get3A_712 : vector<16xf32>
        %add3A_714 = arith.constant 16 : i32
        %add3A_715 = arith.addi %mul3A_475, %add3A_714 : i32
        %get3A_716 = arith.index_cast %add3A_715 : i32 to index
        %get3A_717 = arith.constant 0 : index
        %get3A_718 = tpu.vector_load %arg6[%get3A_716, %get3A_717] {strides = array<i32>} : memref<1280x32xf32, #tpu.memory_space<vmem>>, vector<1x16xf32>,
        %get3A_719 = vector.shape_cast %get3A_718 : vector<1x16xf32> to vector<16xf32>
        %add3A_720 = arith.addf %add3A_664, %get3A_719 : vector<16xf32>
        %add3A_721 = arith.constant 16 : i32
        %add3A_722 = arith.addi %mul3A_475, %add3A_721 : i32
        %get3A_723 = arith.index_cast %add3A_722 : i32 to index
        %get3A_724 = arith.constant 16 : index
        %get3A_725 = tpu.vector_load %arg6[%get3A_723, %get3A_724] {strides = array<i32>} : memref<1280x32xf32, #tpu.memory_space<vmem>>, vector<1x16xf32>,
        %get3A_726 = vector.shape_cast %get3A_725 : vector<1x16xf32> to vector<16xf32>
        %add3A_727 = arith.addf %add3A_671, %get3A_726 : vector<16xf32>
        %add3A_728 = arith.constant 17 : i32
        %add3A_729 = arith.addi %mul3A_475, %add3A_728 : i32
        %get3A_730 = arith.index_cast %add3A_729 : i32 to index
        %get3A_731 = arith.constant 0 : index
        %get3A_732 = tpu.vector_load %arg6[%get3A_730, %get3A_731] {strides = array<i32>} : memref<1280x32xf32, #tpu.memory_space<vmem>>, vector<1x16xf32>,
        %get3A_733 = vector.shape_cast %get3A_732 : vector<1x16xf32> to vector<16xf32>
        %add3A_734 = arith.addf %add3A_678, %get3A_733 : vector<16xf32>
        %add3A_735 = arith.constant 17 : i32
        %add3A_736 = arith.addi %mul3A_475, %add3A_735 : i32
        %get3A_737 = arith.index_cast %add3A_736 : i32 to index
        %get3A_738 = arith.constant 16 : index
        %get3A_739 = tpu.vector_load %arg6[%get3A_737, %get3A_738] {strides = array<i32>} : memref<1280x32xf32, #tpu.memory_space<vmem>>, vector<1x16xf32>,
        %get3A_740 = vector.shape_cast %get3A_739 : vector<1x16xf32> to vector<16xf32>
        %add3A_741 = arith.addf %add3A_685, %get3A_740 : vector<16xf32>
        %add3A_742 = arith.constant 18 : i32
        %add3A_743 = arith.addi %mul3A_475, %add3A_742 : i32
        %get3A_744 = arith.index_cast %add3A_743 : i32 to index
        %get3A_745 = arith.constant 0 : index
        %get3A_746 = tpu.vector_load %arg6[%get3A_744, %get3A_745] {strides = array<i32>} : memref<1280x32xf32, #tpu.memory_space<vmem>>, vector<1x16xf32>,
        %get3A_747 = vector.shape_cast %get3A_746 : vector<1x16xf32> to vector<16xf32>
        %add3A_748 = arith.addf %add3A_692, %get3A_747 : vector<16xf32>
        %add3A_749 = arith.constant 18 : i32
        %add3A_750 = arith.addi %mul3A_475, %add3A_749 : i32
        %get3A_751 = arith.index_cast %add3A_750 : i32 to index
        %get3A_752 = arith.constant 16 : index
        %get3A_753 = tpu.vector_load %arg6[%get3A_751, %get3A_752] {strides = array<i32>} : memref<1280x32xf32, #tpu.memory_space<vmem>>, vector<1x16xf32>,
        %get3A_754 = vector.shape_cast %get3A_753 : vector<1x16xf32> to vector<16xf32>
        %add3A_755 = arith.addf %add3A_699, %get3A_754 : vector<16xf32>
        %add3A_756 = arith.constant 19 : i32
        %add3A_757 = arith.addi %mul3A_475, %add3A_756 : i32
        %get3A_758 = arith.index_cast %add3A_757 : i32 to index
        %get3A_759 = arith.constant 0 : index
        %get3A_760 = tpu.vector_load %arg6[%get3A_758, %get3A_759] {strides = array<i32>} : memref<1280x32xf32, #tpu.memory_space<vmem>>, vector<1x16xf32>,
        %get3A_761 = vector.shape_cast %get3A_760 : vector<1x16xf32> to vector<16xf32>
        %add3A_762 = arith.addf %add3A_706, %get3A_761 : vector<16xf32>
        %add3A_763 = arith.constant 19 : i32
        %add3A_764 = arith.addi %mul3A_475, %add3A_763 : i32
        %get3A_765 = arith.index_cast %add3A_764 : i32 to index
        %get3A_766 = arith.constant 16 : index
        %get3A_767 = tpu.vector_load %arg6[%get3A_765, %get3A_766] {strides = array<i32>} : memref<1280x32xf32, #tpu.memory_space<vmem>>, vector<1x16xf32>,
        %get3A_768 = vector.shape_cast %get3A_767 : vector<1x16xf32> to vector<16xf32>
        %add3A_769 = arith.addf %add3A_713, %get3A_768 : vector<16xf32>
        %add3A_770 = arith.addf %add3A_720, %add3A_734 : vector<16xf32>
        %add3A_771 = arith.addf %add3A_748, %add3A_762 : vector<16xf32>
        %add3A_772 = arith.addf %add3A_770, %add3A_771 : vector<16xf32>
        %add3A_773 = arith.addf %add3A_727, %add3A_741 : vector<16xf32>
        %add3A_774 = arith.addf %add3A_755, %add3A_769 : vector<16xf32>
        %add3A_775 = arith.addf %add3A_773, %add3A_774 : vector<16xf32>
        %div3A = arith.constant 2.000000e+01 : f32
        %div3A_776 = vector.broadcast %div3A : f32 to vector<16xf32>
        %div3A_777 = arith.divf %add3A_772, %div3A_776 : vector<16xf32>
        %swap3A = arith.index_cast %scan3A_473 : i32 to index
        %swap3A_778 = arith.constant 0 : index
        %swap3A_779 = tpu.vector_load %arg8[%swap3A, %swap3A_778] {strides = array<i32>} : memref<64x32xf32, #tpu.memory_space<vmem>>, vector<1x16xf32>,
        %swap3A_780 = vector.shape_cast %swap3A_779 : vector<1x16xf32> to vector<16xf32>
        %swap3A_781 = vector.shape_cast %div3A_777 : vector<16xf32> to vector<1x16xf32>
        tpu.vector_store %arg8[%swap3A, %swap3A_778], %swap3A_781 {strides = array<i32>} : memref<64x32xf32, #tpu.memory_space<vmem>>, vector<1x16xf32>,
        %div3A_782 = arith.constant 2.000000e+01 : f32
        %div3A_783 = vector.broadcast %div3A_782 : f32 to vector<16xf32>
        %div3A_784 = arith.divf %add3A_775, %div3A_783 : vector<16xf32>
        %swap3A_785 = arith.index_cast %scan3A_473 : i32 to index
        %swap3A_786 = arith.constant 16 : index
        %swap3A_787 = tpu.vector_load %arg8[%swap3A_785, %swap3A_786] {strides = array<i32>} : memref<64x32xf32, #tpu.memory_space<vmem>>, vector<1x16xf32>,
        %swap3A_788 = vector.shape_cast %swap3A_787 : vector<1x16xf32> to vector<16xf32>
        %swap3A_789 = vector.shape_cast %div3A_784 : vector<16xf32> to vector<1x16xf32>
        tpu.vector_store %arg8[%swap3A_785, %swap3A_786], %swap3A_789 {strides = array<i32>} : memref<64x32xf32, #tpu.memory_space<vmem>>, vector<1x16xf32>,
      }
      %scan3A_352 = arith.constant 64 : i32
      %mul3A_353 = arith.constant 512 : i32
      %mul3A_354 = arith.muli %add3A, %mul3A_353 : i32
      %mul3A_355 = arith.constant 64 : i32
      %mul3A_356 = arith.muli %mul3A_115, %mul3A_355 : i32
      %add3A_357 = arith.addi %mul3A_354, %mul3A_356 : i32
      "tpu.region"() ({
        %run_scoped3A = tpu.sem_alloc : memref<!tpu.dma_semaphore, #tpu.memory_space<semaphore_mem>>
        %dma_start3A_473 = arith.constant 0 : i32
        %dma_start3A_474 = tpu.memref_slice %arg4[%add3A_357, %dma_start3A_473] : memref<16384x32xf32, #tpu.memory_space<hbm>> -> memref<64x32xf32, #tpu.memory_space<hbm>>
        %dma_start3A_475 = arith.constant 0 : i32
        %dma_start3A_476 = tpu.memref_slice %arg4[%add3A_357, %dma_start3A_475] : memref<16384x32xf32, #tpu.memory_space<hbm>> -> memref<64x32xf32, #tpu.memory_space<hbm>>
        tpu.enqueue_dma source(%arg8 : memref<64x32xf32, #tpu.memory_space<vmem>>) target(%dma_start3A_476 : memref<64x32xf32, #tpu.memory_space<hbm>>) target_semaphore(%run_scoped3A : memref<!tpu.dma_semaphore, #tpu.memory_space<semaphore_mem>>)
        %dma_wait3A_477 = arith.constant 0 : i32
        %dma_wait3A_478 = tpu.memref_slice %arg4[%add3A_357, %dma_wait3A_477] : memref<16384x32xf32, #tpu.memory_space<hbm>> -> memref<64x32xf32, #tpu.memory_space<hbm>>
        %dma_wait3A_479 = arith.constant 0 : i32
        %dma_wait3A_480 = tpu.memref_slice %arg4[%add3A_357, %dma_wait3A_479] : memref<16384x32xf32, #tpu.memory_space<hbm>> -> memref<64x32xf32, #tpu.memory_space<hbm>>
        tpu.wait_dma2 semaphore(%run_scoped3A : memref<!tpu.dma_semaphore, #tpu.memory_space<semaphore_mem>>) src(%arg8 : memref<64x32xf32, #tpu.memory_space<vmem>>) dst(%dma_wait3A_480 : memref<64x32xf32, #tpu.memory_space<hbm>>)
        tpu.yield
      }) : () -> ()
      %lt3A = arith.constant 3 : i32
      %lt3A_358 = arith.cmpi slt, %scan3A_113, %lt3A : i32
      %convert_element_type3A = arith.extui %lt3A_358 : i1 to i32
      %cond3A = arith.constant 0 : i32
      %cond3A_359 = arith.cmpi ne, %convert_element_type3A, %cond3A : i32
      scf.if %cond3A_359 {
        %add3A_473 = arith.constant 2 : i32
        %add3A_474 = arith.addi %mul3A_115, %add3A_473 : i32
        %mul3A_475 = arith.constant 10 : i32
        %mul3A_476 = arith.muli %add3A_474, %mul3A_475 : i32
        %add3A_477 = arith.constant 0 : i32
        %add3A_478 = arith.addi %mul3A_476, %add3A_477 : i32
        %dma_start3A_479 = arith.constant 0 : i32
        %dma_start3A_480 = arith.constant 0 : i32
        %dma_start3A_481 = tpu.memref_slice %arg6[%dma_start3A_479, %dma_start3A_480] : memref<1280x32xf32, #tpu.memory_space<vmem>> -> memref<128x32xf32, #tpu.memory_space<vmem>>
        %dma_start3A_482 = arith.constant 0 : i32
        %dma_start3A_483 = tpu.memref_slice %arg5[%add3A_478, %dma_start3A_482] : memref<80x128xi32, #tpu.memory_space<vmem>> -> memref<1x128xi32, #tpu.memory_space<vmem>>
        %dma_start3A_484 = tpu.memref_squeeze %dma_start3A_483 : memref<1x128xi32, #tpu.memory_space<vmem>> -> memref<128xi32, #tpu.memory_space<vmem>>
        %dma_start3A_485 = arith.constant 0 : i32
        %dma_start3A_486 = arith.constant 0 : i32
        %dma_start3A_487 = tpu.memref_slice %arg3[%dma_start3A_485, %dma_start3A_486] : memref<1015808x32xf32, #tpu.memory_space<hbm>> -> memref<1015808x32xf32, #tpu.memory_space<hbm>>
        tpu.enqueue_indirect_dma source(%dma_start3A_487 : memref<1015808x32xf32, #tpu.memory_space<hbm>>) target(%dma_start3A_481 : memref<128x32xf32, #tpu.memory_space<vmem>>) offsets(%dma_start3A_484 : memref<128xi32, #tpu.memory_space<vmem>>) semaphore(%arg9 : memref<!tpu.dma_semaphore, #tpu.memory_space<semaphore_mem>>)
        %mul3A_488 = arith.constant 10 : i32
        %mul3A_489 = arith.muli %add3A_474, %mul3A_488 : i32
        %add3A_490 = arith.constant 1 : i32
        %add3A_491 = arith.addi %mul3A_489, %add3A_490 : i32
        %dma_start3A_492 = arith.constant 128 : i32
        %dma_start3A_493 = arith.constant 0 : i32
        %dma_start3A_494 = tpu.memref_slice %arg6[%dma_start3A_492, %dma_start3A_493] : memref<1280x32xf32, #tpu.memory_space<vmem>> -> memref<128x32xf32, #tpu.memory_space<vmem>>
        %dma_start3A_495 = arith.constant 0 : i32
        %dma_start3A_496 = tpu.memref_slice %arg5[%add3A_491, %dma_start3A_495] : memref<80x128xi32, #tpu.memory_space<vmem>> -> memref<1x128xi32, #tpu.memory_space<vmem>>
        %dma_start3A_497 = tpu.memref_squeeze %dma_start3A_496 : memref<1x128xi32, #tpu.memory_space<vmem>> -> memref<128xi32, #tpu.memory_space<vmem>>
        %dma_start3A_498 = arith.constant 0 : i32
        %dma_start3A_499 = arith.constant 0 : i32
        %dma_start3A_500 = tpu.memref_slice %arg3[%dma_start3A_498, %dma_start3A_499] : memref<1015808x32xf32, #tpu.memory_space<hbm>> -> memref<1015808x32xf32, #tpu.memory_space<hbm>>
        tpu.enqueue_indirect_dma source(%dma_start3A_500 : memref<1015808x32xf32, #tpu.memory_space<hbm>>) target(%dma_start3A_494 : memref<128x32xf32, #tpu.memory_space<vmem>>) offsets(%dma_start3A_497 : memref<128xi32, #tpu.memory_space<vmem>>) semaphore(%arg9 : memref<!tpu.dma_semaphore, #tpu.memory_space<semaphore_mem>>)
        %mul3A_501 = arith.constant 10 : i32
        %mul3A_502 = arith.muli %add3A_474, %mul3A_501 : i32
        %add3A_503 = arith.constant 2 : i32
        %add3A_504 = arith.addi %mul3A_502, %add3A_503 : i32
        %dma_start3A_505 = arith.constant 256 : i32
        %dma_start3A_506 = arith.constant 0 : i32
        %dma_start3A_507 = tpu.memref_slice %arg6[%dma_start3A_505, %dma_start3A_506] : memref<1280x32xf32, #tpu.memory_space<vmem>> -> memref<128x32xf32, #tpu.memory_space<vmem>>
        %dma_start3A_508 = arith.constant 0 : i32
        %dma_start3A_509 = tpu.memref_slice %arg5[%add3A_504, %dma_start3A_508] : memref<80x128xi32, #tpu.memory_space<vmem>> -> memref<1x128xi32, #tpu.memory_space<vmem>>
        %dma_start3A_510 = tpu.memref_squeeze %dma_start3A_509 : memref<1x128xi32, #tpu.memory_space<vmem>> -> memref<128xi32, #tpu.memory_space<vmem>>
        %dma_start3A_511 = arith.constant 0 : i32
        %dma_start3A_512 = arith.constant 0 : i32
        %dma_start3A_513 = tpu.memref_slice %arg3[%dma_start3A_511, %dma_start3A_512] : memref<1015808x32xf32, #tpu.memory_space<hbm>> -> memref<1015808x32xf32, #tpu.memory_space<hbm>>
        tpu.enqueue_indirect_dma source(%dma_start3A_513 : memref<1015808x32xf32, #tpu.memory_space<hbm>>) target(%dma_start3A_507 : memref<128x32xf32, #tpu.memory_space<vmem>>) offsets(%dma_start3A_510 : memref<128xi32, #tpu.memory_space<vmem>>) semaphore(%arg9 : memref<!tpu.dma_semaphore, #tpu.memory_space<semaphore_mem>>)
        %mul3A_514 = arith.constant 10 : i32
        %mul3A_515 = arith.muli %add3A_474, %mul3A_514 : i32
        %add3A_516 = arith.constant 3 : i32
        %add3A_517 = arith.addi %mul3A_515, %add3A_516 : i32
        %dma_start3A_518 = arith.constant 384 : i32
        %dma_start3A_519 = arith.constant 0 : i32
        %dma_start3A_520 = tpu.memref_slice %arg6[%dma_start3A_518, %dma_start3A_519] : memref<1280x32xf32, #tpu.memory_space<vmem>> -> memref<128x32xf32, #tpu.memory_space<vmem>>
        %dma_start3A_521 = arith.constant 0 : i32
        %dma_start3A_522 = tpu.memref_slice %arg5[%add3A_517, %dma_start3A_521] : memref<80x128xi32, #tpu.memory_space<vmem>> -> memref<1x128xi32, #tpu.memory_space<vmem>>
        %dma_start3A_523 = tpu.memref_squeeze %dma_start3A_522 : memref<1x128xi32, #tpu.memory_space<vmem>> -> memref<128xi32, #tpu.memory_space<vmem>>
        %dma_start3A_524 = arith.constant 0 : i32
        %dma_start3A_525 = arith.constant 0 : i32
        %dma_start3A_526 = tpu.memref_slice %arg3[%dma_start3A_524, %dma_start3A_525] : memref<1015808x32xf32, #tpu.memory_space<hbm>> -> memref<1015808x32xf32, #tpu.memory_space<hbm>>
        tpu.enqueue_indirect_dma source(%dma_start3A_526 : memref<1015808x32xf32, #tpu.memory_space<hbm>>) target(%dma_start3A_520 : memref<128x32xf32, #tpu.memory_space<vmem>>) offsets(%dma_start3A_523 : memref<128xi32, #tpu.memory_space<vmem>>) semaphore(%arg9 : memref<!tpu.dma_semaphore, #tpu.memory_space<semaphore_mem>>)
        %mul3A_527 = arith.constant 10 : i32
        %mul3A_528 = arith.muli %add3A_474, %mul3A_527 : i32
        %add3A_529 = arith.constant 4 : i32
        %add3A_530 = arith.addi %mul3A_528, %add3A_529 : i32
        %dma_start3A_531 = arith.constant 512 : i32
        %dma_start3A_532 = arith.constant 0 : i32
        %dma_start3A_533 = tpu.memref_slice %arg6[%dma_start3A_531, %dma_start3A_532] : memref<1280x32xf32, #tpu.memory_space<vmem>> -> memref<128x32xf32, #tpu.memory_space<vmem>>
        %dma_start3A_534 = arith.constant 0 : i32
        %dma_start3A_535 = tpu.memref_slice %arg5[%add3A_530, %dma_start3A_534] : memref<80x128xi32, #tpu.memory_space<vmem>> -> memref<1x128xi32, #tpu.memory_space<vmem>>
        %dma_start3A_536 = tpu.memref_squeeze %dma_start3A_535 : memref<1x128xi32, #tpu.memory_space<vmem>> -> memref<128xi32, #tpu.memory_space<vmem>>
        %dma_start3A_537 = arith.constant 0 : i32
        %dma_start3A_538 = arith.constant 0 : i32
        %dma_start3A_539 = tpu.memref_slice %arg3[%dma_start3A_537, %dma_start3A_538] : memref<1015808x32xf32, #tpu.memory_space<hbm>> -> memref<1015808x32xf32, #tpu.memory_space<hbm>>
        tpu.enqueue_indirect_dma source(%dma_start3A_539 : memref<1015808x32xf32, #tpu.memory_space<hbm>>) target(%dma_start3A_533 : memref<128x32xf32, #tpu.memory_space<vmem>>) offsets(%dma_start3A_536 : memref<128xi32, #tpu.memory_space<vmem>>) semaphore(%arg9 : memref<!tpu.dma_semaphore, #tpu.memory_space<semaphore_mem>>)
        %mul3A_540 = arith.constant 10 : i32
        %mul3A_541 = arith.muli %add3A_474, %mul3A_540 : i32
        %add3A_542 = arith.constant 5 : i32
        %add3A_543 = arith.addi %mul3A_541, %add3A_542 : i32
        %dma_start3A_544 = arith.constant 640 : i32
        %dma_start3A_545 = arith.constant 0 : i32
        %dma_start3A_546 = tpu.memref_slice %arg6[%dma_start3A_544, %dma_start3A_545] : memref<1280x32xf32, #tpu.memory_space<vmem>> -> memref<128x32xf32, #tpu.memory_space<vmem>>
        %dma_start3A_547 = arith.constant 0 : i32
        %dma_start3A_548 = tpu.memref_slice %arg5[%add3A_543, %dma_start3A_547] : memref<80x128xi32, #tpu.memory_space<vmem>> -> memref<1x128xi32, #tpu.memory_space<vmem>>
        %dma_start3A_549 = tpu.memref_squeeze %dma_start3A_548 : memref<1x128xi32, #tpu.memory_space<vmem>> -> memref<128xi32, #tpu.memory_space<vmem>>
        %dma_start3A_550 = arith.constant 0 : i32
        %dma_start3A_551 = arith.constant 0 : i32
        %dma_start3A_552 = tpu.memref_slice %arg3[%dma_start3A_550, %dma_start3A_551] : memref<1015808x32xf32, #tpu.memory_space<hbm>> -> memref<1015808x32xf32, #tpu.memory_space<hbm>>
        tpu.enqueue_indirect_dma source(%dma_start3A_552 : memref<1015808x32xf32, #tpu.memory_space<hbm>>) target(%dma_start3A_546 : memref<128x32xf32, #tpu.memory_space<vmem>>) offsets(%dma_start3A_549 : memref<128xi32, #tpu.memory_space<vmem>>) semaphore(%arg9 : memref<!tpu.dma_semaphore, #tpu.memory_space<semaphore_mem>>)
        %mul3A_553 = arith.constant 10 : i32
        %mul3A_554 = arith.muli %add3A_474, %mul3A_553 : i32
        %add3A_555 = arith.constant 6 : i32
        %add3A_556 = arith.addi %mul3A_554, %add3A_555 : i32
        %dma_start3A_557 = arith.constant 768 : i32
        %dma_start3A_558 = arith.constant 0 : i32
        %dma_start3A_559 = tpu.memref_slice %arg6[%dma_start3A_557, %dma_start3A_558] : memref<1280x32xf32, #tpu.memory_space<vmem>> -> memref<128x32xf32, #tpu.memory_space<vmem>>
        %dma_start3A_560 = arith.constant 0 : i32
        %dma_start3A_561 = tpu.memref_slice %arg5[%add3A_556, %dma_start3A_560] : memref<80x128xi32, #tpu.memory_space<vmem>> -> memref<1x128xi32, #tpu.memory_space<vmem>>
        %dma_start3A_562 = tpu.memref_squeeze %dma_start3A_561 : memref<1x128xi32, #tpu.memory_space<vmem>> -> memref<128xi32, #tpu.memory_space<vmem>>
        %dma_start3A_563 = arith.constant 0 : i32
        %dma_start3A_564 = arith.constant 0 : i32
        %dma_start3A_565 = tpu.memref_slice %arg3[%dma_start3A_563, %dma_start3A_564] : memref<1015808x32xf32, #tpu.memory_space<hbm>> -> memref<1015808x32xf32, #tpu.memory_space<hbm>>
        tpu.enqueue_indirect_dma source(%dma_start3A_565 : memref<1015808x32xf32, #tpu.memory_space<hbm>>) target(%dma_start3A_559 : memref<128x32xf32, #tpu.memory_space<vmem>>) offsets(%dma_start3A_562 : memref<128xi32, #tpu.memory_space<vmem>>) semaphore(%arg9 : memref<!tpu.dma_semaphore, #tpu.memory_space<semaphore_mem>>)
        %mul3A_566 = arith.constant 10 : i32
        %mul3A_567 = arith.muli %add3A_474, %mul3A_566 : i32
        %add3A_568 = arith.constant 7 : i32
        %add3A_569 = arith.addi %mul3A_567, %add3A_568 : i32
        %dma_start3A_570 = arith.constant 896 : i32
        %dma_start3A_571 = arith.constant 0 : i32
        %dma_start3A_572 = tpu.memref_slice %arg6[%dma_start3A_570, %dma_start3A_571] : memref<1280x32xf32, #tpu.memory_space<vmem>> -> memref<128x32xf32, #tpu.memory_space<vmem>>
        %dma_start3A_573 = arith.constant 0 : i32
        %dma_start3A_574 = tpu.memref_slice %arg5[%add3A_569, %dma_start3A_573] : memref<80x128xi32, #tpu.memory_space<vmem>> -> memref<1x128xi32, #tpu.memory_space<vmem>>
        %dma_start3A_575 = tpu.memref_squeeze %dma_start3A_574 : memref<1x128xi32, #tpu.memory_space<vmem>> -> memref<128xi32, #tpu.memory_space<vmem>>
        %dma_start3A_576 = arith.constant 0 : i32
        %dma_start3A_577 = arith.constant 0 : i32
        %dma_start3A_578 = tpu.memref_slice %arg3[%dma_start3A_576, %dma_start3A_577] : memref<1015808x32xf32, #tpu.memory_space<hbm>> -> memref<1015808x32xf32, #tpu.memory_space<hbm>>
        tpu.enqueue_indirect_dma source(%dma_start3A_578 : memref<1015808x32xf32, #tpu.memory_space<hbm>>) target(%dma_start3A_572 : memref<128x32xf32, #tpu.memory_space<vmem>>) offsets(%dma_start3A_575 : memref<128xi32, #tpu.memory_space<vmem>>) semaphore(%arg9 : memref<!tpu.dma_semaphore, #tpu.memory_space<semaphore_mem>>)
        %mul3A_579 = arith.constant 10 : i32
        %mul3A_580 = arith.muli %add3A_474, %mul3A_579 : i32
        %add3A_581 = arith.constant 8 : i32
        %add3A_582 = arith.addi %mul3A_580, %add3A_581 : i32
        %dma_start3A_583 = arith.constant 1024 : i32
        %dma_start3A_584 = arith.constant 0 : i32
        %dma_start3A_585 = tpu.memref_slice %arg6[%dma_start3A_583, %dma_start3A_584] : memref<1280x32xf32, #tpu.memory_space<vmem>> -> memref<128x32xf32, #tpu.memory_space<vmem>>
        %dma_start3A_586 = arith.constant 0 : i32
        %dma_start3A_587 = tpu.memref_slice %arg5[%add3A_582, %dma_start3A_586] : memref<80x128xi32, #tpu.memory_space<vmem>> -> memref<1x128xi32, #tpu.memory_space<vmem>>
        %dma_start3A_588 = tpu.memref_squeeze %dma_start3A_587 : memref<1x128xi32, #tpu.memory_space<vmem>> -> memref<128xi32, #tpu.memory_space<vmem>>
        %dma_start3A_589 = arith.constant 0 : i32
        %dma_start3A_590 = arith.constant 0 : i32
        %dma_start3A_591 = tpu.memref_slice %arg3[%dma_start3A_589, %dma_start3A_590] : memref<1015808x32xf32, #tpu.memory_space<hbm>> -> memref<1015808x32xf32, #tpu.memory_space<hbm>>
        tpu.enqueue_indirect_dma source(%dma_start3A_591 : memref<1015808x32xf32, #tpu.memory_space<hbm>>) target(%dma_start3A_585 : memref<128x32xf32, #tpu.memory_space<vmem>>) offsets(%dma_start3A_588 : memref<128xi32, #tpu.memory_space<vmem>>) semaphore(%arg9 : memref<!tpu.dma_semaphore, #tpu.memory_space<semaphore_mem>>)
        %mul3A_592 = arith.constant 10 : i32
        %mul3A_593 = arith.muli %add3A_474, %mul3A_592 : i32
        %add3A_594 = arith.constant 9 : i32
        %add3A_595 = arith.addi %mul3A_593, %add3A_594 : i32
        %dma_start3A_596 = arith.constant 1152 : i32
        %dma_start3A_597 = arith.constant 0 : i32
        %dma_start3A_598 = tpu.memref_slice %arg6[%dma_start3A_596, %dma_start3A_597] : memref<1280x32xf32, #tpu.memory_space<vmem>> -> memref<128x32xf32, #tpu.memory_space<vmem>>
        %dma_start3A_599 = arith.constant 0 : i32
        %dma_start3A_600 = tpu.memref_slice %arg5[%add3A_595, %dma_start3A_599] : memref<80x128xi32, #tpu.memory_space<vmem>> -> memref<1x128xi32, #tpu.memory_space<vmem>>
        %dma_start3A_601 = tpu.memref_squeeze %dma_start3A_600 : memref<1x128xi32, #tpu.memory_space<vmem>> -> memref<128xi32, #tpu.memory_space<vmem>>
        %dma_start3A_602 = arith.constant 0 : i32
        %dma_start3A_603 = arith.constant 0 : i32
        %dma_start3A_604 = tpu.memref_slice %arg3[%dma_start3A_602, %dma_start3A_603] : memref<1015808x32xf32, #tpu.memory_space<hbm>> -> memref<1015808x32xf32, #tpu.memory_space<hbm>>
        tpu.enqueue_indirect_dma source(%dma_start3A_604 : memref<1015808x32xf32, #tpu.memory_space<hbm>>) target(%dma_start3A_598 : memref<128x32xf32, #tpu.memory_space<vmem>>) offsets(%dma_start3A_601 : memref<128xi32, #tpu.memory_space<vmem>>) semaphore(%arg9 : memref<!tpu.dma_semaphore, #tpu.memory_space<semaphore_mem>>)
      } else {
      }
      %dma_wait3A_360 = arith.constant 0 : i32
      %dma_wait3A_361 = arith.constant 0 : i32
      %dma_wait3A_362 = arith.constant 0 : i32
      %dma_wait3A_363 = tpu.memref_slice %arg7[%dma_wait3A_361, %dma_wait3A_362] : memref<1280x32xf32, #tpu.memory_space<vmem>> -> memref<128x32xf32, #tpu.memory_space<vmem>>
      %dma_wait3A_364 = arith.constant 0 : i32
      %dma_wait3A_365 = tpu.memref_slice %arg5[%dma_wait3A_360, %dma_wait3A_364] : memref<80x128xi32, #tpu.memory_space<vmem>> -> memref<1x128xi32, #tpu.memory_space<vmem>>
      %dma_wait3A_366 = tpu.memref_squeeze %dma_wait3A_365 : memref<1x128xi32, #tpu.memory_space<vmem>> -> memref<128xi32, #tpu.memory_space<vmem>>
      %dma_wait3A_367 = arith.constant 0 : i32
      %dma_wait3A_368 = arith.constant 0 : i32
      %dma_wait3A_369 = tpu.memref_slice %arg3[%dma_wait3A_367, %dma_wait3A_368] : memref<1015808x32xf32, #tpu.memory_space<hbm>> -> memref<1015808x32xf32, #tpu.memory_space<hbm>>
      tpu.wait_indirect_dma semaphore(%arg10 : memref<!tpu.dma_semaphore, #tpu.memory_space<semaphore_mem>>) src(%dma_wait3A_369 : memref<1015808x32xf32, #tpu.memory_space<hbm>>) dst(%dma_wait3A_363 : memref<128x32xf32, #tpu.memory_space<vmem>>)
      %dma_wait3A_370 = arith.constant 1 : i32
      %dma_wait3A_371 = arith.constant 128 : i32
      %dma_wait3A_372 = arith.constant 0 : i32
      %dma_wait3A_373 = tpu.memref_slice %arg7[%dma_wait3A_371, %dma_wait3A_372] : memref<1280x32xf32, #tpu.memory_space<vmem>> -> memref<128x32xf32, #tpu.memory_space<vmem>>
      %dma_wait3A_374 = arith.constant 0 : i32
      %dma_wait3A_375 = tpu.memref_slice %arg5[%dma_wait3A_370, %dma_wait3A_374] : memref<80x128xi32, #tpu.memory_space<vmem>> -> memref<1x128xi32, #tpu.memory_space<vmem>>
      %dma_wait3A_376 = tpu.memref_squeeze %dma_wait3A_375 : memref<1x128xi32, #tpu.memory_space<vmem>> -> memref<128xi32, #tpu.memory_space<vmem>>
      %dma_wait3A_377 = arith.constant 0 : i32
      %dma_wait3A_378 = arith.constant 0 : i32
      %dma_wait3A_379 = tpu.memref_slice %arg3[%dma_wait3A_377, %dma_wait3A_378] : memref<1015808x32xf32, #tpu.memory_space<hbm>> -> memref<1015808x32xf32, #tpu.memory_space<hbm>>
      tpu.wait_indirect_dma semaphore(%arg10 : memref<!tpu.dma_semaphore, #tpu.memory_space<semaphore_mem>>) src(%dma_wait3A_379 : memref<1015808x32xf32, #tpu.memory_space<hbm>>) dst(%dma_wait3A_373 : memref<128x32xf32, #tpu.memory_space<vmem>>)
      %dma_wait3A_380 = arith.constant 2 : i32
      %dma_wait3A_381 = arith.constant 256 : i32
      %dma_wait3A_382 = arith.constant 0 : i32
      %dma_wait3A_383 = tpu.memref_slice %arg7[%dma_wait3A_381, %dma_wait3A_382] : memref<1280x32xf32, #tpu.memory_space<vmem>> -> memref<128x32xf32, #tpu.memory_space<vmem>>
      %dma_wait3A_384 = arith.constant 0 : i32
      %dma_wait3A_385 = tpu.memref_slice %arg5[%dma_wait3A_380, %dma_wait3A_384] : memref<80x128xi32, #tpu.memory_space<vmem>> -> memref<1x128xi32, #tpu.memory_space<vmem>>
      %dma_wait3A_386 = tpu.memref_squeeze %dma_wait3A_385 : memref<1x128xi32, #tpu.memory_space<vmem>> -> memref<128xi32, #tpu.memory_space<vmem>>
      %dma_wait3A_387 = arith.constant 0 : i32
      %dma_wait3A_388 = arith.constant 0 : i32
      %dma_wait3A_389 = tpu.memref_slice %arg3[%dma_wait3A_387, %dma_wait3A_388] : memref<1015808x32xf32, #tpu.memory_space<hbm>> -> memref<1015808x32xf32, #tpu.memory_space<hbm>>
      tpu.wait_indirect_dma semaphore(%arg10 : memref<!tpu.dma_semaphore, #tpu.memory_space<semaphore_mem>>) src(%dma_wait3A_389 : memref<1015808x32xf32, #tpu.memory_space<hbm>>) dst(%dma_wait3A_383 : memref<128x32xf32, #tpu.memory_space<vmem>>)
      %dma_wait3A_390 = arith.constant 3 : i32
      %dma_wait3A_391 = arith.constant 384 : i32
      %dma_wait3A_392 = arith.constant 0 : i32
      %dma_wait3A_393 = tpu.memref_slice %arg7[%dma_wait3A_391, %dma_wait3A_392] : memref<1280x32xf32, #tpu.memory_space<vmem>> -> memref<128x32xf32, #tpu.memory_space<vmem>>
      %dma_wait3A_394 = arith.constant 0 : i32
      %dma_wait3A_395 = tpu.memref_slice %arg5[%dma_wait3A_390, %dma_wait3A_394] : memref<80x128xi32, #tpu.memory_space<vmem>> -> memref<1x128xi32, #tpu.memory_space<vmem>>
      %dma_wait3A_396 = tpu.memref_squeeze %dma_wait3A_395 : memref<1x128xi32, #tpu.memory_space<vmem>> -> memref<128xi32, #tpu.memory_space<vmem>>
      %dma_wait3A_397 = arith.constant 0 : i32
      %dma_wait3A_398 = arith.constant 0 : i32
      %dma_wait3A_399 = tpu.memref_slice %arg3[%dma_wait3A_397, %dma_wait3A_398] : memref<1015808x32xf32, #tpu.memory_space<hbm>> -> memref<1015808x32xf32, #tpu.memory_space<hbm>>
      tpu.wait_indirect_dma semaphore(%arg10 : memref<!tpu.dma_semaphore, #tpu.memory_space<semaphore_mem>>) src(%dma_wait3A_399 : memref<1015808x32xf32, #tpu.memory_space<hbm>>) dst(%dma_wait3A_393 : memref<128x32xf32, #tpu.memory_space<vmem>>)
      %dma_wait3A_400 = arith.constant 4 : i32
      %dma_wait3A_401 = arith.constant 512 : i32
      %dma_wait3A_402 = arith.constant 0 : i32
      %dma_wait3A_403 = tpu.memref_slice %arg7[%dma_wait3A_401, %dma_wait3A_402] : memref<1280x32xf32, #tpu.memory_space<vmem>> -> memref<128x32xf32, #tpu.memory_space<vmem>>
      %dma_wait3A_404 = arith.constant 0 : i32
      %dma_wait3A_405 = tpu.memref_slice %arg5[%dma_wait3A_400, %dma_wait3A_404] : memref<80x128xi32, #tpu.memory_space<vmem>> -> memref<1x128xi32, #tpu.memory_space<vmem>>
      %dma_wait3A_406 = tpu.memref_squeeze %dma_wait3A_405 : memref<1x128xi32, #tpu.memory_space<vmem>> -> memref<128xi32, #tpu.memory_space<vmem>>
      %dma_wait3A_407 = arith.constant 0 : i32
      %dma_wait3A_408 = arith.constant 0 : i32
      %dma_wait3A_409 = tpu.memref_slice %arg3[%dma_wait3A_407, %dma_wait3A_408] : memref<1015808x32xf32, #tpu.memory_space<hbm>> -> memref<1015808x32xf32, #tpu.memory_space<hbm>>
      tpu.wait_indirect_dma semaphore(%arg10 : memref<!tpu.dma_semaphore, #tpu.memory_space<semaphore_mem>>) src(%dma_wait3A_409 : memref<1015808x32xf32, #tpu.memory_space<hbm>>) dst(%dma_wait3A_403 : memref<128x32xf32, #tpu.memory_space<vmem>>)
      %dma_wait3A_410 = arith.constant 5 : i32
      %dma_wait3A_411 = arith.constant 640 : i32
      %dma_wait3A_412 = arith.constant 0 : i32
      %dma_wait3A_413 = tpu.memref_slice %arg7[%dma_wait3A_411, %dma_wait3A_412] : memref<1280x32xf32, #tpu.memory_space<vmem>> -> memref<128x32xf32, #tpu.memory_space<vmem>>
      %dma_wait3A_414 = arith.constant 0 : i32
      %dma_wait3A_415 = tpu.memref_slice %arg5[%dma_wait3A_410, %dma_wait3A_414] : memref<80x128xi32, #tpu.memory_space<vmem>> -> memref<1x128xi32, #tpu.memory_space<vmem>>
      %dma_wait3A_416 = tpu.memref_squeeze %dma_wait3A_415 : memref<1x128xi32, #tpu.memory_space<vmem>> -> memref<128xi32, #tpu.memory_space<vmem>>
      %dma_wait3A_417 = arith.constant 0 : i32
      %dma_wait3A_418 = arith.constant 0 : i32
      %dma_wait3A_419 = tpu.memref_slice %arg3[%dma_wait3A_417, %dma_wait3A_418] : memref<1015808x32xf32, #tpu.memory_space<hbm>> -> memref<1015808x32xf32, #tpu.memory_space<hbm>>
      tpu.wait_indirect_dma semaphore(%arg10 : memref<!tpu.dma_semaphore, #tpu.memory_space<semaphore_mem>>) src(%dma_wait3A_419 : memref<1015808x32xf32, #tpu.memory_space<hbm>>) dst(%dma_wait3A_413 : memref<128x32xf32, #tpu.memory_space<vmem>>)
      %dma_wait3A_420 = arith.constant 6 : i32
      %dma_wait3A_421 = arith.constant 768 : i32
      %dma_wait3A_422 = arith.constant 0 : i32
      %dma_wait3A_423 = tpu.memref_slice %arg7[%dma_wait3A_421, %dma_wait3A_422] : memref<1280x32xf32, #tpu.memory_space<vmem>> -> memref<128x32xf32, #tpu.memory_space<vmem>>
      %dma_wait3A_424 = arith.constant 0 : i32
      %dma_wait3A_425 = tpu.memref_slice %arg5[%dma_wait3A_420, %dma_wait3A_424] : memref<80x128xi32, #tpu.memory_space<vmem>> -> memref<1x128xi32, #tpu.memory_space<vmem>>
      %dma_wait3A_426 = tpu.memref_squeeze %dma_wait3A_425 : memref<1x128xi32, #tpu.memory_space<vmem>> -> memref<128xi32, #tpu.memory_space<vmem>>
      %dma_wait3A_427 = arith.constant 0 : i32
      %dma_wait3A_428 = arith.constant 0 : i32
      %dma_wait3A_429 = tpu.memref_slice %arg3[%dma_wait3A_427, %dma_wait3A_428] : memref<1015808x32xf32, #tpu.memory_space<hbm>> -> memref<1015808x32xf32, #tpu.memory_space<hbm>>
      tpu.wait_indirect_dma semaphore(%arg10 : memref<!tpu.dma_semaphore, #tpu.memory_space<semaphore_mem>>) src(%dma_wait3A_429 : memref<1015808x32xf32, #tpu.memory_space<hbm>>) dst(%dma_wait3A_423 : memref<128x32xf32, #tpu.memory_space<vmem>>)
      %dma_wait3A_430 = arith.constant 7 : i32
      %dma_wait3A_431 = arith.constant 896 : i32
      %dma_wait3A_432 = arith.constant 0 : i32
      %dma_wait3A_433 = tpu.memref_slice %arg7[%dma_wait3A_431, %dma_wait3A_432] : memref<1280x32xf32, #tpu.memory_space<vmem>> -> memref<128x32xf32, #tpu.memory_space<vmem>>
      %dma_wait3A_434 = arith.constant 0 : i32
      %dma_wait3A_435 = tpu.memref_slice %arg5[%dma_wait3A_430, %dma_wait3A_434] : memref<80x128xi32, #tpu.memory_space<vmem>> -> memref<1x128xi32, #tpu.memory_space<vmem>>
      %dma_wait3A_436 = tpu.memref_squeeze %dma_wait3A_435 : memref<1x128xi32, #tpu.memory_space<vmem>> -> memref<128xi32, #tpu.memory_space<vmem>>
      %dma_wait3A_437 = arith.constant 0 : i32
      %dma_wait3A_438 = arith.constant 0 : i32
      %dma_wait3A_439 = tpu.memref_slice %arg3[%dma_wait3A_437, %dma_wait3A_438] : memref<1015808x32xf32, #tpu.memory_space<hbm>> -> memref<1015808x32xf32, #tpu.memory_space<hbm>>
      tpu.wait_indirect_dma semaphore(%arg10 : memref<!tpu.dma_semaphore, #tpu.memory_space<semaphore_mem>>) src(%dma_wait3A_439 : memref<1015808x32xf32, #tpu.memory_space<hbm>>) dst(%dma_wait3A_433 : memref<128x32xf32, #tpu.memory_space<vmem>>)
      %dma_wait3A_440 = arith.constant 8 : i32
      %dma_wait3A_441 = arith.constant 1024 : i32
      %dma_wait3A_442 = arith.constant 0 : i32
      %dma_wait3A_443 = tpu.memref_slice %arg7[%dma_wait3A_441, %dma_wait3A_442] : memref<1280x32xf32, #tpu.memory_space<vmem>> -> memref<128x32xf32, #tpu.memory_space<vmem>>
      %dma_wait3A_444 = arith.constant 0 : i32
      %dma_wait3A_445 = tpu.memref_slice %arg5[%dma_wait3A_440, %dma_wait3A_444] : memref<80x128xi32, #tpu.memory_space<vmem>> -> memref<1x128xi32, #tpu.memory_space<vmem>>
      %dma_wait3A_446 = tpu.memref_squeeze %dma_wait3A_445 : memref<1x128xi32, #tpu.memory_space<vmem>> -> memref<128xi32, #tpu.memory_space<vmem>>
      %dma_wait3A_447 = arith.constant 0 : i32
      %dma_wait3A_448 = arith.constant 0 : i32
      %dma_wait3A_449 = tpu.memref_slice %arg3[%dma_wait3A_447, %dma_wait3A_448] : memref<1015808x32xf32, #tpu.memory_space<hbm>> -> memref<1015808x32xf32, #tpu.memory_space<hbm>>
      tpu.wait_indirect_dma semaphore(%arg10 : memref<!tpu.dma_semaphore, #tpu.memory_space<semaphore_mem>>) src(%dma_wait3A_449 : memref<1015808x32xf32, #tpu.memory_space<hbm>>) dst(%dma_wait3A_443 : memref<128x32xf32, #tpu.memory_space<vmem>>)
      %dma_wait3A_450 = arith.constant 9 : i32
      %dma_wait3A_451 = arith.constant 1152 : i32
      %dma_wait3A_452 = arith.constant 0 : i32
      %dma_wait3A_453 = tpu.memref_slice %arg7[%dma_wait3A_451, %dma_wait3A_452] : memref<1280x32xf32, #tpu.memory_space<vmem>> -> memref<128x32xf32, #tpu.memory_space<vmem>>
      %dma_wait3A_454 = arith.constant 0 : i32
      %dma_wait3A_455 = tpu.memref_slice %arg5[%dma_wait3A_450, %dma_wait3A_454] : memref<80x128xi32, #tpu.memory_space<vmem>> -> memref<1x128xi32, #tpu.memory_space<vmem>>
      %dma_wait3A_456 = tpu.memref_squeeze %dma_wait3A_455 : memref<1x128xi32, #tpu.memory_space<vmem>> -> memref<128xi32, #tpu.memory_space<vmem>>
      %dma_wait3A_457 = arith.constant 0 : i32
      %dma_wait3A_458 = arith.constant 0 : i32
      %dma_wait3A_459 = tpu.memref_slice %arg3[%dma_wait3A_457, %dma_wait3A_458] : memref<1015808x32xf32, #tpu.memory_space<hbm>> -> memref<1015808x32xf32, #tpu.memory_space<hbm>>
      tpu.wait_indirect_dma semaphore(%arg10 : memref<!tpu.dma_semaphore, #tpu.memory_space<semaphore_mem>>) src(%dma_wait3A_459 : memref<1015808x32xf32, #tpu.memory_space<hbm>>) dst(%dma_wait3A_453 : memref<128x32xf32, #tpu.memory_space<vmem>>)
      %add3A_460 = arith.constant 1 : i32
      %add3A_461 = arith.addi %mul3A_115, %add3A_460 : i32
      %scan3A_462 = arith.constant 0 : i32
      %scan3A_463 = arith.constant 0 : i32
      %scan3A_464 = arith.constant 64 : i32
      %scan3A_465 = arith.addi %scan3A_463, %scan3A_464 : i32
      %scan3A_466 = arith.constant 1 : i32
      scf.for %scan3A_473 = %scan3A_463 to %scan3A_465 step %scan3A_466  : i32 {
        %mul3A_474 = arith.constant 20 : i32
        %mul3A_475 = arith.muli %scan3A_473, %mul3A_474 : i32
        %broadcast_in_dim3A = arith.constant 0.000000e+00 : f32
        %broadcast_in_dim3A_476 = vector.broadcast %broadcast_in_dim3A : f32 to vector<16xf32>
        %broadcast_in_dim3A_477 = arith.constant 0.000000e+00 : f32
        %broadcast_in_dim3A_478 = vector.broadcast %broadcast_in_dim3A_477 : f32 to vector<16xf32>
        %broadcast_in_dim3A_479 = arith.constant 0.000000e+00 : f32
        %broadcast_in_dim3A_480 = vector.broadcast %broadcast_in_dim3A_479 : f32 to vector<16xf32>
        %broadcast_in_dim3A_481 = arith.constant 0.000000e+00 : f32
        %broadcast_in_dim3A_482 = vector.broadcast %broadcast_in_dim3A_481 : f32 to vector<16xf32>
        %broadcast_in_dim3A_483 = arith.constant 0.000000e+00 : f32
        %broadcast_in_dim3A_484 = vector.broadcast %broadcast_in_dim3A_483 : f32 to vector<16xf32>
        %broadcast_in_dim3A_485 = arith.constant 0.000000e+00 : f32
        %broadcast_in_dim3A_486 = vector.broadcast %broadcast_in_dim3A_485 : f32 to vector<16xf32>
        %broadcast_in_dim3A_487 = arith.constant 0.000000e+00 : f32
        %broadcast_in_dim3A_488 = vector.broadcast %broadcast_in_dim3A_487 : f32 to vector<16xf32>
        %broadcast_in_dim3A_489 = arith.constant 0.000000e+00 : f32
        %broadcast_in_dim3A_490 = vector.broadcast %broadcast_in_dim3A_489 : f32 to vector<16xf32>
        %add3A_491 = arith.constant 0 : i32
        %add3A_492 = arith.addi %mul3A_475, %add3A_491 : i32
        %get3A = arith.index_cast %add3A_492 : i32 to index
        %get3A_493 = arith.constant 0 : index
        %get3A_494 = tpu.vector_load %arg7[%get3A, %get3A_493] {strides = array<i32>} : memref<1280x32xf32, #tpu.memory_space<vmem>>, vector<1x16xf32>,
        %get3A_495 = vector.shape_cast %get3A_494 : vector<1x16xf32> to vector<16xf32>
        %add3A_496 = arith.addf %broadcast_in_dim3A_476, %get3A_495 : vector<16xf32>
        %add3A_497 = arith.constant 0 : i32
        %add3A_498 = arith.addi %mul3A_475, %add3A_497 : i32
        %get3A_499 = arith.index_cast %add3A_498 : i32 to index
        %get3A_500 = arith.constant 16 : index
        %get3A_501 = tpu.vector_load %arg7[%get3A_499, %get3A_500] {strides = array<i32>} : memref<1280x32xf32, #tpu.memory_space<vmem>>, vector<1x16xf32>,
        %get3A_502 = vector.shape_cast %get3A_501 : vector<1x16xf32> to vector<16xf32>
        %add3A_503 = arith.addf %broadcast_in_dim3A_484, %get3A_502 : vector<16xf32>
        %add3A_504 = arith.constant 1 : i32
        %add3A_505 = arith.addi %mul3A_475, %add3A_504 : i32
        %get3A_506 = arith.index_cast %add3A_505 : i32 to index
        %get3A_507 = arith.constant 0 : index
        %get3A_508 = tpu.vector_load %arg7[%get3A_506, %get3A_507] {strides = array<i32>} : memref<1280x32xf32, #tpu.memory_space<vmem>>, vector<1x16xf32>,
        %get3A_509 = vector.shape_cast %get3A_508 : vector<1x16xf32> to vector<16xf32>
        %add3A_510 = arith.addf %broadcast_in_dim3A_478, %get3A_509 : vector<16xf32>
        %add3A_511 = arith.constant 1 : i32
        %add3A_512 = arith.addi %mul3A_475, %add3A_511 : i32
        %get3A_513 = arith.index_cast %add3A_512 : i32 to index
        %get3A_514 = arith.constant 16 : index
        %get3A_515 = tpu.vector_load %arg7[%get3A_513, %get3A_514] {strides = array<i32>} : memref<1280x32xf32, #tpu.memory_space<vmem>>, vector<1x16xf32>,
        %get3A_516 = vector.shape_cast %get3A_515 : vector<1x16xf32> to vector<16xf32>
        %add3A_517 = arith.addf %broadcast_in_dim3A_486, %get3A_516 : vector<16xf32>
        %add3A_518 = arith.constant 2 : i32
        %add3A_519 = arith.addi %mul3A_475, %add3A_518 : i32
        %get3A_520 = arith.index_cast %add3A_519 : i32 to index
        %get3A_521 = arith.constant 0 : index
        %get3A_522 = tpu.vector_load %arg7[%get3A_520, %get3A_521] {strides = array<i32>} : memref<1280x32xf32, #tpu.memory_space<vmem>>, vector<1x16xf32>,
        %get3A_523 = vector.shape_cast %get3A_522 : vector<1x16xf32> to vector<16xf32>
        %add3A_524 = arith.addf %broadcast_in_dim3A_480, %get3A_523 : vector<16xf32>
        %add3A_525 = arith.constant 2 : i32
        %add3A_526 = arith.addi %mul3A_475, %add3A_525 : i32
        %get3A_527 = arith.index_cast %add3A_526 : i32 to index
        %get3A_528 = arith.constant 16 : index
        %get3A_529 = tpu.vector_load %arg7[%get3A_527, %get3A_528] {strides = array<i32>} : memref<1280x32xf32, #tpu.memory_space<vmem>>, vector<1x16xf32>,
        %get3A_530 = vector.shape_cast %get3A_529 : vector<1x16xf32> to vector<16xf32>
        %add3A_531 = arith.addf %broadcast_in_dim3A_488, %get3A_530 : vector<16xf32>
        %add3A_532 = arith.constant 3 : i32
        %add3A_533 = arith.addi %mul3A_475, %add3A_532 : i32
        %get3A_534 = arith.index_cast %add3A_533 : i32 to index
        %get3A_535 = arith.constant 0 : index
        %get3A_536 = tpu.vector_load %arg7[%get3A_534, %get3A_535] {strides = array<i32>} : memref<1280x32xf32, #tpu.memory_space<vmem>>, vector<1x16xf32>,
        %get3A_537 = vector.shape_cast %get3A_536 : vector<1x16xf32> to vector<16xf32>
        %add3A_538 = arith.addf %broadcast_in_dim3A_482, %get3A_537 : vector<16xf32>
        %add3A_539 = arith.constant 3 : i32
        %add3A_540 = arith.addi %mul3A_475, %add3A_539 : i32
        %get3A_541 = arith.index_cast %add3A_540 : i32 to index
        %get3A_542 = arith.constant 16 : index
        %get3A_543 = tpu.vector_load %arg7[%get3A_541, %get3A_542] {strides = array<i32>} : memref<1280x32xf32, #tpu.memory_space<vmem>>, vector<1x16xf32>,
        %get3A_544 = vector.shape_cast %get3A_543 : vector<1x16xf32> to vector<16xf32>
        %add3A_545 = arith.addf %broadcast_in_dim3A_490, %get3A_544 : vector<16xf32>
        %add3A_546 = arith.constant 4 : i32
        %add3A_547 = arith.addi %mul3A_475, %add3A_546 : i32
        %get3A_548 = arith.index_cast %add3A_547 : i32 to index
        %get3A_549 = arith.constant 0 : index
        %get3A_550 = tpu.vector_load %arg7[%get3A_548, %get3A_549] {strides = array<i32>} : memref<1280x32xf32, #tpu.memory_space<vmem>>, vector<1x16xf32>,
        %get3A_551 = vector.shape_cast %get3A_550 : vector<1x16xf32> to vector<16xf32>
        %add3A_552 = arith.addf %add3A_496, %get3A_551 : vector<16xf32>
        %add3A_553 = arith.constant 4 : i32
        %add3A_554 = arith.addi %mul3A_475, %add3A_553 : i32
        %get3A_555 = arith.index_cast %add3A_554 : i32 to index
        %get3A_556 = arith.constant 16 : index
        %get3A_557 = tpu.vector_load %arg7[%get3A_555, %get3A_556] {strides = array<i32>} : memref<1280x32xf32, #tpu.memory_space<vmem>>, vector<1x16xf32>,
        %get3A_558 = vector.shape_cast %get3A_557 : vector<1x16xf32> to vector<16xf32>
        %add3A_559 = arith.addf %add3A_503, %get3A_558 : vector<16xf32>
        %add3A_560 = arith.constant 5 : i32
        %add3A_561 = arith.addi %mul3A_475, %add3A_560 : i32
        %get3A_562 = arith.index_cast %add3A_561 : i32 to index
        %get3A_563 = arith.constant 0 : index
        %get3A_564 = tpu.vector_load %arg7[%get3A_562, %get3A_563] {strides = array<i32>} : memref<1280x32xf32, #tpu.memory_space<vmem>>, vector<1x16xf32>,
        %get3A_565 = vector.shape_cast %get3A_564 : vector<1x16xf32> to vector<16xf32>
        %add3A_566 = arith.addf %add3A_510, %get3A_565 : vector<16xf32>
        %add3A_567 = arith.constant 5 : i32
        %add3A_568 = arith.addi %mul3A_475, %add3A_567 : i32
        %get3A_569 = arith.index_cast %add3A_568 : i32 to index
        %get3A_570 = arith.constant 16 : index
        %get3A_571 = tpu.vector_load %arg7[%get3A_569, %get3A_570] {strides = array<i32>} : memref<1280x32xf32, #tpu.memory_space<vmem>>, vector<1x16xf32>,
        %get3A_572 = vector.shape_cast %get3A_571 : vector<1x16xf32> to vector<16xf32>
        %add3A_573 = arith.addf %add3A_517, %get3A_572 : vector<16xf32>
        %add3A_574 = arith.constant 6 : i32
        %add3A_575 = arith.addi %mul3A_475, %add3A_574 : i32
        %get3A_576 = arith.index_cast %add3A_575 : i32 to index
        %get3A_577 = arith.constant 0 : index
        %get3A_578 = tpu.vector_load %arg7[%get3A_576, %get3A_577] {strides = array<i32>} : memref<1280x32xf32, #tpu.memory_space<vmem>>, vector<1x16xf32>,
        %get3A_579 = vector.shape_cast %get3A_578 : vector<1x16xf32> to vector<16xf32>
        %add3A_580 = arith.addf %add3A_524, %get3A_579 : vector<16xf32>
        %add3A_581 = arith.constant 6 : i32
        %add3A_582 = arith.addi %mul3A_475, %add3A_581 : i32
        %get3A_583 = arith.index_cast %add3A_582 : i32 to index
        %get3A_584 = arith.constant 16 : index
        %get3A_585 = tpu.vector_load %arg7[%get3A_583, %get3A_584] {strides = array<i32>} : memref<1280x32xf32, #tpu.memory_space<vmem>>, vector<1x16xf32>,
        %get3A_586 = vector.shape_cast %get3A_585 : vector<1x16xf32> to vector<16xf32>
        %add3A_587 = arith.addf %add3A_531, %get3A_586 : vector<16xf32>
        %add3A_588 = arith.constant 7 : i32
        %add3A_589 = arith.addi %mul3A_475, %add3A_588 : i32
        %get3A_590 = arith.index_cast %add3A_589 : i32 to index
        %get3A_591 = arith.constant 0 : index
        %get3A_592 = tpu.vector_load %arg7[%get3A_590, %get3A_591] {strides = array<i32>} : memref<1280x32xf32, #tpu.memory_space<vmem>>, vector<1x16xf32>,
        %get3A_593 = vector.shape_cast %get3A_592 : vector<1x16xf32> to vector<16xf32>
        %add3A_594 = arith.addf %add3A_538, %get3A_593 : vector<16xf32>
        %add3A_595 = arith.constant 7 : i32
        %add3A_596 = arith.addi %mul3A_475, %add3A_595 : i32
        %get3A_597 = arith.index_cast %add3A_596 : i32 to index
        %get3A_598 = arith.constant 16 : index
        %get3A_599 = tpu.vector_load %arg7[%get3A_597, %get3A_598] {strides = array<i32>} : memref<1280x32xf32, #tpu.memory_space<vmem>>, vector<1x16xf32>,
        %get3A_600 = vector.shape_cast %get3A_599 : vector<1x16xf32> to vector<16xf32>
        %add3A_601 = arith.addf %add3A_545, %get3A_600 : vector<16xf32>
        %add3A_602 = arith.constant 8 : i32
        %add3A_603 = arith.addi %mul3A_475, %add3A_602 : i32
        %get3A_604 = arith.index_cast %add3A_603 : i32 to index
        %get3A_605 = arith.constant 0 : index
        %get3A_606 = tpu.vector_load %arg7[%get3A_604, %get3A_605] {strides = array<i32>} : memref<1280x32xf32, #tpu.memory_space<vmem>>, vector<1x16xf32>,
        %get3A_607 = vector.shape_cast %get3A_606 : vector<1x16xf32> to vector<16xf32>
        %add3A_608 = arith.addf %add3A_552, %get3A_607 : vector<16xf32>
        %add3A_609 = arith.constant 8 : i32
        %add3A_610 = arith.addi %mul3A_475, %add3A_609 : i32
        %get3A_611 = arith.index_cast %add3A_610 : i32 to index
        %get3A_612 = arith.constant 16 : index
        %get3A_613 = tpu.vector_load %arg7[%get3A_611, %get3A_612] {strides = array<i32>} : memref<1280x32xf32, #tpu.memory_space<vmem>>, vector<1x16xf32>,
        %get3A_614 = vector.shape_cast %get3A_613 : vector<1x16xf32> to vector<16xf32>
        %add3A_615 = arith.addf %add3A_559, %get3A_614 : vector<16xf32>
        %add3A_616 = arith.constant 9 : i32
        %add3A_617 = arith.addi %mul3A_475, %add3A_616 : i32
        %get3A_618 = arith.index_cast %add3A_617 : i32 to index
        %get3A_619 = arith.constant 0 : index
        %get3A_620 = tpu.vector_load %arg7[%get3A_618, %get3A_619] {strides = array<i32>} : memref<1280x32xf32, #tpu.memory_space<vmem>>, vector<1x16xf32>,
        %get3A_621 = vector.shape_cast %get3A_620 : vector<1x16xf32> to vector<16xf32>
        %add3A_622 = arith.addf %add3A_566, %get3A_621 : vector<16xf32>
        %add3A_623 = arith.constant 9 : i32
        %add3A_624 = arith.addi %mul3A_475, %add3A_623 : i32
        %get3A_625 = arith.index_cast %add3A_624 : i32 to index
        %get3A_626 = arith.constant 16 : index
        %get3A_627 = tpu.vector_load %arg7[%get3A_625, %get3A_626] {strides = array<i32>} : memref<1280x32xf32, #tpu.memory_space<vmem>>, vector<1x16xf32>,
        %get3A_628 = vector.shape_cast %get3A_627 : vector<1x16xf32> to vector<16xf32>
        %add3A_629 = arith.addf %add3A_573, %get3A_628 : vector<16xf32>
        %add3A_630 = arith.constant 10 : i32
        %add3A_631 = arith.addi %mul3A_475, %add3A_630 : i32
        %get3A_632 = arith.index_cast %add3A_631 : i32 to index
        %get3A_633 = arith.constant 0 : index
        %get3A_634 = tpu.vector_load %arg7[%get3A_632, %get3A_633] {strides = array<i32>} : memref<1280x32xf32, #tpu.memory_space<vmem>>, vector<1x16xf32>,
        %get3A_635 = vector.shape_cast %get3A_634 : vector<1x16xf32> to vector<16xf32>
        %add3A_636 = arith.addf %add3A_580, %get3A_635 : vector<16xf32>
        %add3A_637 = arith.constant 10 : i32
        %add3A_638 = arith.addi %mul3A_475, %add3A_637 : i32
        %get3A_639 = arith.index_cast %add3A_638 : i32 to index
        %get3A_640 = arith.constant 16 : index
        %get3A_641 = tpu.vector_load %arg7[%get3A_639, %get3A_640] {strides = array<i32>} : memref<1280x32xf32, #tpu.memory_space<vmem>>, vector<1x16xf32>,
        %get3A_642 = vector.shape_cast %get3A_641 : vector<1x16xf32> to vector<16xf32>
        %add3A_643 = arith.addf %add3A_587, %get3A_642 : vector<16xf32>
        %add3A_644 = arith.constant 11 : i32
        %add3A_645 = arith.addi %mul3A_475, %add3A_644 : i32
        %get3A_646 = arith.index_cast %add3A_645 : i32 to index
        %get3A_647 = arith.constant 0 : index
        %get3A_648 = tpu.vector_load %arg7[%get3A_646, %get3A_647] {strides = array<i32>} : memref<1280x32xf32, #tpu.memory_space<vmem>>, vector<1x16xf32>,
        %get3A_649 = vector.shape_cast %get3A_648 : vector<1x16xf32> to vector<16xf32>
        %add3A_650 = arith.addf %add3A_594, %get3A_649 : vector<16xf32>
        %add3A_651 = arith.constant 11 : i32
        %add3A_652 = arith.addi %mul3A_475, %add3A_651 : i32
        %get3A_653 = arith.index_cast %add3A_652 : i32 to index
        %get3A_654 = arith.constant 16 : index
        %get3A_655 = tpu.vector_load %arg7[%get3A_653, %get3A_654] {strides = array<i32>} : memref<1280x32xf32, #tpu.memory_space<vmem>>, vector<1x16xf32>,
        %get3A_656 = vector.shape_cast %get3A_655 : vector<1x16xf32> to vector<16xf32>
        %add3A_657 = arith.addf %add3A_601, %get3A_656 : vector<16xf32>
        %add3A_658 = arith.constant 12 : i32
        %add3A_659 = arith.addi %mul3A_475, %add3A_658 : i32
        %get3A_660 = arith.index_cast %add3A_659 : i32 to index
        %get3A_661 = arith.constant 0 : index
        %get3A_662 = tpu.vector_load %arg7[%get3A_660, %get3A_661] {strides = array<i32>} : memref<1280x32xf32, #tpu.memory_space<vmem>>, vector<1x16xf32>,
        %get3A_663 = vector.shape_cast %get3A_662 : vector<1x16xf32> to vector<16xf32>
        %add3A_664 = arith.addf %add3A_608, %get3A_663 : vector<16xf32>
        %add3A_665 = arith.constant 12 : i32
        %add3A_666 = arith.addi %mul3A_475, %add3A_665 : i32
        %get3A_667 = arith.index_cast %add3A_666 : i32 to index
        %get3A_668 = arith.constant 16 : index
        %get3A_669 = tpu.vector_load %arg7[%get3A_667, %get3A_668] {strides = array<i32>} : memref<1280x32xf32, #tpu.memory_space<vmem>>, vector<1x16xf32>,
        %get3A_670 = vector.shape_cast %get3A_669 : vector<1x16xf32> to vector<16xf32>
        %add3A_671 = arith.addf %add3A_615, %get3A_670 : vector<16xf32>
        %add3A_672 = arith.constant 13 : i32
        %add3A_673 = arith.addi %mul3A_475, %add3A_672 : i32
        %get3A_674 = arith.index_cast %add3A_673 : i32 to index
        %get3A_675 = arith.constant 0 : index
        %get3A_676 = tpu.vector_load %arg7[%get3A_674, %get3A_675] {strides = array<i32>} : memref<1280x32xf32, #tpu.memory_space<vmem>>, vector<1x16xf32>,
        %get3A_677 = vector.shape_cast %get3A_676 : vector<1x16xf32> to vector<16xf32>
        %add3A_678 = arith.addf %add3A_622, %get3A_677 : vector<16xf32>
        %add3A_679 = arith.constant 13 : i32
        %add3A_680 = arith.addi %mul3A_475, %add3A_679 : i32
        %get3A_681 = arith.index_cast %add3A_680 : i32 to index
        %get3A_682 = arith.constant 16 : index
        %get3A_683 = tpu.vector_load %arg7[%get3A_681, %get3A_682] {strides = array<i32>} : memref<1280x32xf32, #tpu.memory_space<vmem>>, vector<1x16xf32>,
        %get3A_684 = vector.shape_cast %get3A_683 : vector<1x16xf32> to vector<16xf32>
        %add3A_685 = arith.addf %add3A_629, %get3A_684 : vector<16xf32>
        %add3A_686 = arith.constant 14 : i32
        %add3A_687 = arith.addi %mul3A_475, %add3A_686 : i32
        %get3A_688 = arith.index_cast %add3A_687 : i32 to index
        %get3A_689 = arith.constant 0 : index
        %get3A_690 = tpu.vector_load %arg7[%get3A_688, %get3A_689] {strides = array<i32>} : memref<1280x32xf32, #tpu.memory_space<vmem>>, vector<1x16xf32>,
        %get3A_691 = vector.shape_cast %get3A_690 : vector<1x16xf32> to vector<16xf32>
        %add3A_692 = arith.addf %add3A_636, %get3A_691 : vector<16xf32>
        %add3A_693 = arith.constant 14 : i32
        %add3A_694 = arith.addi %mul3A_475, %add3A_693 : i32
        %get3A_695 = arith.index_cast %add3A_694 : i32 to index
        %get3A_696 = arith.constant 16 : index
        %get3A_697 = tpu.vector_load %arg7[%get3A_695, %get3A_696] {strides = array<i32>} : memref<1280x32xf32, #tpu.memory_space<vmem>>, vector<1x16xf32>,
        %get3A_698 = vector.shape_cast %get3A_697 : vector<1x16xf32> to vector<16xf32>
        %add3A_699 = arith.addf %add3A_643, %get3A_698 : vector<16xf32>
        %add3A_700 = arith.constant 15 : i32
        %add3A_701 = arith.addi %mul3A_475, %add3A_700 : i32
        %get3A_702 = arith.index_cast %add3A_701 : i32 to index
        %get3A_703 = arith.constant 0 : index
        %get3A_704 = tpu.vector_load %arg7[%get3A_702, %get3A_703] {strides = array<i32>} : memref<1280x32xf32, #tpu.memory_space<vmem>>, vector<1x16xf32>,
        %get3A_705 = vector.shape_cast %get3A_704 : vector<1x16xf32> to vector<16xf32>
        %add3A_706 = arith.addf %add3A_650, %get3A_705 : vector<16xf32>
        %add3A_707 = arith.constant 15 : i32
        %add3A_708 = arith.addi %mul3A_475, %add3A_707 : i32
        %get3A_709 = arith.index_cast %add3A_708 : i32 to index
        %get3A_710 = arith.constant 16 : index
        %get3A_711 = tpu.vector_load %arg7[%get3A_709, %get3A_710] {strides = array<i32>} : memref<1280x32xf32, #tpu.memory_space<vmem>>, vector<1x16xf32>,
        %get3A_712 = vector.shape_cast %get3A_711 : vector<1x16xf32> to vector<16xf32>
        %add3A_713 = arith.addf %add3A_657, %get3A_712 : vector<16xf32>
        %add3A_714 = arith.constant 16 : i32
        %add3A_715 = arith.addi %mul3A_475, %add3A_714 : i32
        %get3A_716 = arith.index_cast %add3A_715 : i32 to index
        %get3A_717 = arith.constant 0 : index
        %get3A_718 = tpu.vector_load %arg7[%get3A_716, %get3A_717] {strides = array<i32>} : memref<1280x32xf32, #tpu.memory_space<vmem>>, vector<1x16xf32>,
        %get3A_719 = vector.shape_cast %get3A_718 : vector<1x16xf32> to vector<16xf32>
        %add3A_720 = arith.addf %add3A_664, %get3A_719 : vector<16xf32>
        %add3A_721 = arith.constant 16 : i32
        %add3A_722 = arith.addi %mul3A_475, %add3A_721 : i32
        %get3A_723 = arith.index_cast %add3A_722 : i32 to index
        %get3A_724 = arith.constant 16 : index
        %get3A_725 = tpu.vector_load %arg7[%get3A_723, %get3A_724] {strides = array<i32>} : memref<1280x32xf32, #tpu.memory_space<vmem>>, vector<1x16xf32>,
        %get3A_726 = vector.shape_cast %get3A_725 : vector<1x16xf32> to vector<16xf32>
        %add3A_727 = arith.addf %add3A_671, %get3A_726 : vector<16xf32>
        %add3A_728 = arith.constant 17 : i32
        %add3A_729 = arith.addi %mul3A_475, %add3A_728 : i32
        %get3A_730 = arith.index_cast %add3A_729 : i32 to index
        %get3A_731 = arith.constant 0 : index
        %get3A_732 = tpu.vector_load %arg7[%get3A_730, %get3A_731] {strides = array<i32>} : memref<1280x32xf32, #tpu.memory_space<vmem>>, vector<1x16xf32>,
        %get3A_733 = vector.shape_cast %get3A_732 : vector<1x16xf32> to vector<16xf32>
        %add3A_734 = arith.addf %add3A_678, %get3A_733 : vector<16xf32>
        %add3A_735 = arith.constant 17 : i32
        %add3A_736 = arith.addi %mul3A_475, %add3A_735 : i32
        %get3A_737 = arith.index_cast %add3A_736 : i32 to index
        %get3A_738 = arith.constant 16 : index
        %get3A_739 = tpu.vector_load %arg7[%get3A_737, %get3A_738] {strides = array<i32>} : memref<1280x32xf32, #tpu.memory_space<vmem>>, vector<1x16xf32>,
        %get3A_740 = vector.shape_cast %get3A_739 : vector<1x16xf32> to vector<16xf32>
        %add3A_741 = arith.addf %add3A_685, %get3A_740 : vector<16xf32>
        %add3A_742 = arith.constant 18 : i32
        %add3A_743 = arith.addi %mul3A_475, %add3A_742 : i32
        %get3A_744 = arith.index_cast %add3A_743 : i32 to index
        %get3A_745 = arith.constant 0 : index
        %get3A_746 = tpu.vector_load %arg7[%get3A_744, %get3A_745] {strides = array<i32>} : memref<1280x32xf32, #tpu.memory_space<vmem>>, vector<1x16xf32>,
        %get3A_747 = vector.shape_cast %get3A_746 : vector<1x16xf32> to vector<16xf32>
        %add3A_748 = arith.addf %add3A_692, %get3A_747 : vector<16xf32>
        %add3A_749 = arith.constant 18 : i32
        %add3A_750 = arith.addi %mul3A_475, %add3A_749 : i32
        %get3A_751 = arith.index_cast %add3A_750 : i32 to index
        %get3A_752 = arith.constant 16 : index
        %get3A_753 = tpu.vector_load %arg7[%get3A_751, %get3A_752] {strides = array<i32>} : memref<1280x32xf32, #tpu.memory_space<vmem>>, vector<1x16xf32>,
        %get3A_754 = vector.shape_cast %get3A_753 : vector<1x16xf32> to vector<16xf32>
        %add3A_755 = arith.addf %add3A_699, %get3A_754 : vector<16xf32>
        %add3A_756 = arith.constant 19 : i32
        %add3A_757 = arith.addi %mul3A_475, %add3A_756 : i32
        %get3A_758 = arith.index_cast %add3A_757 : i32 to index
        %get3A_759 = arith.constant 0 : index
        %get3A_760 = tpu.vector_load %arg7[%get3A_758, %get3A_759] {strides = array<i32>} : memref<1280x32xf32, #tpu.memory_space<vmem>>, vector<1x16xf32>,
        %get3A_761 = vector.shape_cast %get3A_760 : vector<1x16xf32> to vector<16xf32>
        %add3A_762 = arith.addf %add3A_706, %get3A_761 : vector<16xf32>
        %add3A_763 = arith.constant 19 : i32
        %add3A_764 = arith.addi %mul3A_475, %add3A_763 : i32
        %get3A_765 = arith.index_cast %add3A_764 : i32 to index
        %get3A_766 = arith.constant 16 : index
        %get3A_767 = tpu.vector_load %arg7[%get3A_765, %get3A_766] {strides = array<i32>} : memref<1280x32xf32, #tpu.memory_space<vmem>>, vector<1x16xf32>,
        %get3A_768 = vector.shape_cast %get3A_767 : vector<1x16xf32> to vector<16xf32>
        %add3A_769 = arith.addf %add3A_713, %get3A_768 : vector<16xf32>
        %add3A_770 = arith.addf %add3A_720, %add3A_734 : vector<16xf32>
        %add3A_771 = arith.addf %add3A_748, %add3A_762 : vector<16xf32>
        %add3A_772 = arith.addf %add3A_770, %add3A_771 : vector<16xf32>
        %add3A_773 = arith.addf %add3A_727, %add3A_741 : vector<16xf32>
        %add3A_774 = arith.addf %add3A_755, %add3A_769 : vector<16xf32>
        %add3A_775 = arith.addf %add3A_773, %add3A_774 : vector<16xf32>
        %div3A = arith.constant 2.000000e+01 : f32
        %div3A_776 = vector.broadcast %div3A : f32 to vector<16xf32>
        %div3A_777 = arith.divf %add3A_772, %div3A_776 : vector<16xf32>
        %swap3A = arith.index_cast %scan3A_473 : i32 to index
        %swap3A_778 = arith.constant 0 : index
        %swap3A_779 = tpu.vector_load %arg8[%swap3A, %swap3A_778] {strides = array<i32>} : memref<64x32xf32, #tpu.memory_space<vmem>>, vector<1x16xf32>,
        %swap3A_780 = vector.shape_cast %swap3A_779 : vector<1x16xf32> to vector<16xf32>
        %swap3A_781 = vector.shape_cast %div3A_777 : vector<16xf32> to vector<1x16xf32>
        tpu.vector_store %arg8[%swap3A, %swap3A_778], %swap3A_781 {strides = array<i32>} : memref<64x32xf32, #tpu.memory_space<vmem>>, vector<1x16xf32>,
        %div3A_782 = arith.constant 2.000000e+01 : f32
        %div3A_783 = vector.broadcast %div3A_782 : f32 to vector<16xf32>
        %div3A_784 = arith.divf %add3A_775, %div3A_783 : vector<16xf32>
        %swap3A_785 = arith.index_cast %scan3A_473 : i32 to index
        %swap3A_786 = arith.constant 16 : index
        %swap3A_787 = tpu.vector_load %arg8[%swap3A_785, %swap3A_786] {strides = array<i32>} : memref<64x32xf32, #tpu.memory_space<vmem>>, vector<1x16xf32>,
        %swap3A_788 = vector.shape_cast %swap3A_787 : vector<1x16xf32> to vector<16xf32>
        %swap3A_789 = vector.shape_cast %div3A_784 : vector<16xf32> to vector<1x16xf32>
        tpu.vector_store %arg8[%swap3A_785, %swap3A_786], %swap3A_789 {strides = array<i32>} : memref<64x32xf32, #tpu.memory_space<vmem>>, vector<1x16xf32>,
      }
      %scan3A_467 = arith.constant 64 : i32
      %mul3A_468 = arith.constant 512 : i32
      %mul3A_469 = arith.muli %add3A, %mul3A_468 : i32
      %mul3A_470 = arith.constant 64 : i32
      %mul3A_471 = arith.muli %add3A_461, %mul3A_470 : i32
      %add3A_472 = arith.addi %mul3A_469, %mul3A_471 : i32
      "tpu.region"() ({
        %run_scoped3A = tpu.sem_alloc : memref<!tpu.dma_semaphore, #tpu.memory_space<semaphore_mem>>
        %dma_start3A_473 = arith.constant 0 : i32
        %dma_start3A_474 = tpu.memref_slice %arg4[%add3A_472, %dma_start3A_473] : memref<16384x32xf32, #tpu.memory_space<hbm>> -> memref<64x32xf32, #tpu.memory_space<hbm>>
        %dma_start3A_475 = arith.constant 0 : i32
        %dma_start3A_476 = tpu.memref_slice %arg4[%add3A_472, %dma_start3A_475] : memref<16384x32xf32, #tpu.memory_space<hbm>> -> memref<64x32xf32, #tpu.memory_space<hbm>>
        tpu.enqueue_dma source(%arg8 : memref<64x32xf32, #tpu.memory_space<vmem>>) target(%dma_start3A_476 : memref<64x32xf32, #tpu.memory_space<hbm>>) target_semaphore(%run_scoped3A : memref<!tpu.dma_semaphore, #tpu.memory_space<semaphore_mem>>)
        %dma_wait3A_477 = arith.constant 0 : i32
        %dma_wait3A_478 = tpu.memref_slice %arg4[%add3A_472, %dma_wait3A_477] : memref<16384x32xf32, #tpu.memory_space<hbm>> -> memref<64x32xf32, #tpu.memory_space<hbm>>
        %dma_wait3A_479 = arith.constant 0 : i32
        %dma_wait3A_480 = tpu.memref_slice %arg4[%add3A_472, %dma_wait3A_479] : memref<16384x32xf32, #tpu.memory_space<hbm>> -> memref<64x32xf32, #tpu.memory_space<hbm>>
        tpu.wait_dma2 semaphore(%run_scoped3A : memref<!tpu.dma_semaphore, #tpu.memory_space<semaphore_mem>>) src(%arg8 : memref<64x32xf32, #tpu.memory_space<vmem>>) dst(%dma_wait3A_480 : memref<64x32xf32, #tpu.memory_space<hbm>>)
        tpu.yield
      }) : () -> ()
    }
    %scan3A_112 = arith.constant 4 : i32
    return
  }
}

module attributes {stable_mosaic.version = 14 : i64} {
  func.func @_idx_body(%arg0: i32, %arg1: memref<1024x20xi32, #tpu.memory_space<vmem>>, %arg2: memref<1024x20xi32, #tpu.memory_space<vmem>>) attributes {dimension_semantics = [#tpu.dimension_semantics<arbitrary>], iteration_bounds = array<i64: 16>, scalar_prefetch = 0 : i64, scratch_operands = 0 : i64, tpu.core_type = #tpu.core_type<tc>, window_params = [{transform_indices = @transform_0, window_bounds = array<i64: 1024, 20>}, {transform_indices = @transform_1, window_bounds = array<i64: 1024, 20>}]} {
    %get3A = arith.constant 0 : index
    %get3A_0 = arith.constant 0 : index
    %get3A_1 = vector.load %arg1[%get3A, %get3A_0] : memref<1024x20xi32, #tpu.memory_space<vmem>>, vector<1024x20xi32>
    %convert_element_type3A = arith.sitofp %get3A_1 : vector<1024x20xi32> to vector<1024x20xf32>
    %iota3A = tpu.iota {dimensions = array<i32: 1>} : vector<1024x20xi32>
    %lt3A = arith.constant 16 : i32
    %lt3A_2 = vector.broadcast %lt3A : i32 to vector<1024x20xi32>
    %lt3A_3 = arith.cmpi slt, %iota3A, %lt3A_2 : vector<1024x20xi32>
    %abs3A = math.absf %convert_element_type3A : vector<1024x20xf32>
    %jit3A = arith.constant 0.000000e+00 : f32
    %broadcast_in_dim3A = vector.broadcast %jit3A : f32 to vector<1024x20xf32>
    %select_n3A = arith.select %lt3A_3, %abs3A, %broadcast_in_dim3A : vector<1024x20xi1>, vector<1024x20xf32>
    %reduce_max3A = arith.constant dense<0xFF800000> : vector<1024xf32>
    %reduce_max3A_4 = vector.multi_reduction <maximumf>, %select_n3A, %reduce_max3A [1] : vector<1024x20xf32> to vector<1024xf32>
    %broadcast_in_dim3A_5 = vector.shape_cast %reduce_max3A_4 : vector<1024xf32> to vector<1024x1xf32>
    %jit3A_6 = arith.constant 0.000000e+00 : f32
    %broadcast_in_dim3A_7 = vector.broadcast %jit3A_6 : f32 to vector<1024x20xf32>
    %select_n3A_8 = arith.select %lt3A_3, %broadcast_in_dim3A_7, %abs3A : vector<1024x20xi1>, vector<1024x20xf32>
    %reduce_max3A_9 = arith.constant dense<0xFF800000> : vector<1024xf32>
    %reduce_max3A_10 = vector.multi_reduction <maximumf>, %select_n3A_8, %reduce_max3A_9 [1] : vector<1024x20xf32> to vector<1024xf32>
    %broadcast_in_dim3A_11 = vector.shape_cast %reduce_max3A_10 : vector<1024xf32> to vector<1024x1xf32>
    %broadcast_in_dim3A_12 = vector.shape_cast %broadcast_in_dim3A_5 : vector<1024x1xf32> to vector<1024x1xf32>
    %broadcast_in_dim3A_13 = vector.broadcast %broadcast_in_dim3A_12 : vector<1024x1xf32> to vector<1024x20xf32>
    %broadcast_in_dim3A_14 = vector.shape_cast %broadcast_in_dim3A_11 : vector<1024x1xf32> to vector<1024x1xf32>
    %broadcast_in_dim3A_15 = vector.broadcast %broadcast_in_dim3A_14 : vector<1024x1xf32> to vector<1024x20xf32>
    %select_n3A_16 = arith.select %lt3A_3, %broadcast_in_dim3A_13, %broadcast_in_dim3A_15 : vector<1024x20xi1>, vector<1024x20xf32>
    %gt3A = arith.constant 0.000000e+00 : f32
    %gt3A_17 = vector.broadcast %gt3A : f32 to vector<1024x20xf32>
    %gt3A_18 = arith.cmpf ogt, %select_n3A_16, %gt3A_17 : vector<1024x20xf32>
    %div3A = arith.constant 6.000000e+00 : f32
    %div3A_19 = vector.broadcast %div3A : f32 to vector<1024x20xf32>
    %div3A_20 = arith.divf %select_n3A_16, %div3A_19 : vector<1024x20xf32>
    %jit3A_21 = arith.constant 1.000000e+00 : f32
    %broadcast_in_dim3A_22 = vector.broadcast %jit3A_21 : f32 to vector<1024x20xf32>
    %select_n3A_23 = arith.select %gt3A_18, %div3A_20, %broadcast_in_dim3A_22 : vector<1024x20xi1>, vector<1024x20xf32>
    %div3A_24 = arith.divf %convert_element_type3A, %select_n3A_23 : vector<1024x20xf32>
    %abs3A_25 = math.absf %div3A_24 : vector<1024x20xf32>
    %gt3A_26 = arith.constant 5.000000e+00 : f32
    %gt3A_27 = vector.broadcast %gt3A_26 : f32 to vector<1024x20xf32>
    %gt3A_28 = arith.cmpf ogt, %abs3A_25, %gt3A_27 : vector<1024x20xf32>
    %gt3A_29 = arith.constant 3.500000e+00 : f32
    %gt3A_30 = vector.broadcast %gt3A_29 : f32 to vector<1024x20xf32>
    %gt3A_31 = arith.cmpf ogt, %abs3A_25, %gt3A_30 : vector<1024x20xf32>
    %gt3A_32 = arith.constant 2.500000e+00 : f32
    %gt3A_33 = vector.broadcast %gt3A_32 : f32 to vector<1024x20xf32>
    %gt3A_34 = arith.cmpf ogt, %abs3A_25, %gt3A_33 : vector<1024x20xf32>
    %gt3A_35 = arith.constant 1.750000e+00 : f32
    %gt3A_36 = vector.broadcast %gt3A_35 : f32 to vector<1024x20xf32>
    %gt3A_37 = arith.cmpf ogt, %abs3A_25, %gt3A_36 : vector<1024x20xf32>
    %gt3A_38 = arith.constant 1.250000e+00 : f32
    %gt3A_39 = vector.broadcast %gt3A_38 : f32 to vector<1024x20xf32>
    %gt3A_40 = arith.cmpf ogt, %abs3A_25, %gt3A_39 : vector<1024x20xf32>
    %gt3A_41 = arith.constant 7.500000e-01 : f32
    %gt3A_42 = vector.broadcast %gt3A_41 : f32 to vector<1024x20xf32>
    %gt3A_43 = arith.cmpf ogt, %abs3A_25, %gt3A_42 : vector<1024x20xf32>
    %gt3A_44 = arith.constant 2.500000e-01 : f32
    %gt3A_45 = vector.broadcast %gt3A_44 : f32 to vector<1024x20xf32>
    %gt3A_46 = arith.cmpf ogt, %abs3A_25, %gt3A_45 : vector<1024x20xf32>
    %jit3A_47 = arith.constant 5.000000e-01 : f32
    %jit3A_48 = arith.constant 0.000000e+00 : f32
    %broadcast_in_dim3A_49 = vector.broadcast %jit3A_47 : f32 to vector<1024x20xf32>
    %broadcast_in_dim3A_50 = vector.broadcast %jit3A_48 : f32 to vector<1024x20xf32>
    %select_n3A_51 = arith.select %gt3A_46, %broadcast_in_dim3A_49, %broadcast_in_dim3A_50 : vector<1024x20xi1>, vector<1024x20xf32>
    %jit3A_52 = arith.constant 1.000000e+00 : f32
    %broadcast_in_dim3A_53 = vector.broadcast %jit3A_52 : f32 to vector<1024x20xf32>
    %select_n3A_54 = arith.select %gt3A_43, %broadcast_in_dim3A_53, %select_n3A_51 : vector<1024x20xi1>, vector<1024x20xf32>
    %jit3A_55 = arith.constant 1.500000e+00 : f32
    %broadcast_in_dim3A_56 = vector.broadcast %jit3A_55 : f32 to vector<1024x20xf32>
    %select_n3A_57 = arith.select %gt3A_40, %broadcast_in_dim3A_56, %select_n3A_54 : vector<1024x20xi1>, vector<1024x20xf32>
    %jit3A_58 = arith.constant 2.000000e+00 : f32
    %broadcast_in_dim3A_59 = vector.broadcast %jit3A_58 : f32 to vector<1024x20xf32>
    %select_n3A_60 = arith.select %gt3A_37, %broadcast_in_dim3A_59, %select_n3A_57 : vector<1024x20xi1>, vector<1024x20xf32>
    %jit3A_61 = arith.constant 3.000000e+00 : f32
    %broadcast_in_dim3A_62 = vector.broadcast %jit3A_61 : f32 to vector<1024x20xf32>
    %select_n3A_63 = arith.select %gt3A_34, %broadcast_in_dim3A_62, %select_n3A_60 : vector<1024x20xi1>, vector<1024x20xf32>
    %jit3A_64 = arith.constant 4.000000e+00 : f32
    %broadcast_in_dim3A_65 = vector.broadcast %jit3A_64 : f32 to vector<1024x20xf32>
    %select_n3A_66 = arith.select %gt3A_31, %broadcast_in_dim3A_65, %select_n3A_63 : vector<1024x20xi1>, vector<1024x20xf32>
    %jit3A_67 = arith.constant 6.000000e+00 : f32
    %broadcast_in_dim3A_68 = vector.broadcast %jit3A_67 : f32 to vector<1024x20xf32>
    %select_n3A_69 = arith.select %gt3A_28, %broadcast_in_dim3A_68, %select_n3A_66 : vector<1024x20xi1>, vector<1024x20xf32>
    %lt3A_70 = arith.constant 0.000000e+00 : f32
    %lt3A_71 = vector.broadcast %lt3A_70 : f32 to vector<1024x20xf32>
    %lt3A_72 = arith.cmpf olt, %div3A_24, %lt3A_71 : vector<1024x20xf32>
    %neg3A = arith.constant 0.000000e+00 : f32
    %neg3A_73 = vector.broadcast %neg3A : f32 to vector<1024x20xf32>
    %neg3A_74 = arith.subf %neg3A_73, %select_n3A_69 : vector<1024x20xf32>
    %select_n3A_75 = arith.select %lt3A_72, %neg3A_74, %select_n3A_69 : vector<1024x20xi1>, vector<1024x20xf32>
    %mul3A = arith.mulf %select_n3A_75, %select_n3A_23 : vector<1024x20xf32>
    %round3A = math.roundeven %mul3A : vector<1024x20xf32>
    %jit3A_76 = arith.constant 0.000000e+00 : f32
    %jit3A_77 = arith.constant 9.999990e+05 : f32
    %max3A = vector.broadcast %jit3A_76 : f32 to vector<1024x20xf32>
    %max3A_78 = arith.maximumf %max3A, %round3A : vector<1024x20xf32>
    %min3A = vector.broadcast %jit3A_77 : f32 to vector<1024x20xf32>
    %min3A_79 = arith.minimumf %min3A, %max3A_78 : vector<1024x20xf32>
    %convert_element_type3A_80 = arith.fptosi %min3A_79 : vector<1024x20xf32> to vector<1024x20xi32>
    %swap3A = arith.constant 0 : index
    %swap3A_81 = arith.constant 0 : index
    %swap3A_82 = vector.load %arg2[%swap3A, %swap3A_81] : memref<1024x20xi32, #tpu.memory_space<vmem>>, vector<1024x20xi32>
    tpu.vector_store %arg2[%swap3A, %swap3A_81], %convert_element_type3A_80 {strides = array<i32>} : memref<1024x20xi32, #tpu.memory_space<vmem>>, vector<1024x20xi32>,
    return
  }
  func.func @transform_0(%arg0: i32) -> (i32, i32) {
    %c0_i32 = arith.constant 0 : i32
    %c0_i32_0 = arith.constant 0 : i32
    return %arg0, %c0_i32 : i32, i32
  }
  func.func @transform_1(%arg0: i32) -> (i32, i32) {
    %c0_i32 = arith.constant 0 : i32
    %c0_i32_0 = arith.constant 0 : i32
    return %arg0, %c0_i32 : i32, i32
  }
}

module attributes {stable_mosaic.version = 14 : i64} {
  func.func @_qdq_body(%arg0: i32, %arg1: memref<32x16384xf32, #tpu.memory_space<vmem>>, %arg2: memref<4096x128xf32, #tpu.memory_space<vmem>>) attributes {dimension_semantics = [#tpu.dimension_semantics<arbitrary>], iteration_bounds = array<i64: 62>, scalar_prefetch = 0 : i64, scratch_operands = 0 : i64, tpu.core_type = #tpu.core_type<tc>, window_params = [{transform_indices = @transform_0, window_bounds = array<i64: 32, 16384>}, {transform_indices = @transform_1, window_bounds = array<i64: 4096, 128>}]} {
    %get3A = arith.constant 0 : index
    %get3A_0 = arith.constant 0 : index
    %get3A_1 = vector.load %arg1[%get3A, %get3A_0] : memref<32x16384xf32, #tpu.memory_space<vmem>>, vector<32x16384xf32>
    %iota3A = tpu.iota {dimensions = array<i32: 0>} : vector<32x16384xi32>
    %lt3A = arith.constant 16 : i32
    %lt3A_2 = vector.broadcast %lt3A : i32 to vector<32x16384xi32>
    %lt3A_3 = arith.cmpi slt, %iota3A, %lt3A_2 : vector<32x16384xi32>
    %abs3A = math.absf %get3A_1 : vector<32x16384xf32>
    %slice3A = vector.extract_strided_slice %abs3A {offsets = [0, 0], sizes = [16, 16384], strides = [1, 1]} : vector<32x16384xf32> to vector<16x16384xf32>
    %reduce_max3A = arith.constant dense<0xFF800000> : vector<16384xf32>
    %reduce_max3A_4 = vector.multi_reduction <maximumf>, %slice3A, %reduce_max3A [0] : vector<16x16384xf32> to vector<16384xf32>
    %broadcast_in_dim3A = vector.shape_cast %reduce_max3A_4 : vector<16384xf32> to vector<1x16384xf32>
    %slice3A_5 = vector.extract_strided_slice %abs3A {offsets = [16, 0], sizes = [16, 16384], strides = [1, 1]} : vector<32x16384xf32> to vector<16x16384xf32>
    %reduce_max3A_6 = arith.constant dense<0xFF800000> : vector<16384xf32>
    %reduce_max3A_7 = vector.multi_reduction <maximumf>, %slice3A_5, %reduce_max3A_6 [0] : vector<16x16384xf32> to vector<16384xf32>
    %broadcast_in_dim3A_8 = vector.shape_cast %reduce_max3A_7 : vector<16384xf32> to vector<1x16384xf32>
    %gt3A = arith.constant 0.000000e+00 : f32
    %gt3A_9 = vector.broadcast %gt3A : f32 to vector<1x16384xf32>
    %gt3A_10 = arith.cmpf ogt, %broadcast_in_dim3A, %gt3A_9 : vector<1x16384xf32>
    %div3A = arith.constant 6.000000e+00 : f32
    %div3A_11 = vector.broadcast %div3A : f32 to vector<1x16384xf32>
    %div3A_12 = arith.divf %broadcast_in_dim3A, %div3A_11 : vector<1x16384xf32>
    %jit3A = arith.constant 1.000000e+00 : f32
    %broadcast_in_dim3A_13 = vector.broadcast %jit3A : f32 to vector<1x16384xf32>
    %select_n3A = arith.select %gt3A_10, %div3A_12, %broadcast_in_dim3A_13 : vector<1x16384xi1>, vector<1x16384xf32>
    %gt3A_14 = arith.constant 0.000000e+00 : f32
    %gt3A_15 = vector.broadcast %gt3A_14 : f32 to vector<1x16384xf32>
    %gt3A_16 = arith.cmpf ogt, %broadcast_in_dim3A_8, %gt3A_15 : vector<1x16384xf32>
    %div3A_17 = arith.constant 6.000000e+00 : f32
    %div3A_18 = vector.broadcast %div3A_17 : f32 to vector<1x16384xf32>
    %div3A_19 = arith.divf %broadcast_in_dim3A_8, %div3A_18 : vector<1x16384xf32>
    %jit3A_20 = arith.constant 1.000000e+00 : f32
    %broadcast_in_dim3A_21 = vector.broadcast %jit3A_20 : f32 to vector<1x16384xf32>
    %select_n3A_22 = arith.select %gt3A_16, %div3A_19, %broadcast_in_dim3A_21 : vector<1x16384xi1>, vector<1x16384xf32>
    %broadcast_in_dim3A_23 = vector.shape_cast %select_n3A : vector<1x16384xf32> to vector<1x16384xf32>
    %broadcast_in_dim3A_24 = vector.broadcast %broadcast_in_dim3A_23 : vector<1x16384xf32> to vector<32x16384xf32>
    %broadcast_in_dim3A_25 = vector.shape_cast %select_n3A_22 : vector<1x16384xf32> to vector<1x16384xf32>
    %broadcast_in_dim3A_26 = vector.broadcast %broadcast_in_dim3A_25 : vector<1x16384xf32> to vector<32x16384xf32>
    %select_n3A_27 = arith.select %lt3A_3, %broadcast_in_dim3A_24, %broadcast_in_dim3A_26 : vector<32x16384xi1>, vector<32x16384xf32>
    %div3A_28 = arith.divf %get3A_1, %select_n3A_27 : vector<32x16384xf32>
    %abs3A_29 = math.absf %div3A_28 : vector<32x16384xf32>
    %gt3A_30 = arith.constant 5.000000e+00 : f32
    %gt3A_31 = vector.broadcast %gt3A_30 : f32 to vector<32x16384xf32>
    %gt3A_32 = arith.cmpf ogt, %abs3A_29, %gt3A_31 : vector<32x16384xf32>
    %gt3A_33 = arith.constant 3.500000e+00 : f32
    %gt3A_34 = vector.broadcast %gt3A_33 : f32 to vector<32x16384xf32>
    %gt3A_35 = arith.cmpf ogt, %abs3A_29, %gt3A_34 : vector<32x16384xf32>
    %gt3A_36 = arith.constant 2.500000e+00 : f32
    %gt3A_37 = vector.broadcast %gt3A_36 : f32 to vector<32x16384xf32>
    %gt3A_38 = arith.cmpf ogt, %abs3A_29, %gt3A_37 : vector<32x16384xf32>
    %gt3A_39 = arith.constant 1.750000e+00 : f32
    %gt3A_40 = vector.broadcast %gt3A_39 : f32 to vector<32x16384xf32>
    %gt3A_41 = arith.cmpf ogt, %abs3A_29, %gt3A_40 : vector<32x16384xf32>
    %gt3A_42 = arith.constant 1.250000e+00 : f32
    %gt3A_43 = vector.broadcast %gt3A_42 : f32 to vector<32x16384xf32>
    %gt3A_44 = arith.cmpf ogt, %abs3A_29, %gt3A_43 : vector<32x16384xf32>
    %gt3A_45 = arith.constant 7.500000e-01 : f32
    %gt3A_46 = vector.broadcast %gt3A_45 : f32 to vector<32x16384xf32>
    %gt3A_47 = arith.cmpf ogt, %abs3A_29, %gt3A_46 : vector<32x16384xf32>
    %gt3A_48 = arith.constant 2.500000e-01 : f32
    %gt3A_49 = vector.broadcast %gt3A_48 : f32 to vector<32x16384xf32>
    %gt3A_50 = arith.cmpf ogt, %abs3A_29, %gt3A_49 : vector<32x16384xf32>
    %jit3A_51 = arith.constant 5.000000e-01 : f32
    %jit3A_52 = arith.constant 0.000000e+00 : f32
    %broadcast_in_dim3A_53 = vector.broadcast %jit3A_51 : f32 to vector<32x16384xf32>
    %broadcast_in_dim3A_54 = vector.broadcast %jit3A_52 : f32 to vector<32x16384xf32>
    %select_n3A_55 = arith.select %gt3A_50, %broadcast_in_dim3A_53, %broadcast_in_dim3A_54 : vector<32x16384xi1>, vector<32x16384xf32>
    %jit3A_56 = arith.constant 1.000000e+00 : f32
    %broadcast_in_dim3A_57 = vector.broadcast %jit3A_56 : f32 to vector<32x16384xf32>
    %select_n3A_58 = arith.select %gt3A_47, %broadcast_in_dim3A_57, %select_n3A_55 : vector<32x16384xi1>, vector<32x16384xf32>
    %jit3A_59 = arith.constant 1.500000e+00 : f32
    %broadcast_in_dim3A_60 = vector.broadcast %jit3A_59 : f32 to vector<32x16384xf32>
    %select_n3A_61 = arith.select %gt3A_44, %broadcast_in_dim3A_60, %select_n3A_58 : vector<32x16384xi1>, vector<32x16384xf32>
    %jit3A_62 = arith.constant 2.000000e+00 : f32
    %broadcast_in_dim3A_63 = vector.broadcast %jit3A_62 : f32 to vector<32x16384xf32>
    %select_n3A_64 = arith.select %gt3A_41, %broadcast_in_dim3A_63, %select_n3A_61 : vector<32x16384xi1>, vector<32x16384xf32>
    %jit3A_65 = arith.constant 3.000000e+00 : f32
    %broadcast_in_dim3A_66 = vector.broadcast %jit3A_65 : f32 to vector<32x16384xf32>
    %select_n3A_67 = arith.select %gt3A_38, %broadcast_in_dim3A_66, %select_n3A_64 : vector<32x16384xi1>, vector<32x16384xf32>
    %jit3A_68 = arith.constant 4.000000e+00 : f32
    %broadcast_in_dim3A_69 = vector.broadcast %jit3A_68 : f32 to vector<32x16384xf32>
    %select_n3A_70 = arith.select %gt3A_35, %broadcast_in_dim3A_69, %select_n3A_67 : vector<32x16384xi1>, vector<32x16384xf32>
    %jit3A_71 = arith.constant 6.000000e+00 : f32
    %broadcast_in_dim3A_72 = vector.broadcast %jit3A_71 : f32 to vector<32x16384xf32>
    %select_n3A_73 = arith.select %gt3A_32, %broadcast_in_dim3A_72, %select_n3A_70 : vector<32x16384xi1>, vector<32x16384xf32>
    %lt3A_74 = arith.constant 0.000000e+00 : f32
    %lt3A_75 = vector.broadcast %lt3A_74 : f32 to vector<32x16384xf32>
    %lt3A_76 = arith.cmpf olt, %div3A_28, %lt3A_75 : vector<32x16384xf32>
    %neg3A = arith.constant 0.000000e+00 : f32
    %neg3A_77 = vector.broadcast %neg3A : f32 to vector<32x16384xf32>
    %neg3A_78 = arith.subf %neg3A_77, %select_n3A_73 : vector<32x16384xf32>
    %select_n3A_79 = arith.select %lt3A_76, %neg3A_78, %select_n3A_73 : vector<32x16384xi1>, vector<32x16384xf32>
    %mul3A = arith.mulf %select_n3A_79, %select_n3A_27 : vector<32x16384xf32>
    %slice3A_80 = vector.extract_strided_slice %mul3A {offsets = [0, 0], sizes = [32, 4096], strides = [1, 1]} : vector<32x16384xf32> to vector<32x4096xf32>
    %transpose3A = tpu.transpose %slice3A_80, [1, 0] : vector<32x4096xf32> -> vector<4096x32xf32>
    %slice3A_81 = vector.extract_strided_slice %mul3A {offsets = [0, 4096], sizes = [32, 4096], strides = [1, 1]} : vector<32x16384xf32> to vector<32x4096xf32>
    %transpose3A_82 = tpu.transpose %slice3A_81, [1, 0] : vector<32x4096xf32> -> vector<4096x32xf32>
    %slice3A_83 = vector.extract_strided_slice %mul3A {offsets = [0, 8192], sizes = [32, 4096], strides = [1, 1]} : vector<32x16384xf32> to vector<32x4096xf32>
    %transpose3A_84 = tpu.transpose %slice3A_83, [1, 0] : vector<32x4096xf32> -> vector<4096x32xf32>
    %slice3A_85 = vector.extract_strided_slice %mul3A {offsets = [0, 12288], sizes = [32, 4096], strides = [1, 1]} : vector<32x16384xf32> to vector<32x4096xf32>
    %transpose3A_86 = tpu.transpose %slice3A_85, [1, 0] : vector<32x4096xf32> -> vector<4096x32xf32>
    %concatenate3A = tpu.concatenate %transpose3A, %transpose3A_82, %transpose3A_84, %transpose3A_86 in 1 : vector<4096x32xf32>, vector<4096x32xf32>, vector<4096x32xf32>, vector<4096x32xf32> -> vector<4096x128xf32>
    %swap3A = arith.constant 0 : index
    %swap3A_87 = arith.constant 0 : index
    %swap3A_88 = vector.load %arg2[%swap3A, %swap3A_87] : memref<4096x128xf32, #tpu.memory_space<vmem>>, vector<4096x128xf32>
    tpu.vector_store %arg2[%swap3A, %swap3A_87], %concatenate3A {strides = array<i32>} : memref<4096x128xf32, #tpu.memory_space<vmem>>, vector<4096x128xf32>,
    return
  }
  func.func @transform_0(%arg0: i32) -> (i32, i32) {
    %c0_i32 = arith.constant 0 : i32
    %c0_i32_0 = arith.constant 0 : i32
    return %c0_i32, %arg0 : i32, i32
  }
  func.func @transform_1(%arg0: i32) -> (i32, i32) {
    %c0_i32 = arith.constant 0 : i32
    %c0_i32_0 = arith.constant 0 : i32
    return %arg0, %c0_i32 : i32, i32
  }
}

</mosaic_0001>

<sc_bundles>
// kernel: kernel.5.cloned.1.call-start
scs
__scs_entry_jumppad:
0x0: {  	(pc) =	sbr.rel $0x88, $3  }
0x1: {  	(tag) =	ssettag $0x0;
	lr =	simm.s32 $0x1  }
0x2: {  	[smem:$0x3F9F] =	sst lr;
	_ =	strace $0xD0000000  }
0x3: {  	_ = 	snop  }
0x4: {  	_ = 	snop  }
0x5: {  	_ = 	snop  }
0x6: {  	_ = 	snop  }
0x7: {  	_ = 	snop  }
__scs_overlays_trampoline_lowered:
0x8: {  	[smem:$0x3FAE] =	sst s0  }
0x9: {  	[smem:$0x3FAF] =	sst s1  }
0xa: {  	[smem:$0x3FB0] =	sst s2  }
0xb: {  	[smem:$0x3FB1] =	sst s3  }
0xc: {  	[smem:$0x3FB2] =	sst s4  }
0xd: {  	[smem:$0x3FB3] =	sst s5  }
0xe: {  	[smem:$0x3FB4] =	sst s6  }
0xf: {  	[smem:$0x3FB5] =	sst s7  }
0x10: {  	[smem:$0x3FB6] =	sst s8  }
0x11: {  	[smem:$0x3FB7] =	sst s9;
	s0 =	simm.s32 @!p0 $0x0  }
0x12: {  	s1 =	sld [smem:$0x3F9D];
	s0 =	simm.s32 @p0 $0x1  }
0x13: {  	[smem:$0x3FB8] =	sst s0;
	s0 =	simm.s32 @!p1 $0x0  }
0x14: {  	s2 =	sld [smem:$0x3F9C];
	s0 =	simm.s32 @p1 $0x1  }
0x15: {  	[smem:$0x3FB9] =	sst s0;
	s0 =	simm.s32 @!p2 $0x0  }
0x16: {  	s3 =	sld [smem:$0x3FDB];
	s0 =	simm.s32 @p2 $0x1  }
0x17: {  	s4 =	simm.s32 $0x1BF5;
	[smem:$0x3FBB] =	sst s0  }
0x18: {  	s0 =	sld [smem:$0x3F9E];
	_ =	swait.ge [sflag:s4], $0x0  }
0x19: {  	s7 =	sld [smem:$0x3F9F]  }
0x1a: {  	s8 =	sadd.s32 $0xFFFFE003, lr  }
0x1b: {  	s9 =	sadd.s32 $0xFFFFFEF7, lr;
	s5 =	simm.s32 $0xFFFFFFFF;
	p2 =	slt.u32 s8, $0xFFFFF086  }
0x1c: {  	p1 =	slt.u32 s9, $0xF7A;
	s5 =	simm.s32 @!p2 $0x0  }
0x1d: {  	s5 =	simm.s32 @p1 $0x1;
	p0 =	seq.s32 s7, s2  }
0x1e: {  	s7 =	smul.u32 @!p0 $0xF7A, s2;
	p2 =	seq.s32 @!p0 s5, $0x0  }
0x1f: {  	s9 =	smul.u32 $0xF7A, s1;
	s8 =	simm.s32 @!p0 $0x1BF5;
	p2 =	por !p2, p0  }
0x20: {  	[sflag:s8] =	ssyncset.s32 @!p0 $0xFFFFF086;
	s6 =	sadd.s32 @!p0 s3, s7;
	s7 =	simm.s32 @!p0 $0x108  }
0x21: {  	s3 =	sadd.s32 s3, s9;
	s6 =	sadd.s32 @!p0 $0x88, s6;
	s7 =	simm.s32 @p2 $0x1082  }
0x22: {  	[simem:s7], [sflag:s8] =	dma.local @!p0 [hbm:s6], $0xF7A  }
0x23: {  	s9 =	sor.u32 $0xD0000000, s2;
	s6 =	simm.s32 $0x108;
	_ =	swait.ge @!p0 [sflag:s8], $0x0  }
0x24: {  	s3 =	sadd.s32 $0x88, s3;
	s6 =	simm.s32 @!p1 $0x1082;
	[sflag:s4] =	ssyncset.s32 $0xFFFFF086  }
0x25: {  	[simem:s6], [sflag:s4] =	dma.local [hbm:s3], $0xF7A  }
0x26: {  	[smem:$0x3F9F] =	sst s1;
	(tag) =	ssettag s2;
	_ =	strace s9  }
0x27: {  	s1 =	sld [smem:$0x3FAF]  }
0x28: {  	s2 =	sld [smem:$0x3FB0]  }
0x29: {  	s4 =	sld [smem:$0x3FB2]  }
0x2a: {  	p0 =	seq.s32 s5, $0x0;
	s5 =	sld [smem:$0x3FB3]  }
0x2b: {  	s6 =	sld [smem:$0x3FB4]  }
0x2c: {  	s7 =	sld [smem:$0x3FB5]  }
0x2d: {  	s3 =	simm.s32 $0x108;
	s8 =	sld [smem:$0x3FB6]  }
0x2e: {  	s3 =	simm.s32 @!p0 $0x1082;
	s9 =	sld [smem:$0x3FB7]  }
0x2f: {  	lr =	sadd.s32 s0, s3;
	s0 =	sld [smem:$0x3FAE]  }
0x30: {  	s3 =	sld [smem:$0x3FB1]  }
0x31: {  	[smem:$0x3FBA] =	sst s10  }
0x32: {  	s10 =	sld [smem:$0x3FB8];
	_ =	sdelay $0x3  }
0x33: {  	p0 =	seq.s32 s10, $0x1;
	s10 =	sld [smem:$0x3FBA];
	_ =	sdelay $0x3  }
0x34: {  	[smem:$0x3FBA] =	sst s10  }
0x35: {  	s10 =	sld [smem:$0x3FB9];
	_ =	sdelay $0x3  }
0x36: {  	p1 =	seq.s32 s10, $0x1;
	s10 =	sld [smem:$0x3FBA];
	_ =	sdelay $0x3  }
0x37: {  	[smem:$0x3FBA] =	sst s10  }
0x38: {  	s10 =	sld [smem:$0x3FBB]  }
0x39: {  	_ = 	snop;
	(pc) =	sbr.ind lr, $3  }
0x3a: {  	_ = 	snop  }
0x3b: {  	_ = 	snop  }
0x3c: {  	p2 =	seq.s32 s10, $0x1;
	s10 =	sld [smem:$0x3FBA]  }
0x3d: {  	_ =	shalt  }
0x3e: {  	_ =	shalt  }
0x3f: {  	_ =	shalt  }
0x40: {  	_ =	shalt  }
0x41: {  	_ =	shalt  }
0x42: {  	_ =	shalt  }
0x43: {  	_ =	shalt  }
0x44: {  	_ =	shalt  }
0x45: {  	_ =	shalt  }
0x46: {  	_ =	shalt  }
0x47: {  	_ =	shalt  }
0x48: {  	_ =	shalt  }
0x49: {  	_ =	shalt  }
0x4a: {  	_ =	shalt  }
0x4b: {  	_ =	shalt  }
0x4c: {  	_ =	shalt  }
0x4d: {  	_ =	shalt  }
0x4e: {  	_ =	shalt  }
0x4f: {  	_ =	shalt  }
0x50: {  	_ =	shalt  }
0x51: {  	_ =	shalt  }
0x52: {  	_ =	shalt  }
0x53: {  	_ =	shalt  }
0x54: {  	_ =	shalt  }
0x55: {  	_ =	shalt  }
0x56: {  	_ =	shalt  }
0x57: {  	_ =	shalt  }
0x58: {  	_ =	shalt  }
0x59: {  	_ =	shalt  }
0x5a: {  	_ =	shalt  }
0x5b: {  	_ =	shalt  }
0x5c: {  	_ =	shalt  }
0x5d: {  	_ =	shalt  }
0x5e: {  	_ =	shalt  }
0x5f: {  	_ =	shalt  }
0x60: {  	_ =	shalt  }
0x61: {  	_ =	shalt  }
0x62: {  	_ =	shalt  }
0x63: {  	_ =	shalt  }
0x64: {  	_ =	shalt  }
0x65: {  	_ =	shalt  }
0x66: {  	_ =	shalt  }
0x67: {  	_ =	shalt  }
0x68: {  	_ =	shalt  }
0x69: {  	_ =	shalt  }
0x6a: {  	_ =	shalt  }
0x6b: {  	_ =	shalt  }
0x6c: {  	_ =	shalt  }
0x6d: {  	_ =	shalt  }
0x6e: {  	_ =	shalt  }
0x6f: {  	_ =	shalt  }
0x70: {  	_ =	shalt  }
0x71: {  	_ =	shalt  }
0x72: {  	_ =	shalt  }
0x73: {  	_ =	shalt  }
0x74: {  	_ =	shalt  }
0x75: {  	_ =	shalt  }
0x76: {  	_ =	shalt  }
0x77: {  	_ =	shalt  }
0x78: {  	_ =	shalt  }
0x79: {  	_ =	shalt  }
0x7a: {  	_ =	shalt  }
0x7b: {  	_ =	shalt  }
0x7c: {  	_ =	shalt  }
0x7d: {  	_ =	shalt  }
0x7e: {  	_ =	shalt  }
0x7f: {  	_ =	shalt  }
0x80: {  	_ =	shalt  }
0x81: {  	_ =	shalt  }
0x82: {  	_ =	shalt  }
0x83: {  	_ =	shalt  }
0x84: {  	_ =	shalt  }
0x85: {  	_ =	shalt  }
0x86: {  	_ =	shalt  }
0x87: {  	_ =	shalt  }
.Lfunc_end0:
.L_simem_size_0:
called_computation_lowered:
.L_overlay_start_0:
0x88: {  	s2 =	sld [smem:$0x3FD9]  }
0x89: {  	s3 =	sld [smem:$0x3FFE];
	_ =	sdelay $0x1  }
0x8a: {  	s1 =	srdreg.scid  }
0x8b: {  	s0 =	sand.u32 $0x1, s1  }
0x8c: {  	s17 =	sshll.u32 s0, $0xA;
	s2 =	sadd.s32 s3, s2  }
0x8d: {  	s2 =	sadd.s32 s2, s17  }
0x8e: {  	[smem:$0x3FC6] =	sst s2  }
0x8f: {  	_ = 	snop  }
0x90: {  	s2 =	sld [smem:$0x3FD0];
	(tm) =	ssettm $0x1  }
0x91: {  	s18 =	sld [smem:$0x3FFB];
	_ =	sdelay $0x3  }
0x92: {  	_ =	strace s18  }
0x93: {  	s3 =	sld [smem:$0x3FFC];
	_ =	sdelay $0x3  }
0x94: {  	_ =	strace s3  }
0x95: {  	s3 =	sld [smem:$0x3FFD];
	_ =	sdelay $0x3  }
0x96: {  	_ =	strace s3  }
0x97: {  	_ =	strace $0x8FFFFFFF  }
0x98: {  	s19 =	sld [smem:$0x3FDB];
	_ =	sdelay $0x1  }
0x99: {  	s4 =	simm.s32 $_scs_section_size  }
0x9a: {  	s5 =	simm.s32 $_size__tile_overlayer_lowered;
	s6 =	simm.s32 $_tile_overlayer_lowered  }
0x9b: {  	s22 =	simm.s32 $0x1BFF;
	s21 =	sshll.u32 s6, $0x1;
	s3 =	sadd.s32 s4, s19  }
0x9c: {  	s7 =	simm.s32 $0x0;
	s20 =	sshll.u32 s5, $0x1;
	s5 =	sadd.s32 s21, s3  }
0x9d: {  	[timem:s7], [sflag:s22] =	dma.local [hbm:s5], s20  }
0x9e: {  	_ =	swait.ge [sflag:s22], s20  }
0x9f: {  	s4 =	ssub.s32 $0x0, s20;
	[sflag:s22] =	ssyncset.done $0x0  }
0xa0: {  	[sflag:s22] =	ssyncadd.s32 s4;
	_ =	sdelay $0x1  }
0xa1: {  	s23 =	simm.s32 $0x1B8B  }
0xa2: {  	_ =	swait.ge [sflag:s23], $0x1  }
0xa3: {  	[sflag:s23] =	ssyncset.done $0x0  }
0xa4: {  	s25 =	simm.s32 $0x1B8E;
	s24 =	sld [smem:$0x3FFE];
	[sflag:s23] =	ssyncadd.s32 $0xFFFFFFFF  }
0xa5: {  	s26 =	simm.s32 $execute0_lowered;
	[smem:$0x3FD2] =	sst s25  }
0xa6: {  	s5 =	sshll.u32 s26, $0x1;
	_ =	strace $0x80000046;
	[dreg:$0x1] =	wrdreg $0xFFFFFFFF  }
0xa7: {  	s28 =	simm.s32 $_size_execute0_lowered;
	s3 =	sadd.s32 s3, s5;
	[dreg:$0x0] =	wrdreg $0x0  }
0xa8: {  	s5 =	sshll.u32 s28, $0x1;
	[dreg:$0x2] =	wrdreg s3  }
0xa9: {  	[dreg:$0x3] =	wrdreg s5  }
0xaa: {  	[dreg:$0x4] =	wrdreg $0xC0  }
0xab: {  	_ =	task [dreg:s7], $0x5FFFF  }
0xac: {  	[dreg:$0x1] =	wrdreg $0xFFFFFFFF  }
0xad: {  	[dreg:$0x0] =	wrdreg $0x60  }
0xae: {  	[dreg:$0x2] =	wrdreg s24  }
0xaf: {  	[dreg:$0x3] =	wrdreg s2  }
0xb0: {  	[dreg:$0x4] =	wrdreg $0x9  }
0xb1: {  	_ =	task.clear_ibuf [dreg:s7], $0x5FFFF;
	_ =	strace $0x90000046  }
0xb2: {  	s29 =	simm.s32 $0x9;
	_ =	strace $0x80000048  }
0xb3: {  	_ =	swait.ge [sflag:s29], $0x1  }
0xb4: {  	[sflag:s29] =	ssyncadd.s32 $0xFFFFFFFF  }
0xb5: {  	_ =	strace $0x90000048  }
0xb6: {  	_ =	sfence  }
0xb7: {  	s30 =	sld [smem:$0x0];
	_ =	sdelay $0x2  }
0xb8: {  	s31 =	sshll.u32 s1, $0xD;
	s1 =	sshrl.u32 s1, $0x2  }
0xb9: {  	s3 =	sand.u32 $0x4000, s31;
	s1 =	sadd.s32 s1, s30  }
0xba: {  	s0 =	sor.u32 s3, s0;
	s1 =	sshll.u32 s1, $0x11  }
0xbb: {  	s0 =	sor.u32 s1, s0  }
0xbc: {  	s0 =	sadd.s32 $0x8F2B, s0  }
0xbd: {  	[sflag:s0] =	ssyncadd.remote.s32 $0x1  }
0xbe: {  	_ =	sfence.sel $0xFFFF  }
0xbf: {  	[dreg:$0x0] =	wrdreg $0xFFFFFFFF;
	(pc) =	sbr.abs _section_cstart, $3  }
0xc0: {  	[dreg:$0x1] =	wrdreg $0xFFFFFFFF  }
0xc1: {  	_ =	task.clear_ibuf [dreg:s7], $0x2FFFF;
	_ =	strace $0x9FFFFFFF  }
0xc2: {  	(tm) =	ssettm $0x7FFFFFFF  }
0xc3: {  	_ =	shalt  }
tec
execute0_lowered:
.L_overlay_start_1:
0x0: {  	(tag) =	ssettag $0x1  }
0x1: {  	s0 =	rddreg [dreg:$0x0];
	s2 =	stileid.u32  }
0x2: {  	s5 =	rddreg [dreg:$0x1];
	s3 =	sshll.u32 s2, $0x1;
	s2 =	simm.s32 $0x0  }
0x3: {  	s1 =	srdreg.scid;
	[smem:$0x7FF] =	sst s2  }
0x4: {  	s7 =	simm.s32 $0x3;
	v0 =	vimm.f32 $2.000000000e+01;
	s8 =	simm.s32 $0x80;
	_ =	strace $0x80000047  }
0x5: {  	s23 =	simm.s32 $0x400;
	s24 =	simm.s32 $0xA800;
	s28 =	simm.s32 $0xC800;
	(erf) = vrcp.f32 v0  }
0x6: {  	s29 =	simm.s32 $0xD800;
	s30 =	simm.s32 $0xE800;
	s31 =	simm.s32 $0xF800  }
0x7: {  	s9 =	simm.s32 $0x12800;
	s10 =	simm.s32 $0x13800;
	s11 =	simm.s32 $0x14800  }
0x8: {  	s12 =	simm.s32 $0x15800;
	s13 =	simm.s32 $0x1;
	s1 =	sand.u32 $0x1, s1  }
0x9: {  	s14 =	simm.s32 $0x16800;
	s15 =	simm.s32 $0x2;
	s6 =	sor.u32 s1, s3  }
0xa: {  	s1 =	ssub.s32 $0x2, s1;
	s3 =	smul.u32 $0x500, s6;
	s26 =	sshll.u32 s6, $0xB  }
0xb: {  	s16 =	simm.s32 $0x0;
	s25 =	sshrl.u32 s1, $0x1;
	s5 =	sadd.s32 s5, s26  }
0xc: {  	s26 =	simm.s32 $0xB800;
	s4 =	sadd.s32 s3, s0;
	s3 =	sadd.s32 $0xA400, s0  }
0xd: {  	s0 =	ssub.s32 s1, s25;
	s25 =	simm.s32 $0x480;
	s1 =	simm.s32 $0x10800  }
0xe: {  	s4 =	sadd.s32 $0x400, s4;
	s6 =	smax.u32 s0, $0x1;
	s0 =	simm.s32 $0x11800;
	v0 =	vpop (erf)  }
.LBB2_1:
0xf: {  	[tilespmem:s2], [sflag:$0x3] =	stream.linear.gather [hbm4b:s4+s2], $0x2800, $0x38;
	[tilespmem:$0x17000] =	vst v63  }
0x10: {  	_ =	swait.ge [sflag:s7], $0x2800  }
0x11: {  	[sflag:s7] =	ssyncset.done $0x0  }
0x12: {  	s17 =	simm.s32 $0x0;
	[sflag:s7] =	ssyncadd.s32 $0xFFFFD800  }
0x13: {  	v1 =	vld [tilespmem:s17+$0x0]  }
0x14: {  	v2 =	vld [tilespmem:s17+$0x10]  }
0x15: {  	v6 =	vld [tilespmem:s17+$0x30];
	_ =	sdelay $0x2  }
0x16: {  	v3 =	vshll.u32 v1, $0x2  }
0x17: {  	v4 =	vld [tilespmem:s17+$0x20];
	v5 =	vand.u32 $0xFFFFC000, v1;
	v1 =	vshrl.u32 v1, $0xC;
	v7 =	vand.u32 $0xFFFFC000, v2  }
0x18: {  	v8 =	vshll.u32 v6, $0x2;
	v10 =	vand.u32 $0xFFFFC000, v6;
	v6 =	vshrl.u32 v6, $0xC  }
0x19: {  	v3 =	vand.u32 $0x3FFC, v3;
	v1 =	vand.u32 $0x3, v1;
	v8 =	vand.u32 $0x3FFC, v8  }
0x1a: {  	v9 =	vld [tilespmem:s17+$0x40];
	v3 =	vor.u32 v5, v3;
	v5 =	vshll.u32 v2, $0x2;
	v2 =	vshrl.u32 v2, $0xC  }
0x1b: {  	v8 =	vor.u32 v10, v8;
	v10 =	vand.u32 $0x3, v6;
	v5 =	vand.u32 $0x3FFC, v5  }
0x1c: {  	v6 =	vld [tilespmem:s17+$0x50];
	v1 =	vor.u32 v1, v3;
	v3 =	vor.u32 v7, v5;
	v7 =	vshll.u32 v4, $0x2  }
0x1d: {  	v5 =	vand.u32 $0xFFFFC000, v4;
	v4 =	vshrl.u32 v4, $0xC;
	v7 =	vand.u32 $0x3FFC, v7  }
0x1e: {  	v2 =	vand.u32 $0x3, v2;
	v4 =	vand.u32 $0x3, v4;
	v7 =	vor.u32 v5, v7  }
0x1f: {  	v5 =	vor.u32 v2, v3;
	v2 =	vor.u32 v10, v8;
	v3 =	vld [tilespmem:s17+$0x60];
	v8 =	vshll.u32 v9, $0x2  }
0x20: {  	s18 =	simm.s32 $0x200;
	v4 =	vor.u32 v4, v7;
	v7 =	vand.u32 $0xFFFFC000, v9;
	v9 =	vshrl.u32 v9, $0xC  }
.LBB2_2:
0x21: {  	p0 =	sne.s32 s18, $0x9E00;
	v8 =	vand.u32 $0x3FFC, v8;
	v9 =	vand.u32 $0x3, v9;
	v10 =	vshll.u32 v6, $0x2;
	v11 =	vld [tilespmem:s17+$0x70]  }
0x22: {  	v12 =	vand.u32 $0xFFFFC000, v6;
	v6 =	vshrl.u32 v6, $0xC;
	v10 =	vand.u32 $0x3FFC, v10  }
0x23: {  	s19 =	sshra.s32 s18, $0x2;
	v6 =	vand.u32 $0x3, v6;
	[tilespmem:s17+$0x0] =	vst v1;
	v1 =	vor.u32 v7, v8;
	v7 =	vor.u32 v12, v10  }
0x24: {  	v8 =	vld [tilespmem:s19+$0x0];
	[tilespmem:s17+$0x10] =	vst v5;
	v1 =	vor.u32 v9, v1;
	v5 =	vor.u32 v6, v7;
	v6 =	vshll.u32 v3, $0x2  }
0x25: {  	[tilespmem:s17+$0x20] =	vst v4;
	v4 =	vand.u32 $0xFFFFC000, v3;
	v6 =	vand.u32 $0x3FFC, v6;
	v3 =	vshrl.u32 v3, $0xC  }
0x26: {  	v7 =	vld [tilespmem:s19+$0x10];
	[tilespmem:s17+$0x30] =	vst v2;
	v2 =	vor.u32 v4, v6;
	v3 =	vand.u32 $0x3, v3;
	v4 =	vshll.u32 v11, $0x2  }
0x27: {  	v6 =	vshrl.u32 v11, $0xC;
	[tilespmem:s17+$0x40] =	vst v1;
	v1 =	vand.u32 $0xFFFFC000, v11;
	v4 =	vand.u32 $0x3FFC, v4  }
0x28: {  	v2 =	vor.u32 v3, v2;
	v3 =	vand.u32 $0x3, v6;
	[tilespmem:s17+$0x50] =	vst v5;
	v1 =	vor.u32 v1, v4  }
0x29: {  	v4 =	vshll.u32 v8, $0x2;
	v5 =	vld [tilespmem:s19+$0x20];
	[tilespmem:s17+$0x60] =	vst v2;
	v1 =	vor.u32 v3, v1  }
0x2a: {  	v2 =	vand.u32 $0xFFFFC000, v8;
	v3 =	vand.u32 $0x3FFC, v4;
	v4 =	vshrl.u32 v8, $0xC;
	v8 =	vld [tilespmem:s19+$0x30];
	[tilespmem:s17+$0x70] =	vst v1;
	s17 =	smov.u32 s19  }
0x2b: {  	v1 =	vor.u32 v2, v3;
	v2 =	vand.u32 $0x3, v4;
	v3 =	vshll.u32 v7, $0x2  }
0x2c: {  	v4 =	vand.u32 $0xFFFFC000, v7;
	v6 =	vshrl.u32 v7, $0xC;
	v3 =	vand.u32 $0x3FFC, v3  }
0x2d: {  	v1 =	vor.u32 v2, v1;
	v2 =	vor.u32 v4, v3;
	v3 =	vand.u32 $0x3, v6  }
0x2e: {  	v4 =	vand.u32 $0xFFFFC000, v5;
	v6 =	vshll.u32 v5, $0x2;
	v5 =	vshrl.u32 v5, $0xC;
	v9 =	vld [tilespmem:s17+$0x40]  }
.Ltmp0:
0x2f: {  	v7 =	vand.u32 $0x3FFC, v6;
	v10 =	vand.u32 $0x3, v5;
	v5 =	vshll.u32 v8, $0x2;
	v6 =	vld [tilespmem:s17+$0x50];
	(pc) =	sbr.rel @p0 .LBB2_2-.Ltmp0, $4  }
0x30: {  	v11 =	vand.u32 $0xFFFFC000, v8;
	v8 =	vshrl.u32 v8, $0xC;
	v5 =	vand.u32 $0x3FFC, v5  }
0x31: {  	v4 =	vor.u32 v4, v7;
	v8 =	vand.u32 $0x3, v8;
	v7 =	vor.u32 v11, v5  }
0x32: {  	v5 =	vor.u32 v3, v2;
	v4 =	vor.u32 v10, v4;
	v2 =	vor.u32 v8, v7;
	v3 =	vld [tilespmem:s17+$0x60]  }
0x33: {  	s18 =	sadd.s32 $0x200, s18;
	v7 =	vand.u32 $0xFFFFC000, v9;
	v8 =	vshll.u32 v9, $0x2;
	v9 =	vshrl.u32 v9, $0xC  }
0x34: {  	v8 =	vand.u32 $0x3FFC, v8;
	v9 =	vand.u32 $0x3, v9;
	v10 =	vshll.u32 v6, $0x2;
	v11 =	vld [tilespmem:s17+$0x70]  }
0x35: {  	v12 =	vand.u32 $0xFFFFC000, v6;
	v57 =	vshrl.u32 v6, $0xC;
	v10 =	vand.u32 $0x3FFC, v10  }
0x36: {  	[tilespmem:s17+$0x0] =	vst v1;
	v1 =	vor.u32 v7, v8;
	v6 =	vand.u32 $0x3, v57;
	v58 =	vor.u32 v12, v10  }
0x37: {  	[tilespmem:s17+$0x10] =	vst v5;
	v1 =	vor.u32 v9, v1;
	v59 =	vor.u32 v6, v58;
	v60 =	vshll.u32 v3, $0x2  }
0x38: {  	[tilespmem:s17+$0x20] =	vst v4;
	v61 =	vand.u32 $0xFFFFC000, v3;
	v3 =	vshrl.u32 v3, $0xC;
	v6 =	vand.u32 $0x3FFC, v60  }
0x39: {  	[tilespmem:s17+$0x30] =	vst v2;
	v3 =	vand.u32 $0x3, v3;
	v2 =	vor.u32 v61, v6;
	v62 =	vshll.u32 v11, $0x2  }
0x3a: {  	[tilespmem:s17+$0x40] =	vst v1;
	v1 =	vand.u32 $0xFFFFC000, v11;
	v63 =	vshrl.u32 v11, $0xC;
	v4 =	vand.u32 $0x3FFC, v62  }
0x3b: {  	[tilespmem:s17+$0x50] =	vst v59;
	v2 =	vor.u32 v3, v2;
	v3 =	vand.u32 $0x3, v63;
	v1 =	vor.u32 v1, v4  }
0x3c: {  	[tilespmem:s17+$0x60] =	vst v2;
	v1 =	vor.u32 v3, v1  }
0x3d: {  	s18 =	simm.s32 $0x2800;
	[tilespmem:s17+$0x70] =	vst v1;
	s17 =	simm.s32 $0x0  }
0x3e: {  	[tilespmem:s18], [sflag:$0x1] =	stream.indirect.gather [hbm4b:s3+s8], $0x20, s17, s8, $0xb8;
	[tilespmem:$0x17000] =	vst v63  }
0x3f: {  	s19 =	simm.s32 $0x3800  }
0x40: {  	[tilespmem:s19], [sflag:$0x1] =	stream.indirect.gather [hbm4b:s3+s8], $0x20, s8, s8, $0xb8;
	[tilespmem:$0x17000] =	vst v63  }
0x41: {  	s20 =	simm.s32 $0x100;
	s19 =	simm.s32 $0x4800  }
0x42: {  	[tilespmem:s19], [sflag:$0x1] =	stream.indirect.gather [hbm4b:s3+s8], $0x20, s20, s8, $0xb8;
	[tilespmem:$0x17000] =	vst v63  }
0x43: {  	s21 =	simm.s32 $0x180;
	s22 =	simm.s32 $0x5800  }
0x44: {  	[tilespmem:s22], [sflag:$0x1] =	stream.indirect.gather [hbm4b:s3+s8], $0x20, s21, s8, $0xb8;
	[tilespmem:$0x17000] =	vst v63  }
0x45: {  	s19 =	simm.s32 $0x200;
	s20 =	simm.s32 $0x6800  }
0x46: {  	[tilespmem:s20], [sflag:$0x1] =	stream.indirect.gather [hbm4b:s3+s8], $0x20, s19, s8, $0xb8;
	[tilespmem:$0x17000] =	vst v63  }
0x47: {  	s21 =	simm.s32 $0x280;
	s22 =	simm.s32 $0x7800  }
0x48: {  	[tilespmem:s22], [sflag:$0x1] =	stream.indirect.gather [hbm4b:s3+s8], $0x20, s21, s8, $0xb8;
	[tilespmem:$0x17000] =	vst v63  }
0x49: {  	s19 =	simm.s32 $0x300;
	s20 =	simm.s32 $0x8800  }
0x4a: {  	[tilespmem:s20], [sflag:$0x1] =	stream.indirect.gather [hbm4b:s3+s8], $0x20, s19, s8, $0xb8;
	[tilespmem:$0x17000] =	vst v63  }
0x4b: {  	s21 =	simm.s32 $0x380;
	s22 =	simm.s32 $0x9800  }
0x4c: {  	[tilespmem:s22], [sflag:$0x1] =	stream.indirect.gather [hbm4b:s3+s8], $0x20, s21, s8, $0xb8;
	[tilespmem:$0x17000] =	vst v63  }
0x4d: {  	_ = 	snop  }
0x4e: {  	[tilespmem:s24], [sflag:$0x1] =	stream.indirect.gather [hbm4b:s3+s8], $0x20, s23, s8, $0xb8;
	[tilespmem:$0x17000] =	vst v63  }
0x4f: {  	_ = 	snop  }
0x50: {  	[tilespmem:s26], [sflag:$0x1] =	stream.indirect.gather [hbm4b:s3+s8], $0x20, s25, s8, $0xb8;
	[tilespmem:$0x17000] =	vst v63  }
.LBB2_4:
0x51: {  	s18 =	sshllo.u32 s17, $0x1  }
0x52: {  	s19 =	smul.u32 $0x1400, s18;
	_ =	sdelay $0x1  }
0x53: {  	s19 =	sshra.s32 s19, $0x2  }
0x54: {  	[tilespmem:s28], [sflag:$0x2] =	stream.indirect.gather [hbm4b:s3+s8], $0x20, s19, s8, $0xb8;
	[tilespmem:$0x17000] =	vst v63  }
0x55: {  	s20 =	sor.u32 $0x80, s19  }
0x56: {  	[tilespmem:s29], [sflag:$0x2] =	stream.indirect.gather [hbm4b:s3+s8], $0x20, s20, s8, $0xb8;
	[tilespmem:$0x17000] =	vst v63  }
0x57: {  	s22 =	sadd.s32 $0x100, s19  }
0x58: {  	[tilespmem:s30], [sflag:$0x2] =	stream.indirect.gather [hbm4b:s3+s8], $0x20, s22, s8, $0xb8;
	[tilespmem:$0x17000] =	vst v63  }
0x59: {  	s21 =	sadd.s32 $0x180, s19  }
0x5a: {  	[tilespmem:s31], [sflag:$0x2] =	stream.indirect.gather [hbm4b:s3+s8], $0x20, s21, s8, $0xb8;
	[tilespmem:$0x17000] =	vst v63  }
0x5b: {  	s22 =	sadd.s32 $0x200, s19  }
0x5c: {  	[tilespmem:s1], [sflag:$0x2] =	stream.indirect.gather [hbm4b:s3+s8], $0x20, s22, s8, $0xb8;
	[tilespmem:$0x17000] =	vst v63  }
0x5d: {  	s21 =	sadd.s32 $0x280, s19  }
0x5e: {  	[tilespmem:s0], [sflag:$0x2] =	stream.indirect.gather [hbm4b:s3+s8], $0x20, s21, s8, $0xb8;
	[tilespmem:$0x17000] =	vst v63  }
0x5f: {  	s22 =	sadd.s32 $0x300, s19  }
0x60: {  	[tilespmem:s9], [sflag:$0x2] =	stream.indirect.gather [hbm4b:s3+s8], $0x20, s22, s8, $0xb8;
	[tilespmem:$0x17000] =	vst v63  }
0x61: {  	s21 =	sadd.s32 $0x380, s19  }
0x62: {  	[tilespmem:s10], [sflag:$0x2] =	stream.indirect.gather [hbm4b:s3+s8], $0x20, s21, s8, $0xb8;
	[tilespmem:$0x17000] =	vst v63  }
0x63: {  	s22 =	sadd.s32 $0x400, s19  }
0x64: {  	[tilespmem:s11], [sflag:$0x2] =	stream.indirect.gather [hbm4b:s3+s8], $0x20, s22, s8, $0xb8;
	[tilespmem:$0x17000] =	vst v63  }
0x65: {  	s19 =	sadd.s32 $0x480, s19  }
0x66: {  	[tilespmem:s12], [sflag:$0x2] =	stream.indirect.gather [hbm4b:s3+s8], $0x20, s19, s8, $0xb8;
	[tilespmem:$0x17000] =	vst v63  }
0x67: {  	_ =	swait.ge [sflag:s13], $0x1000  }
0x68: {  	[sflag:s13] =	ssyncset.done $0x0  }
0x69: {  	[sflag:s13] =	ssyncadd.s32 $0xFFFFF000  }
0x6a: {  	_ =	swait.ge [sflag:s13], $0x1000  }
0x6b: {  	[sflag:s13] =	ssyncset.done $0x0  }
0x6c: {  	[sflag:s13] =	ssyncadd.s32 $0xFFFFF000  }
0x6d: {  	_ =	swait.ge [sflag:s13], $0x1000  }
0x6e: {  	[sflag:s13] =	ssyncset.done $0x0  }
0x6f: {  	[sflag:s13] =	ssyncadd.s32 $0xFFFFF000  }
0x70: {  	_ =	swait.ge [sflag:s13], $0x1000  }
0x71: {  	[sflag:s13] =	ssyncset.done $0x0  }
0x72: {  	[sflag:s13] =	ssyncadd.s32 $0xFFFFF000  }
0x73: {  	_ =	swait.ge [sflag:s13], $0x1000  }
0x74: {  	[sflag:s13] =	ssyncset.done $0x0  }
0x75: {  	[sflag:s13] =	ssyncadd.s32 $0xFFFFF000  }
0x76: {  	_ =	swait.ge [sflag:s13], $0x1000  }
0x77: {  	[sflag:s13] =	ssyncset.done $0x0  }
0x78: {  	[sflag:s13] =	ssyncadd.s32 $0xFFFFF000  }
0x79: {  	_ =	swait.ge [sflag:s13], $0x1000  }
0x7a: {  	[sflag:s13] =	ssyncset.done $0x0  }
0x7b: {  	[sflag:s13] =	ssyncadd.s32 $0xFFFFF000  }
0x7c: {  	_ =	swait.ge [sflag:s13], $0x1000  }
0x7d: {  	[sflag:s13] =	ssyncset.done $0x0  }
0x7e: {  	[sflag:s13] =	ssyncadd.s32 $0xFFFFF000  }
0x7f: {  	_ =	swait.ge [sflag:s13], $0x1000  }
0x80: {  	[sflag:s13] =	ssyncset.done $0x0  }
0x81: {  	[sflag:s13] =	ssyncadd.s32 $0xFFFFF000  }
0x82: {  	_ =	swait.ge [sflag:s13], $0x1000  }
0x83: {  	[sflag:s13] =	ssyncset.done $0x0  }
0x84: {  	s19 =	simm.s32 $0x2940;
	[sflag:s13] =	ssyncadd.s32 $0xFFFFF000  }
0x85: {  	v1 =	vld [tilespmem:s19+$0x80]  }
0x86: {  	v2 =	vld [tilespmem:s19+$0xC0]  }
0x87: {  	v3 =	vld [tilespmem:s19+$0xE0]  }
0x88: {  	v4 =	vld [tilespmem:s19+$0xB0]  }
0x89: {  	v5 =	vld [tilespmem:s19+$0x60]  }
0x8a: {  	v6 =	vld [tilespmem:s19+$0x40]  }
0x8b: {  	v7 =	vld [tilespmem:s19+$0x20]  }
0x8c: {  	v8 =	vld [tilespmem:s19+$0xFFFFFFC0]  }
0x8d: {  	v9 =	vld [tilespmem:s19+$0x0]  }
0x8e: {  	v10 =	vld [tilespmem:s19+$0xFFFFFFA0]  }
0x8f: {  	v11 =	vld [tilespmem:s19+$0xFFFFFFE0]  }
0x90: {  	v12 =	vld [tilespmem:s19+$0xFFFFFF60]  }
0x91: {  	v13 =	vld [tilespmem:s19+$0xFFFFFF80]  }
0x92: {  	v14 =	vld [tilespmem:s19+$0xFFFFFF40]  }
0x93: {  	v15 =	vld [tilespmem:s19+$0xFFFFFEC0]  }
0x94: {  	v16 =	vld [tilespmem:s19+$0xFFFFFF00]  }
0x95: {  	v17 =	vld [tilespmem:s19+$0xFFFFFEE0]  }
0x96: {  	v18 =	vld [tilespmem:s19+$0xFFFFFF20]  }
0x97: {  	v19 =	vld [tilespmem:s19+$0xA0]  }
0x98: {  	v20 =	vld [tilespmem:s19+$0x120]  }
0x99: {  	v21 =	vld [tilespmem:s19+$0x100]  }
0x9a: {  	v49 =	vld [tilespmem:s19+$0xFFFFFEF0]  }
0x9b: {  	v22 =	vld [tilespmem:s19+$0x30]  }
0x9c: {  	v23 =	vld [tilespmem:s19+$0x10]  }
0x9d: {  	v24 =	vld [tilespmem:s19+$0xFFFFFFF0];
	v15 =	vadd.f32 $0.0e+00, v15;
	v17 =	vadd.f32 $0.0e+00, v17  }
0x9e: {  	v25 =	vld [tilespmem:s19+$0xFFFFFFD0];
	v16 =	vadd.f32 $0.0e+00, v16;
	v18 =	vadd.f32 $0.0e+00, v18  }
0x9f: {  	v26 =	vld [tilespmem:s19+$0xFFFFFF90];
	v56 =	vadd.f32 $0.0e+00, v49;
	v14 =	vadd.f32 v14, v15  }
0xa0: {  	v50 =	vld [tilespmem:s19+$0xFFFFFF10];
	v12 =	vadd.f32 v12, v17;
	v13 =	vadd.f32 v13, v16  }
0xa1: {  	v51 =	vld [tilespmem:s19+$0xFFFFFED0];
	v10 =	vadd.f32 v10, v18;
	v8 =	vadd.f32 v8, v14  }
0xa2: {  	v46 =	vld [tilespmem:s19+$0xFFFFFF70];
	v11 =	vadd.f32 v11, v12;
	v9 =	vadd.f32 v9, v13  }
0xa3: {  	v47 =	vld [tilespmem:s19+$0xFFFFFFB0];
	v7 =	vadd.f32 v7, v10;
	v6 =	vadd.f32 v6, v8  }
0xa4: {  	v48 =	vld [tilespmem:s19+$0xFFFFFF30];
	v5 =	vadd.f32 v5, v11;
	v1 =	vadd.f32 v1, v9  }
0xa5: {  	v52 =	vld [tilespmem:s19+$0xFFFFFF50];
	v7 =	vadd.f32 v19, v7;
	v8 =	vadd.f32 $0.0e+00, v50  }
0xa6: {  	v54 =	vld [tilespmem:s19+$0x70];
	v9 =	vadd.f32 $0.0e+00, v51;
	v2 =	vadd.f32 v2, v6  }
0xa7: {  	v55 =	vld [tilespmem:s19+$0x90];
	v3 =	vadd.f32 v3, v5;
	v1 =	vadd.f32 v21, v1  }
0xa8: {  	v57 =	vld [tilespmem:s19+$0x110];
	v53 =	vadd.f32 v20, v7;
	v6 =	vadd.f32 v46, v56  }
0xa9: {  	v59 =	vld [tilespmem:s19+$0x50];
	v2 =	vadd.f32 v3, v2;
	v3 =	vadd.f32 $0.0e+00, v48  }
0xaa: {  	v58 =	vld [tilespmem:s19+$0x130];
	v8 =	vadd.f32 v26, v8;
	v5 =	vadd.f32 v52, v9  }
0xab: {  	v61 =	vld [tilespmem:s19+$0xD0];
	v1 =	vadd.f32 v53, v1;
	v3 =	vadd.f32 v47, v3  }
0xac: {  	v60 =	vld [tilespmem:s19+$0xF0];
	v8 =	vadd.f32 v23, v8;
	v5 =	vadd.f32 v25, v5  }
0xad: {  	v6 =	vadd.f32 v24, v6;
	v3 =	vadd.f32 v22, v3  }
0xae: {  	v63 =	vadd.f32 v55, v8;
	v5 =	vadd.f32 v59, v5  }
0xaf: {  	v62 =	vadd.f32 v54, v6;
	v3 =	vadd.f32 v4, v3  }
0xb0: {  	v5 =	vadd.f32 v61, v5;
	v6 =	vadd.f32 v57, v63  }
0xb1: {  	v4 =	vadd.f32 v60, v62;
	v3 =	vadd.f32 v58, v3  }
0xb2: {  	v1 =	vadd.f32 v1, v2  }
0xb3: {  	v2 =	vadd.f32 v4, v5;
	v3 =	vadd.f32 v3, v6;
	_ =	sdelay $0x1  }
0xb4: {  	v1 =	vmul.f32 v1, v0;
	v2 =	vadd.f32 v3, v2  }
0xb5: {  	s21 =	simm.s32 $0x0  }
0xb6: {  	s20 =	simm.s32 $0x80;
	[tilespmem:s21+$0x16800] =	vst v1;
	v1 =	vmul.f32 v2, v0  }
.LBB2_5:
0xb7: {  	p0 =	sne.s32 s20, $0x1F80  }
0xb8: {  	s19 =	sadd.s32 $0x280, s19;
	[tilespmem:s21+$0x16810] =	vst v1;
	s21 =	smov.u32 s20;
	s20 =	sadd.s32 $0x80, s20  }
0xb9: {  	v1 =	vld [tilespmem:s19+$0x80]  }
0xba: {  	v2 =	vld [tilespmem:s19+$0xC0]  }
0xbb: {  	v3 =	vld [tilespmem:s19+$0xE0]  }
0xbc: {  	v4 =	vld [tilespmem:s19+$0xB0]  }
0xbd: {  	v5 =	vld [tilespmem:s19+$0x60]  }
0xbe: {  	v6 =	vld [tilespmem:s19+$0x40]  }
0xbf: {  	v7 =	vld [tilespmem:s19+$0x20]  }
0xc0: {  	v8 =	vld [tilespmem:s19+$0xFFFFFFC0]  }
0xc1: {  	v9 =	vld [tilespmem:s19+$0x0]  }
0xc2: {  	v10 =	vld [tilespmem:s19+$0xFFFFFFA0]  }
0xc3: {  	v11 =	vld [tilespmem:s19+$0xFFFFFFE0]  }
0xc4: {  	v12 =	vld [tilespmem:s19+$0xFFFFFF60]  }
0xc5: {  	v13 =	vld [tilespmem:s19+$0xFFFFFF80]  }
0xc6: {  	v14 =	vld [tilespmem:s19+$0xFFFFFF40]  }
0xc7: {  	v15 =	vld [tilespmem:s19+$0xFFFFFEC0]  }
0xc8: {  	v16 =	vld [tilespmem:s19+$0xFFFFFF00]  }
0xc9: {  	v17 =	vld [tilespmem:s19+$0xFFFFFEE0]  }
0xca: {  	v18 =	vld [tilespmem:s19+$0xFFFFFF20]  }
0xcb: {  	v19 =	vld [tilespmem:s19+$0xA0]  }
0xcc: {  	v20 =	vld [tilespmem:s19+$0x120]  }
0xcd: {  	v15 =	vadd.f32 $0.0e+00, v15;
	v16 =	vadd.f32 $0.0e+00, v16;
	v21 =	vld [tilespmem:s19+$0x100]  }
0xce: {  	v17 =	vadd.f32 $0.0e+00, v17;
	v22 =	vld [tilespmem:s19+$0x30]  }
0xcf: {  	v14 =	vadd.f32 v14, v15;
	v13 =	vadd.f32 v13, v16;
	v15 =	vld [tilespmem:s19+$0x10]  }
0xd0: {  	v16 =	vadd.f32 $0.0e+00, v18;
	v12 =	vadd.f32 v12, v17;
	v17 =	vld [tilespmem:s19+$0xFFFFFFF0]  }
0xd1: {  	v8 =	vadd.f32 v8, v14;
	v14 =	vld [tilespmem:s19+$0xFFFFFFD0];
	v9 =	vadd.f32 v9, v13  }
0xd2: {  	v10 =	vadd.f32 v10, v16;
	v13 =	vld [tilespmem:s19+$0xFFFFFF90];
	v11 =	vadd.f32 v11, v12  }
0xd3: {  	v6 =	vadd.f32 v6, v8;
	v12 =	vld [tilespmem:s19+$0xFFFFFF70];
	v1 =	vadd.f32 v1, v9  }
0xd4: {  	v7 =	vadd.f32 v7, v10;
	v8 =	vld [tilespmem:s19+$0xFFFFFFB0];
	v5 =	vadd.f32 v5, v11  }
0xd5: {  	v2 =	vadd.f32 v2, v6;
	v9 =	vld [tilespmem:s19+$0xFFFFFF30];
	v1 =	vadd.f32 v21, v1  }
0xd6: {  	v7 =	vadd.f32 v19, v7;
	v6 =	vld [tilespmem:s19+$0xFFFFFEF0];
	v3 =	vadd.f32 v3, v5  }
0xd7: {  	v5 =	vld [tilespmem:s19+$0xFFFFFF10]  }
0xd8: {  	v7 =	vadd.f32 v20, v7;
	v10 =	vld [tilespmem:s19+$0xFFFFFED0];
	v2 =	vadd.f32 v3, v2  }
0xd9: {  	v3 =	vld [tilespmem:s19+$0xFFFFFF50]  }
0xda: {  	v1 =	vadd.f32 v7, v1;
	v9 =	vadd.f32 $0.0e+00, v9;
	v11 =	vld [tilespmem:s19+$0x70]  }
0xdb: {  	v6 =	vadd.f32 $0.0e+00, v6;
	v7 =	vld [tilespmem:s19+$0x90]  }
0xdc: {  	v5 =	vadd.f32 $0.0e+00, v5;
	v8 =	vadd.f32 v8, v9;
	v9 =	vld [tilespmem:s19+$0x110]  }
0xdd: {  	v10 =	vadd.f32 $0.0e+00, v10;
	v6 =	vadd.f32 v12, v6;
	v12 =	vld [tilespmem:s19+$0x130]  }
0xde: {  	v5 =	vadd.f32 v13, v5;
	v8 =	vadd.f32 v22, v8;
	v13 =	vld [tilespmem:s19+$0x50]  }
0xdf: {  	v3 =	vadd.f32 v3, v10;
	v6 =	vadd.f32 v17, v6;
	v10 =	vld [tilespmem:s19+$0xF0]  }
0xe0: {  	v5 =	vadd.f32 v15, v5;
	v4 =	vadd.f32 v4, v8;
	v8 =	vld [tilespmem:s19+$0xD0]  }
0xe1: {  	v1 =	vadd.f32 v1, v2;
	v3 =	vadd.f32 v14, v3  }
0xe2: {  	v2 =	vadd.f32 v11, v6;
	v5 =	vadd.f32 v7, v5  }
0xe3: {  	v1 =	vmul.f32 v1, v0;
	v3 =	vadd.f32 v13, v3  }
0xe4: {  	s21 =	sshra.s32 s21, $0x2;
	v4 =	vadd.f32 v12, v4;
	v2 =	vadd.f32 v10, v2  }
0xe5: {  	v5 =	vadd.f32 v9, v5;
	v3 =	vadd.f32 v8, v3;
	[tilespmem:s21+$0x16800] =	vst v1;
	_ =	sdelay $0x1  }
.Ltmp1:
0xe6: {  	v1 =	vadd.f32 v2, v3;
	v2 =	vadd.f32 v4, v5;
	(pc) =	sbr.rel @p0 .LBB2_5-.Ltmp1, $3  }
0xe7: {  	_ = 	snop  }
0xe8: {  	v1 =	vadd.f32 v2, v1;
	_ =	sdelay $0x1  }
0xe9: {  	v1 =	vmul.f32 v1, v0  }
0xea: {  	s19 =	sshll.u32 s17, $0x9  }
0xeb: {  	p0 =	seq.s32 s17, $0x3;
	[tilespmem:s21+$0x16810] =	vst v1;
	s19 =	sadd.s32 s19, s5  }
0xec: {  	[hbm4b:s19+s2] =	stream.linear.scatter [tilespmem:s14], [sflag:$0x3], $0x800, $0x38;
	[tilespmem:$0x17000] =	vst v63  }
0xed: {  	s19 =	smul.u32 @!p0 $0x2800, s17  }
0xee: {  	_ =	swait.ge [sflag:s7], $0x800  }
0xef: {  	s21 =	simm.s32 @!p0 $0x80;
	[sflag:s7] =	ssyncset.done $0x0;
	s19 =	sshra.s32 @!p0 s19, $0x2  }
0xf0: {  	s22 =	simm.s32 @!p0 $0x2800;
	[sflag:s7] =	ssyncadd.s32 $0xFFFFF800;
	s20 =	sadd.s32 @!p0 $0xA00, s19  }
0xf1: {  	[tilespmem:s22], [sflag:$0x1] =	stream.indirect.gather @!p0 [hbm4b:s3+s21], $0x20, s20, s21, $0xb8;
	[tilespmem:$0x17000] =	vst v63  }
0xf2: {  	s20 =	sadd.s32 @!p0 $0xA80, s19;
	s22 =	simm.s32 @!p0 $0x3800  }
0xf3: {  	[tilespmem:s22], [sflag:$0x1] =	stream.indirect.gather @!p0 [hbm4b:s3+s21], $0x20, s20, s21, $0xb8;
	[tilespmem:$0x17000] =	vst v63  }
0xf4: {  	s20 =	sadd.s32 @!p0 $0xB00, s19;
	s22 =	simm.s32 @!p0 $0x4800  }
0xf5: {  	[tilespmem:s22], [sflag:$0x1] =	stream.indirect.gather @!p0 [hbm4b:s3+s21], $0x20, s20, s21, $0xb8;
	[tilespmem:$0x17000] =	vst v63  }
0xf6: {  	s20 =	sadd.s32 @!p0 $0xB80, s19;
	s22 =	simm.s32 @!p0 $0x5800  }
0xf7: {  	[tilespmem:s22], [sflag:$0x1] =	stream.indirect.gather @!p0 [hbm4b:s3+s21], $0x20, s20, s21, $0xb8;
	[tilespmem:$0x17000] =	vst v63  }
0xf8: {  	s20 =	sadd.s32 @!p0 $0xC00, s19;
	s22 =	simm.s32 @!p0 $0x6800  }
0xf9: {  	[tilespmem:s22], [sflag:$0x1] =	stream.indirect.gather @!p0 [hbm4b:s3+s21], $0x20, s20, s21, $0xb8;
	[tilespmem:$0x17000] =	vst v63  }
0xfa: {  	s20 =	sadd.s32 @!p0 $0xC80, s19;
	s22 =	simm.s32 @!p0 $0x7800  }
0xfb: {  	[tilespmem:s22], [sflag:$0x1] =	stream.indirect.gather @!p0 [hbm4b:s3+s21], $0x20, s20, s21, $0xb8;
	[tilespmem:$0x17000] =	vst v63  }
0xfc: {  	s20 =	sadd.s32 @!p0 $0xD00, s19;
	s22 =	simm.s32 @!p0 $0x8800  }
0xfd: {  	[tilespmem:s22], [sflag:$0x1] =	stream.indirect.gather @!p0 [hbm4b:s3+s21], $0x20, s20, s21, $0xb8;
	[tilespmem:$0x17000] =	vst v63  }
0xfe: {  	s20 =	sadd.s32 @!p0 $0xD80, s19;
	s22 =	simm.s32 @!p0 $0x9800  }
0xff: {  	[tilespmem:s22], [sflag:$0x1] =	stream.indirect.gather @!p0 [hbm4b:s3+s21], $0x20, s20, s21, $0xb8;
	[tilespmem:$0x17000] =	vst v63  }
0x100: {  	s20 =	sadd.s32 @!p0 $0xE00, s19;
	s22 =	simm.s32 @!p0 $0xA800  }
0x101: {  	[tilespmem:s22], [sflag:$0x1] =	stream.indirect.gather @!p0 [hbm4b:s3+s21], $0x20, s20, s21, $0xb8;
	[tilespmem:$0x17000] =	vst v63  }
0x102: {  	s19 =	sadd.s32 @!p0 $0xE80, s19;
	s20 =	simm.s32 @!p0 $0xB800  }
0x103: {  	[tilespmem:s20], [sflag:$0x1] =	stream.indirect.gather @!p0 [hbm4b:s3+s21], $0x20, s19, s21, $0xb8;
	[tilespmem:$0x17000] =	vst v63  }
0x104: {  	_ =	swait.ge [sflag:s15], $0x1000  }
0x105: {  	[sflag:s15] =	ssyncset.done $0x0  }
0x106: {  	[sflag:s15] =	ssyncadd.s32 $0xFFFFF000  }
0x107: {  	_ =	swait.ge [sflag:s15], $0x1000  }
0x108: {  	[sflag:s15] =	ssyncset.done $0x0  }
0x109: {  	[sflag:s15] =	ssyncadd.s32 $0xFFFFF000  }
0x10a: {  	_ =	swait.ge [sflag:s15], $0x1000  }
0x10b: {  	[sflag:s15] =	ssyncset.done $0x0  }
0x10c: {  	[sflag:s15] =	ssyncadd.s32 $0xFFFFF000  }
0x10d: {  	_ =	swait.ge [sflag:s15], $0x1000  }
0x10e: {  	[sflag:s15] =	ssyncset.done $0x0  }
0x10f: {  	[sflag:s15] =	ssyncadd.s32 $0xFFFFF000  }
0x110: {  	_ =	swait.ge [sflag:s15], $0x1000  }
0x111: {  	[sflag:s15] =	ssyncset.done $0x0  }
0x112: {  	[sflag:s15] =	ssyncadd.s32 $0xFFFFF000  }
0x113: {  	_ =	swait.ge [sflag:s15], $0x1000  }
0x114: {  	[sflag:s15] =	ssyncset.done $0x0  }
0x115: {  	[sflag:s15] =	ssyncadd.s32 $0xFFFFF000  }
0x116: {  	_ =	swait.ge [sflag:s15], $0x1000  }
0x117: {  	[sflag:s15] =	ssyncset.done $0x0  }
0x118: {  	[sflag:s15] =	ssyncadd.s32 $0xFFFFF000  }
0x119: {  	_ =	swait.ge [sflag:s15], $0x1000  }
0x11a: {  	[sflag:s15] =	ssyncset.done $0x0  }
0x11b: {  	[sflag:s15] =	ssyncadd.s32 $0xFFFFF000  }
0x11c: {  	_ =	swait.ge [sflag:s15], $0x1000  }
0x11d: {  	[sflag:s15] =	ssyncset.done $0x0  }
0x11e: {  	[sflag:s15] =	ssyncadd.s32 $0xFFFFF000  }
0x11f: {  	_ =	swait.ge [sflag:s15], $0x1000  }
0x120: {  	[sflag:s15] =	ssyncset.done $0x0  }
0x121: {  	s19 =	simm.s32 $0xC940;
	[sflag:s15] =	ssyncadd.s32 $0xFFFFF000  }
0x122: {  	v1 =	vld [tilespmem:s19+$0x80]  }
0x123: {  	v2 =	vld [tilespmem:s19+$0xC0]  }
0x124: {  	v3 =	vld [tilespmem:s19+$0xE0]  }
0x125: {  	v4 =	vld [tilespmem:s19+$0xB0]  }
0x126: {  	v5 =	vld [tilespmem:s19+$0x60]  }
0x127: {  	v6 =	vld [tilespmem:s19+$0x40]  }
0x128: {  	v7 =	vld [tilespmem:s19+$0x20]  }
0x129: {  	v8 =	vld [tilespmem:s19+$0xFFFFFFC0]  }
0x12a: {  	v9 =	vld [tilespmem:s19+$0x0]  }
0x12b: {  	v10 =	vld [tilespmem:s19+$0xFFFFFFA0]  }
0x12c: {  	v11 =	vld [tilespmem:s19+$0xFFFFFFE0]  }
0x12d: {  	v12 =	vld [tilespmem:s19+$0xFFFFFF60]  }
0x12e: {  	v13 =	vld [tilespmem:s19+$0xFFFFFF80]  }
0x12f: {  	v14 =	vld [tilespmem:s19+$0xFFFFFF40]  }
0x130: {  	v15 =	vld [tilespmem:s19+$0xFFFFFEC0]  }
0x131: {  	v16 =	vld [tilespmem:s19+$0xFFFFFF00]  }
0x132: {  	v17 =	vld [tilespmem:s19+$0xFFFFFEE0]  }
0x133: {  	v18 =	vld [tilespmem:s19+$0xFFFFFF20]  }
0x134: {  	v19 =	vld [tilespmem:s19+$0xA0]  }
0x135: {  	v20 =	vld [tilespmem:s19+$0x120]  }
0x136: {  	v21 =	vld [tilespmem:s19+$0x100]  }
0x137: {  	v49 =	vld [tilespmem:s19+$0xFFFFFEF0]  }
0x138: {  	v22 =	vld [tilespmem:s19+$0x30]  }
0x139: {  	v23 =	vld [tilespmem:s19+$0x10]  }
0x13a: {  	v24 =	vld [tilespmem:s19+$0xFFFFFFF0];
	v15 =	vadd.f32 $0.0e+00, v15;
	v17 =	vadd.f32 $0.0e+00, v17  }
0x13b: {  	v25 =	vld [tilespmem:s19+$0xFFFFFFD0];
	v16 =	vadd.f32 $0.0e+00, v16;
	v18 =	vadd.f32 $0.0e+00, v18  }
0x13c: {  	v26 =	vld [tilespmem:s19+$0xFFFFFF90];
	v56 =	vadd.f32 $0.0e+00, v49;
	v14 =	vadd.f32 v14, v15  }
0x13d: {  	v50 =	vld [tilespmem:s19+$0xFFFFFF10];
	v12 =	vadd.f32 v12, v17;
	v13 =	vadd.f32 v13, v16  }
0x13e: {  	v51 =	vld [tilespmem:s19+$0xFFFFFED0];
	v10 =	vadd.f32 v10, v18;
	v8 =	vadd.f32 v8, v14  }
0x13f: {  	v46 =	vld [tilespmem:s19+$0xFFFFFF70];
	v11 =	vadd.f32 v11, v12;
	v9 =	vadd.f32 v9, v13  }
0x140: {  	v47 =	vld [tilespmem:s19+$0xFFFFFFB0];
	v7 =	vadd.f32 v7, v10;
	v6 =	vadd.f32 v6, v8  }
0x141: {  	v48 =	vld [tilespmem:s19+$0xFFFFFF30];
	v5 =	vadd.f32 v5, v11;
	v1 =	vadd.f32 v1, v9  }
0x142: {  	v52 =	vld [tilespmem:s19+$0xFFFFFF50];
	v7 =	vadd.f32 v19, v7;
	v8 =	vadd.f32 $0.0e+00, v50  }
0x143: {  	v54 =	vld [tilespmem:s19+$0x70];
	v9 =	vadd.f32 $0.0e+00, v51;
	v2 =	vadd.f32 v2, v6  }
0x144: {  	v55 =	vld [tilespmem:s19+$0x90];
	v3 =	vadd.f32 v3, v5;
	v1 =	vadd.f32 v21, v1  }
0x145: {  	v57 =	vld [tilespmem:s19+$0x110];
	v53 =	vadd.f32 v20, v7;
	v6 =	vadd.f32 v46, v56  }
0x146: {  	v59 =	vld [tilespmem:s19+$0x50];
	v2 =	vadd.f32 v3, v2;
	v3 =	vadd.f32 $0.0e+00, v48  }
0x147: {  	v58 =	vld [tilespmem:s19+$0x130];
	v8 =	vadd.f32 v26, v8;
	v5 =	vadd.f32 v52, v9  }
0x148: {  	v61 =	vld [tilespmem:s19+$0xD0];
	v1 =	vadd.f32 v53, v1;
	v3 =	vadd.f32 v47, v3  }
0x149: {  	v60 =	vld [tilespmem:s19+$0xF0];
	v8 =	vadd.f32 v23, v8;
	v5 =	vadd.f32 v25, v5  }
0x14a: {  	v6 =	vadd.f32 v24, v6;
	v3 =	vadd.f32 v22, v3  }
0x14b: {  	v63 =	vadd.f32 v55, v8;
	v5 =	vadd.f32 v59, v5  }
0x14c: {  	v62 =	vadd.f32 v54, v6;
	v3 =	vadd.f32 v4, v3  }
0x14d: {  	v5 =	vadd.f32 v61, v5;
	v6 =	vadd.f32 v57, v63  }
0x14e: {  	v4 =	vadd.f32 v60, v62;
	v3 =	vadd.f32 v58, v3  }
0x14f: {  	v1 =	vadd.f32 v1, v2  }
0x150: {  	v2 =	vadd.f32 v4, v5;
	v3 =	vadd.f32 v3, v6;
	_ =	sdelay $0x1  }
0x151: {  	v1 =	vmul.f32 v1, v0;
	v2 =	vadd.f32 v3, v2  }
0x152: {  	s21 =	simm.s32 $0x0  }
0x153: {  	s20 =	simm.s32 $0x80;
	[tilespmem:s21+$0x16800] =	vst v1;
	v1 =	vmul.f32 v2, v0  }
.LBB2_7:
0x154: {  	p0 =	sne.s32 s20, $0x1F80  }
0x155: {  	s19 =	sadd.s32 $0x280, s19;
	[tilespmem:s21+$0x16810] =	vst v1;
	s21 =	smov.u32 s20;
	s20 =	sadd.s32 $0x80, s20  }
0x156: {  	v1 =	vld [tilespmem:s19+$0x80]  }
0x157: {  	v2 =	vld [tilespmem:s19+$0xC0]  }
0x158: {  	v3 =	vld [tilespmem:s19+$0xE0]  }
0x159: {  	v4 =	vld [tilespmem:s19+$0xB0]  }
0x15a: {  	v5 =	vld [tilespmem:s19+$0x60]  }
0x15b: {  	v6 =	vld [tilespmem:s19+$0x40]  }
0x15c: {  	v7 =	vld [tilespmem:s19+$0x20]  }
0x15d: {  	v8 =	vld [tilespmem:s19+$0xFFFFFFC0]  }
0x15e: {  	v9 =	vld [tilespmem:s19+$0x0]  }
0x15f: {  	v10 =	vld [tilespmem:s19+$0xFFFFFFA0]  }
0x160: {  	v11 =	vld [tilespmem:s19+$0xFFFFFFE0]  }
0x161: {  	v12 =	vld [tilespmem:s19+$0xFFFFFF60]  }
0x162: {  	v13 =	vld [tilespmem:s19+$0xFFFFFF80]  }
0x163: {  	v14 =	vld [tilespmem:s19+$0xFFFFFF40]  }
0x164: {  	v15 =	vld [tilespmem:s19+$0xFFFFFEC0]  }
0x165: {  	v16 =	vld [tilespmem:s19+$0xFFFFFF00]  }
0x166: {  	v17 =	vld [tilespmem:s19+$0xFFFFFEE0]  }
0x167: {  	v18 =	vld [tilespmem:s19+$0xFFFFFF20]  }
0x168: {  	v19 =	vld [tilespmem:s19+$0xA0]  }
0x169: {  	v20 =	vld [tilespmem:s19+$0x120]  }
0x16a: {  	v15 =	vadd.f32 $0.0e+00, v15;
	v16 =	vadd.f32 $0.0e+00, v16;
	v21 =	vld [tilespmem:s19+$0x100]  }
0x16b: {  	v17 =	vadd.f32 $0.0e+00, v17;
	v22 =	vld [tilespmem:s19+$0x30]  }
0x16c: {  	v14 =	vadd.f32 v14, v15;
	v13 =	vadd.f32 v13, v16;
	v15 =	vld [tilespmem:s19+$0x10]  }
0x16d: {  	v16 =	vadd.f32 $0.0e+00, v18;
	v12 =	vadd.f32 v12, v17;
	v17 =	vld [tilespmem:s19+$0xFFFFFFF0]  }
0x16e: {  	v8 =	vadd.f32 v8, v14;
	v14 =	vld [tilespmem:s19+$0xFFFFFFD0];
	v9 =	vadd.f32 v9, v13  }
0x16f: {  	v10 =	vadd.f32 v10, v16;
	v13 =	vld [tilespmem:s19+$0xFFFFFF90];
	v11 =	vadd.f32 v11, v12  }
0x170: {  	v6 =	vadd.f32 v6, v8;
	v12 =	vld [tilespmem:s19+$0xFFFFFF70];
	v1 =	vadd.f32 v1, v9  }
0x171: {  	v7 =	vadd.f32 v7, v10;
	v8 =	vld [tilespmem:s19+$0xFFFFFFB0];
	v5 =	vadd.f32 v5, v11  }
0x172: {  	v2 =	vadd.f32 v2, v6;
	v9 =	vld [tilespmem:s19+$0xFFFFFF30];
	v1 =	vadd.f32 v21, v1  }
0x173: {  	v7 =	vadd.f32 v19, v7;
	v6 =	vld [tilespmem:s19+$0xFFFFFEF0];
	v3 =	vadd.f32 v3, v5  }
0x174: {  	v5 =	vld [tilespmem:s19+$0xFFFFFF10]  }
0x175: {  	v7 =	vadd.f32 v20, v7;
	v10 =	vld [tilespmem:s19+$0xFFFFFED0];
	v2 =	vadd.f32 v3, v2  }
0x176: {  	v3 =	vld [tilespmem:s19+$0xFFFFFF50]  }
0x177: {  	v1 =	vadd.f32 v7, v1;
	v9 =	vadd.f32 $0.0e+00, v9;
	v11 =	vld [tilespmem:s19+$0x70]  }
0x178: {  	v6 =	vadd.f32 $0.0e+00, v6;
	v7 =	vld [tilespmem:s19+$0x90]  }
0x179: {  	v5 =	vadd.f32 $0.0e+00, v5;
	v8 =	vadd.f32 v8, v9;
	v9 =	vld [tilespmem:s19+$0x110]  }
0x17a: {  	v10 =	vadd.f32 $0.0e+00, v10;
	v6 =	vadd.f32 v12, v6;
	v12 =	vld [tilespmem:s19+$0x130]  }
0x17b: {  	v5 =	vadd.f32 v13, v5;
	v8 =	vadd.f32 v22, v8;
	v13 =	vld [tilespmem:s19+$0x50]  }
0x17c: {  	v3 =	vadd.f32 v3, v10;
	v6 =	vadd.f32 v17, v6;
	v10 =	vld [tilespmem:s19+$0xF0]  }
0x17d: {  	v5 =	vadd.f32 v15, v5;
	v4 =	vadd.f32 v4, v8;
	v8 =	vld [tilespmem:s19+$0xD0]  }
0x17e: {  	v1 =	vadd.f32 v1, v2;
	v3 =	vadd.f32 v14, v3  }
0x17f: {  	v2 =	vadd.f32 v11, v6;
	v5 =	vadd.f32 v7, v5  }
0x180: {  	v1 =	vmul.f32 v1, v0;
	v3 =	vadd.f32 v13, v3  }
0x181: {  	s21 =	sshra.s32 s21, $0x2;
	v4 =	vadd.f32 v12, v4;
	v2 =	vadd.f32 v10, v2  }
0x182: {  	v5 =	vadd.f32 v9, v5;
	v3 =	vadd.f32 v8, v3;
	[tilespmem:s21+$0x16800] =	vst v1;
	_ =	sdelay $0x1  }
.Ltmp2:
0x183: {  	v1 =	vadd.f32 v2, v3;
	v2 =	vadd.f32 v4, v5;
	(pc) =	sbr.rel @p0 .LBB2_7-.Ltmp2, $3  }
0x184: {  	_ = 	snop  }
0x185: {  	v1 =	vadd.f32 v2, v1;
	_ =	sdelay $0x1  }
0x186: {  	v1 =	vmul.f32 v1, v0  }
0x187: {  	s17 =	sadd.s32 $0x1, s17  }
0x188: {  	s18 =	sshll.u32 s18, $0x8;
	p0 =	sne.s32 s17, $0x4  }
.Ltmp3:
0x189: {  	[tilespmem:s21+$0x16810] =	vst v1;
	s18 =	sadd.s32 s18, s5;
	(pc) =	sbr.rel @p0 .LBB2_4-.Ltmp3, $4  }
0x18a: {  	[hbm4b:s18+s2] =	stream.linear.scatter [tilespmem:s14], [sflag:$0x3], $0x800, $0x38;
	[tilespmem:$0x17000] =	vst v63  }
0x18b: {  	_ =	swait.ge [sflag:s7], $0x800  }
0x18c: {  	[sflag:s7] =	ssyncset.done $0x0  }
0x18d: {  	[sflag:s7] =	ssyncadd.s32 $0xFFFFF800  }
0x18e: {  	s16 =	sadd.s32 $0x1, s16  }
0x18f: {  	p0 =	sne.s32 s16, s6  }
.Ltmp4:
0x190: {  	_ = 	snop;
	(pc) =	sbr.rel @p0 .LBB2_1-.Ltmp4, $1  }
0x191: {  	_ =	sdelay $0x3  }
0x192: {  	_ =	sfence.sel $0x180000  }
0x193: {  	[bflag:$0x0] =	sbarrier.arrive $0xFFFF  }
0x194: {  	_ =	strace $0x90000047  }
0x195: {  	s0 =	stileid.u32;
	[bflag:$0x2] =	sbarrier.arrive $0xFFFF  }
0x196: {  	p0 =	sne.s32 s0, $0x0;
	s0 =	rddreg [dreg:$0x2]  }
0x197: {  	s0 =	sadd.s32 @!p0 $0x100000, s0  }
0x198: {  	[sflag:s0] =	ssyncadd.tile.s32 @!p0 $0x1;
	_ =	shalt  }
.Lfunc_end2:
_tile_overlayer_lowered:
.L_overlay_start_2:
0x199: {  	(tag) =	ssettag $0x2  }
0x19a: {  	s0 =	rddreg [dreg:$0x0];
	s2 =	stileid.u32  }
0x19b: {  	s1 =	rddreg [dreg:$0x1];
	p0 =	sne.s32 s2, $0x0  }
0x19c: {  	s3 =	rddreg [dreg:$0x2];
	[bflag:$0x3] =	sbarrier.arrive $0xFFFF;
	s2 =	simm.s32 @!p0 $0x1C03  }
0x19d: {  	[timem:s3], [sflag:s2] =	dma.local @!p0 [hbm:s0], s1  }
0x19e: {  	s0 =	simm.s32 @!p0 $0x3  }
0x19f: {  	_ =	swait.ge @!p0 [sflag:s0], s1  }
0x1a0: {  	s1 =	ssub.s32 @!p0 $0x0, s1;
	[sflag:s0] =	ssyncset.done @!p0 $0x0  }
0x1a1: {  	[sflag:s0] =	ssyncadd.s32 @!p0 s1  }
0x1a2: {  	[bflag:$0x3] =	sbarrier.arrive $0xFFFF  }
0x1a3: {  	_ =	shalt  }

</sc_bundles>
